<compile_context>
chip_gen: v7x
topology: tpu7x:2x2x1
jax: 0.10.2.dev20260603
libtpu: 0.0.44.dev20260713+nightly
codegen_flags: <defaults>
</compile_context>

<pallas_src>
import jax
import jax.numpy as jnp
from jax import lax
from jax.experimental import pallas as pl
from jax.experimental.pallas import tpu as pltpu
from jax.experimental.pallas import tpu_sc as plsc

_DIM = 1024
_SCALE = _DIM ** (-0.5)

_NC = 2
_NS = 16
_NW = _NC * _NS
_LANES = 16

_ROWS = 8192
_ROWS_PER_W = _ROWS // _NW
_CHUNK_ROWS = 16
_NCHUNK = _ROWS_PER_W // _CHUNK_ROWS
_NBUF = 7
_AHEAD = _NBUF - 2
_VECS_PER_ROW = _DIM // _LANES


def _sc_scale_copy(src_hbm, out_hbm, *scratch):
    bufs = scratch[:_NBUF]
    rsems = scratch[_NBUF:2 * _NBUF]
    wsems = scratch[2 * _NBUF:]
    wid = lax.axis_index("s") * _NC + lax.axis_index("c")
    base = wid * _ROWS_PER_W

    def rows(k):
        return pl.ds(base + k * _CHUNK_ROWS, _CHUNK_ROWS)

    rd = [None] * _NCHUNK
    wr = [None] * _NCHUNK
    for k in range(_AHEAD):
        rd[k] = pltpu.async_copy(src_hbm.at[rows(k)], bufs[k % _NBUF], rsems[k % _NBUF])
    for k in range(_NCHUNK):
        par = k % _NBUF
        rd[k].wait()
        buf = bufs[par]

        @plsc.parallel_loop(0, _CHUNK_ROWS * _VECS_PER_ROW, 1, unroll=8)
        def _scale(i):
            r = i // _VECS_PER_ROW
            c = (i % _VECS_PER_ROW) * _LANES
            buf[r, pl.ds(c, _LANES)] = buf[r, pl.ds(c, _LANES)] * _SCALE

        wr[k] = pltpu.async_copy(buf, out_hbm.at[rows(k)], wsems[par])
        nk = k + _AHEAD
        if nk < _NCHUNK:
            if nk >= _NBUF:
                wr[nk - _NBUF].wait()
            rd[nk] = pltpu.async_copy(
                src_hbm.at[rows(nk)], bufs[nk % _NBUF], rsems[nk % _NBUF])
    for k in range(_NCHUNK - _NBUF, _NCHUNK):
        wr[k].wait()


def kernel(x, embed):
    seq_len = x.shape[1]
    mesh = plsc.VectorSubcoreMesh(
        core_axis_name="c", subcore_axis_name="s",
        num_cores=_NC, num_subcores=_NS,
    )
    run = pl.kernel(
        _sc_scale_copy,
        out_type=jax.ShapeDtypeStruct((seq_len, _DIM), jnp.float32),
        mesh=mesh,
        scratch_types=(
            [pltpu.VMEM((_CHUNK_ROWS, _DIM), jnp.float32)] * _NBUF
            + [pltpu.SemaphoreType.DMA] * (2 * _NBUF)
        ),
    )
    return run(embed)

# --- scband reference (transcript-rebuilt; emitter-appended) ---
"""Pipeline reference for scband-absolute-positional-embedding-60928406061515 (READ-ONLY COPY).

The authoritative reference and input builder live on the scoring server;
editing this copy changes nothing except your own understanding.
"""

import jax, jax.numpy as jnp
import numpy as np

DIM = 1024
MAX_SEQ_LEN = 8192

def setup_inputs(seed: int = 0) -> dict:
    key = jax.random.key(seed)
    k1, k2 = jax.random.split(key)
    x = jax.random.normal(k1, (4, 8192, DIM), dtype=jnp.float32)
    embed = jax.random.normal(k2, (MAX_SEQ_LEN, DIM), dtype=jnp.float32)
    return {"x": x, "embed": embed}

def reference(x, embed):
    seq_len = x.shape[1]
    scale = DIM ** (-0.5)
    pos = jnp.arange(seq_len)
    pos_embed = jnp.take(embed, pos, axis=0)
    pos_embed = pos_embed * scale
    return pos_embed

if __name__ == "__main__":
    import jax
    _d = setup_inputs()
    print(jax.jit(kernel)(*tuple(_d.values())))

</pallas_src>

<mosaic_0001>
#map = affine_map<(d0, d1) -> (0, 0)>
module attributes {stable_mosaic.version = 14 : i64} {
  func.func @_sc_scale_copy(%arg0: i32, %arg1: i32, %arg2: memref<8192x1024xf32, #tpu.memory_space<hbm>>, %arg3: memref<8192x1024xf32, #tpu.memory_space<hbm>>, %arg4: memref<16x1024xf32, #tpu.memory_space<vmem>>, %arg5: memref<16x1024xf32, #tpu.memory_space<vmem>>, %arg6: memref<16x1024xf32, #tpu.memory_space<vmem>>, %arg7: memref<16x1024xf32, #tpu.memory_space<vmem>>, %arg8: memref<16x1024xf32, #tpu.memory_space<vmem>>, %arg9: memref<16x1024xf32, #tpu.memory_space<vmem>>, %arg10: memref<16x1024xf32, #tpu.memory_space<vmem>>, %arg11: memref<!tpu.dma_semaphore, #tpu.memory_space<semaphore_mem>>, %arg12: memref<!tpu.dma_semaphore, #tpu.memory_space<semaphore_mem>>, %arg13: memref<!tpu.dma_semaphore, #tpu.memory_space<semaphore_mem>>, %arg14: memref<!tpu.dma_semaphore, #tpu.memory_space<semaphore_mem>>, %arg15: memref<!tpu.dma_semaphore, #tpu.memory_space<semaphore_mem>>, %arg16: memref<!tpu.dma_semaphore, #tpu.memory_space<semaphore_mem>>, %arg17: memref<!tpu.dma_semaphore, #tpu.memory_space<semaphore_mem>>, %arg18: memref<!tpu.dma_semaphore, #tpu.memory_space<semaphore_mem>>, %arg19: memref<!tpu.dma_semaphore, #tpu.memory_space<semaphore_mem>>, %arg20: memref<!tpu.dma_semaphore, #tpu.memory_space<semaphore_mem>>, %arg21: memref<!tpu.dma_semaphore, #tpu.memory_space<semaphore_mem>>, %arg22: memref<!tpu.dma_semaphore, #tpu.memory_space<semaphore_mem>>, %arg23: memref<!tpu.dma_semaphore, #tpu.memory_space<semaphore_mem>>, %arg24: memref<!tpu.dma_semaphore, #tpu.memory_space<semaphore_mem>>) attributes {dimension_semantics = [#tpu.dimension_semantics<core_parallel>, #tpu.dimension_semantics<subcore_parallel>], iteration_bounds = array<i64: 2, 16>, scalar_prefetch = 0 : i64, scratch_operands = 21 : i64, tpu.core_type = #tpu.core_type<sc_vector_subcore>, window_params = [{transform_indices = #map}, {transform_indices = #map}]} {
    %mul3A = arith.constant 2 : i32
    %mul3A_0 = arith.muli %arg1, %mul3A : i32
    %add3A = arith.addi %mul3A_0, %arg0 : i32
    %mul3A_1 = arith.constant 256 : i32
    %mul3A_2 = arith.muli %add3A, %mul3A_1 : i32
    %add3A_3 = arith.constant 0 : i32
    %add3A_4 = arith.addi %mul3A_2, %add3A_3 : i32
    %dma_start3A = arith.constant 0 : i32
    %dma_start3A_5 = tpu.memref_slice %arg2[%add3A_4, %dma_start3A] : memref<8192x1024xf32, #tpu.memory_space<hbm>> -> memref<16x1024xf32, #tpu.memory_space<hbm>>
    %dma_start3A_6 = arith.constant 0 : i32
    %dma_start3A_7 = tpu.memref_slice %arg2[%add3A_4, %dma_start3A_6] : memref<8192x1024xf32, #tpu.memory_space<hbm>> -> memref<16x1024xf32, #tpu.memory_space<hbm>>
    tpu.enqueue_dma source(%dma_start3A_7 : memref<16x1024xf32, #tpu.memory_space<hbm>>) target(%arg4 : memref<16x1024xf32, #tpu.memory_space<vmem>>) target_semaphore(%arg11 : memref<!tpu.dma_semaphore, #tpu.memory_space<semaphore_mem>>)
    %add3A_8 = arith.constant 16 : i32
    %add3A_9 = arith.addi %mul3A_2, %add3A_8 : i32
    %dma_start3A_10 = arith.constant 0 : i32
    %dma_start3A_11 = tpu.memref_slice %arg2[%add3A_9, %dma_start3A_10] : memref<8192x1024xf32, #tpu.memory_space<hbm>> -> memref<16x1024xf32, #tpu.memory_space<hbm>>
    %dma_start3A_12 = arith.constant 0 : i32
    %dma_start3A_13 = tpu.memref_slice %arg2[%add3A_9, %dma_start3A_12] : memref<8192x1024xf32, #tpu.memory_space<hbm>> -> memref<16x1024xf32, #tpu.memory_space<hbm>>
    tpu.enqueue_dma source(%dma_start3A_13 : memref<16x1024xf32, #tpu.memory_space<hbm>>) target(%arg5 : memref<16x1024xf32, #tpu.memory_space<vmem>>) target_semaphore(%arg12 : memref<!tpu.dma_semaphore, #tpu.memory_space<semaphore_mem>>)
    %add3A_14 = arith.constant 32 : i32
    %add3A_15 = arith.addi %mul3A_2, %add3A_14 : i32
    %dma_start3A_16 = arith.constant 0 : i32
    %dma_start3A_17 = tpu.memref_slice %arg2[%add3A_15, %dma_start3A_16] : memref<8192x1024xf32, #tpu.memory_space<hbm>> -> memref<16x1024xf32, #tpu.memory_space<hbm>>
    %dma_start3A_18 = arith.constant 0 : i32
    %dma_start3A_19 = tpu.memref_slice %arg2[%add3A_15, %dma_start3A_18] : memref<8192x1024xf32, #tpu.memory_space<hbm>> -> memref<16x1024xf32, #tpu.memory_space<hbm>>
    tpu.enqueue_dma source(%dma_start3A_19 : memref<16x1024xf32, #tpu.memory_space<hbm>>) target(%arg6 : memref<16x1024xf32, #tpu.memory_space<vmem>>) target_semaphore(%arg13 : memref<!tpu.dma_semaphore, #tpu.memory_space<semaphore_mem>>)
    %add3A_20 = arith.constant 48 : i32
    %add3A_21 = arith.addi %mul3A_2, %add3A_20 : i32
    %dma_start3A_22 = arith.constant 0 : i32
    %dma_start3A_23 = tpu.memref_slice %arg2[%add3A_21, %dma_start3A_22] : memref<8192x1024xf32, #tpu.memory_space<hbm>> -> memref<16x1024xf32, #tpu.memory_space<hbm>>
    %dma_start3A_24 = arith.constant 0 : i32
    %dma_start3A_25 = tpu.memref_slice %arg2[%add3A_21, %dma_start3A_24] : memref<8192x1024xf32, #tpu.memory_space<hbm>> -> memref<16x1024xf32, #tpu.memory_space<hbm>>
    tpu.enqueue_dma source(%dma_start3A_25 : memref<16x1024xf32, #tpu.memory_space<hbm>>) target(%arg7 : memref<16x1024xf32, #tpu.memory_space<vmem>>) target_semaphore(%arg14 : memref<!tpu.dma_semaphore, #tpu.memory_space<semaphore_mem>>)
    %add3A_26 = arith.constant 64 : i32
    %add3A_27 = arith.addi %mul3A_2, %add3A_26 : i32
    %dma_start3A_28 = arith.constant 0 : i32
    %dma_start3A_29 = tpu.memref_slice %arg2[%add3A_27, %dma_start3A_28] : memref<8192x1024xf32, #tpu.memory_space<hbm>> -> memref<16x1024xf32, #tpu.memory_space<hbm>>
    %dma_start3A_30 = arith.constant 0 : i32
    %dma_start3A_31 = tpu.memref_slice %arg2[%add3A_27, %dma_start3A_30] : memref<8192x1024xf32, #tpu.memory_space<hbm>> -> memref<16x1024xf32, #tpu.memory_space<hbm>>
    tpu.enqueue_dma source(%dma_start3A_31 : memref<16x1024xf32, #tpu.memory_space<hbm>>) target(%arg8 : memref<16x1024xf32, #tpu.memory_space<vmem>>) target_semaphore(%arg15 : memref<!tpu.dma_semaphore, #tpu.memory_space<semaphore_mem>>)
    %dma_wait3A = arith.constant 0 : i32
    %dma_wait3A_32 = tpu.memref_slice %arg2[%add3A_4, %dma_wait3A] : memref<8192x1024xf32, #tpu.memory_space<hbm>> -> memref<16x1024xf32, #tpu.memory_space<hbm>>
    %dma_wait3A_33 = arith.constant 0 : i32
    %dma_wait3A_34 = tpu.memref_slice %arg2[%add3A_4, %dma_wait3A_33] : memref<8192x1024xf32, #tpu.memory_space<hbm>> -> memref<16x1024xf32, #tpu.memory_space<hbm>>
    tpu.wait_dma2 semaphore(%arg11 : memref<!tpu.dma_semaphore, #tpu.memory_space<semaphore_mem>>) src(%dma_wait3A_34 : memref<16x1024xf32, #tpu.memory_space<hbm>>) dst(%arg4 : memref<16x1024xf32, #tpu.memory_space<vmem>>)
    %parallel_loop3A = arith.constant 0 : i32
    %parallel_loop3A_35 = arith.constant 1024 : i32
    %parallel_loop3A_36 = arith.constant 1 : i32
    scf.for %parallel_loop3A_368 = %parallel_loop3A to %parallel_loop3A_35 step %parallel_loop3A_36  : i32 {
      %parallel_loop3A_369 = arith.constant 64 : i32
      %parallel_loop3A_370 = arith.divsi %parallel_loop3A_368, %parallel_loop3A_369 : i32
      %parallel_loop3A_371 = arith.constant 0 : i32
      %parallel_loop3A_372 = arith.cmpi sgt, %parallel_loop3A_368, %parallel_loop3A_371 : i32
      %parallel_loop3A_373 = arith.extui %parallel_loop3A_372 : i1 to i32
      %parallel_loop3A_374 = arith.constant 0 : i32
      %parallel_loop3A_375 = arith.cmpi slt, %parallel_loop3A_368, %parallel_loop3A_374 : i32
      %parallel_loop3A_376 = arith.extui %parallel_loop3A_375 : i1 to i32
      %parallel_loop3A_377 = arith.subi %parallel_loop3A_373, %parallel_loop3A_376 : i32
      %parallel_loop3A_378 = arith.constant 0 : i32
      %parallel_loop3A_379 = arith.cmpi sgt, %parallel_loop3A_369, %parallel_loop3A_378 : i32
      %parallel_loop3A_380 = arith.extui %parallel_loop3A_379 : i1 to i32
      %parallel_loop3A_381 = arith.constant 0 : i32
      %parallel_loop3A_382 = arith.cmpi slt, %parallel_loop3A_369, %parallel_loop3A_381 : i32
      %parallel_loop3A_383 = arith.extui %parallel_loop3A_382 : i1 to i32
      %parallel_loop3A_384 = arith.subi %parallel_loop3A_380, %parallel_loop3A_383 : i32
      %parallel_loop3A_385 = arith.cmpi ne, %parallel_loop3A_377, %parallel_loop3A_384 : i32
      %parallel_loop3A_386 = arith.remsi %parallel_loop3A_368, %parallel_loop3A_369 : i32
      %parallel_loop3A_387 = arith.constant 0 : i32
      %parallel_loop3A_388 = arith.cmpi ne, %parallel_loop3A_386, %parallel_loop3A_387 : i32
      %parallel_loop3A_389 = arith.andi %parallel_loop3A_385, %parallel_loop3A_388 : i1
      %parallel_loop3A_390 = arith.constant 1 : i32
      %parallel_loop3A_391 = arith.subi %parallel_loop3A_370, %parallel_loop3A_390 : i32
      %parallel_loop3A_392 = arith.select %parallel_loop3A_389, %parallel_loop3A_391, %parallel_loop3A_370 : i32
      %parallel_loop3A_393 = arith.constant 64 : i32
      %parallel_loop3A_394 = arith.constant 0 : i32
      %parallel_loop3A_395 = arith.cmpi eq, %parallel_loop3A_393, %parallel_loop3A_394 : i32
      %parallel_loop3A_396 = arith.constant 1 : i32
      %parallel_loop3A_397 = arith.select %parallel_loop3A_395, %parallel_loop3A_396, %parallel_loop3A_393 : i32
      %parallel_loop3A_398 = arith.remsi %parallel_loop3A_368, %parallel_loop3A_397 : i32
      %parallel_loop3A_399 = arith.constant 0 : i32
      %parallel_loop3A_400 = arith.cmpi ne, %parallel_loop3A_398, %parallel_loop3A_399 : i32
      %parallel_loop3A_401 = arith.constant 0 : i32
      %parallel_loop3A_402 = arith.cmpi slt, %parallel_loop3A_398, %parallel_loop3A_401 : i32
      %parallel_loop3A_403 = arith.constant 0 : i32
      %parallel_loop3A_404 = arith.cmpi slt, %parallel_loop3A_397, %parallel_loop3A_403 : i32
      %parallel_loop3A_405 = arith.xori %parallel_loop3A_402, %parallel_loop3A_404 : i1
      %parallel_loop3A_406 = arith.andi %parallel_loop3A_405, %parallel_loop3A_400 : i1
      %parallel_loop3A_407 = arith.addi %parallel_loop3A_398, %parallel_loop3A_397 : i32
      %parallel_loop3A_408 = arith.select %parallel_loop3A_406, %parallel_loop3A_407, %parallel_loop3A_398 : i32
      %parallel_loop3A_409 = arith.constant 16 : i32
      %parallel_loop3A_410 = arith.muli %parallel_loop3A_408, %parallel_loop3A_409 : i32
      %parallel_loop3A_411 = arith.index_cast %parallel_loop3A_392 : i32 to index
      %parallel_loop3A_412 = arith.index_cast %parallel_loop3A_410 : i32 to index
      %parallel_loop3A_413 = tpu.vector_load %arg4[%parallel_loop3A_411, %parallel_loop3A_412] {strides = array<i32>} : memref<16x1024xf32, #tpu.memory_space<vmem>>, vector<1x16xf32>,
      %parallel_loop3A_414 = vector.shape_cast %parallel_loop3A_413 : vector<1x16xf32> to vector<16xf32>
      %parallel_loop3A_415 = arith.constant 3.125000e-02 : f32
      %parallel_loop3A_416 = vector.broadcast %parallel_loop3A_415 : f32 to vector<16xf32>
      %parallel_loop3A_417 = arith.mulf %parallel_loop3A_414, %parallel_loop3A_416 : vector<16xf32>
      %parallel_loop3A_418 = arith.index_cast %parallel_loop3A_392 : i32 to index
      %parallel_loop3A_419 = arith.index_cast %parallel_loop3A_410 : i32 to index
      %parallel_loop3A_420 = tpu.vector_load %arg4[%parallel_loop3A_418, %parallel_loop3A_419] {strides = array<i32>} : memref<16x1024xf32, #tpu.memory_space<vmem>>, vector<1x16xf32>,
      %parallel_loop3A_421 = vector.shape_cast %parallel_loop3A_420 : vector<1x16xf32> to vector<16xf32>
      %parallel_loop3A_422 = vector.shape_cast %parallel_loop3A_417 : vector<16xf32> to vector<1x16xf32>
      tpu.vector_store %arg4[%parallel_loop3A_418, %parallel_loop3A_419], %parallel_loop3A_422 {strides = array<i32>} : memref<16x1024xf32, #tpu.memory_space<vmem>>, vector<1x16xf32>,
    } {sc.loop_unroll_factor = 8 : i64, sc.parallel_access}
    %add3A_37 = arith.constant 0 : i32
    %add3A_38 = arith.addi %mul3A_2, %add3A_37 : i32
    %dma_start3A_39 = arith.constant 0 : i32
    %dma_start3A_40 = tpu.memref_slice %arg3[%add3A_38, %dma_start3A_39] : memref<8192x1024xf32, #tpu.memory_space<hbm>> -> memref<16x1024xf32, #tpu.memory_space<hbm>>
    %dma_start3A_41 = arith.constant 0 : i32
    %dma_start3A_42 = tpu.memref_slice %arg3[%add3A_38, %dma_start3A_41] : memref<8192x1024xf32, #tpu.memory_space<hbm>> -> memref<16x1024xf32, #tpu.memory_space<hbm>>
    tpu.enqueue_dma source(%arg4 : memref<16x1024xf32, #tpu.memory_space<vmem>>) target(%dma_start3A_42 : memref<16x1024xf32, #tpu.memory_space<hbm>>) target_semaphore(%arg18 : memref<!tpu.dma_semaphore, #tpu.memory_space<semaphore_mem>>)
    %add3A_43 = arith.constant 80 : i32
    %add3A_44 = arith.addi %mul3A_2, %add3A_43 : i32
    %dma_start3A_45 = arith.constant 0 : i32
    %dma_start3A_46 = tpu.memref_slice %arg2[%add3A_44, %dma_start3A_45] : memref<8192x1024xf32, #tpu.memory_space<hbm>> -> memref<16x1024xf32, #tpu.memory_space<hbm>>
    %dma_start3A_47 = arith.constant 0 : i32
    %dma_start3A_48 = tpu.memref_slice %arg2[%add3A_44, %dma_start3A_47] : memref<8192x1024xf32, #tpu.memory_space<hbm>> -> memref<16x1024xf32, #tpu.memory_space<hbm>>
    tpu.enqueue_dma source(%dma_start3A_48 : memref<16x1024xf32, #tpu.memory_space<hbm>>) target(%arg9 : memref<16x1024xf32, #tpu.memory_space<vmem>>) target_semaphore(%arg16 : memref<!tpu.dma_semaphore, #tpu.memory_space<semaphore_mem>>)
    %dma_wait3A_49 = arith.constant 0 : i32
    %dma_wait3A_50 = tpu.memref_slice %arg2[%add3A_9, %dma_wait3A_49] : memref<8192x1024xf32, #tpu.memory_space<hbm>> -> memref<16x1024xf32, #tpu.memory_space<hbm>>
    %dma_wait3A_51 = arith.constant 0 : i32
    %dma_wait3A_52 = tpu.memref_slice %arg2[%add3A_9, %dma_wait3A_51] : memref<8192x1024xf32, #tpu.memory_space<hbm>> -> memref<16x1024xf32, #tpu.memory_space<hbm>>
    tpu.wait_dma2 semaphore(%arg12 : memref<!tpu.dma_semaphore, #tpu.memory_space<semaphore_mem>>) src(%dma_wait3A_52 : memref<16x1024xf32, #tpu.memory_space<hbm>>) dst(%arg5 : memref<16x1024xf32, #tpu.memory_space<vmem>>)
    %parallel_loop3A_53 = arith.constant 0 : i32
    %parallel_loop3A_54 = arith.constant 1024 : i32
    %parallel_loop3A_55 = arith.constant 1 : i32
    scf.for %parallel_loop3A_368 = %parallel_loop3A_53 to %parallel_loop3A_54 step %parallel_loop3A_55  : i32 {
      %parallel_loop3A_369 = arith.constant 64 : i32
      %parallel_loop3A_370 = arith.divsi %parallel_loop3A_368, %parallel_loop3A_369 : i32
      %parallel_loop3A_371 = arith.constant 0 : i32
      %parallel_loop3A_372 = arith.cmpi sgt, %parallel_loop3A_368, %parallel_loop3A_371 : i32
      %parallel_loop3A_373 = arith.extui %parallel_loop3A_372 : i1 to i32
      %parallel_loop3A_374 = arith.constant 0 : i32
      %parallel_loop3A_375 = arith.cmpi slt, %parallel_loop3A_368, %parallel_loop3A_374 : i32
      %parallel_loop3A_376 = arith.extui %parallel_loop3A_375 : i1 to i32
      %parallel_loop3A_377 = arith.subi %parallel_loop3A_373, %parallel_loop3A_376 : i32
      %parallel_loop3A_378 = arith.constant 0 : i32
      %parallel_loop3A_379 = arith.cmpi sgt, %parallel_loop3A_369, %parallel_loop3A_378 : i32
      %parallel_loop3A_380 = arith.extui %parallel_loop3A_379 : i1 to i32
      %parallel_loop3A_381 = arith.constant 0 : i32
      %parallel_loop3A_382 = arith.cmpi slt, %parallel_loop3A_369, %parallel_loop3A_381 : i32
      %parallel_loop3A_383 = arith.extui %parallel_loop3A_382 : i1 to i32
      %parallel_loop3A_384 = arith.subi %parallel_loop3A_380, %parallel_loop3A_383 : i32
      %parallel_loop3A_385 = arith.cmpi ne, %parallel_loop3A_377, %parallel_loop3A_384 : i32
      %parallel_loop3A_386 = arith.remsi %parallel_loop3A_368, %parallel_loop3A_369 : i32
      %parallel_loop3A_387 = arith.constant 0 : i32
      %parallel_loop3A_388 = arith.cmpi ne, %parallel_loop3A_386, %parallel_loop3A_387 : i32
      %parallel_loop3A_389 = arith.andi %parallel_loop3A_385, %parallel_loop3A_388 : i1
      %parallel_loop3A_390 = arith.constant 1 : i32
      %parallel_loop3A_391 = arith.subi %parallel_loop3A_370, %parallel_loop3A_390 : i32
      %parallel_loop3A_392 = arith.select %parallel_loop3A_389, %parallel_loop3A_391, %parallel_loop3A_370 : i32
      %parallel_loop3A_393 = arith.constant 64 : i32
      %parallel_loop3A_394 = arith.constant 0 : i32
      %parallel_loop3A_395 = arith.cmpi eq, %parallel_loop3A_393, %parallel_loop3A_394 : i32
      %parallel_loop3A_396 = arith.constant 1 : i32
      %parallel_loop3A_397 = arith.select %parallel_loop3A_395, %parallel_loop3A_396, %parallel_loop3A_393 : i32
      %parallel_loop3A_398 = arith.remsi %parallel_loop3A_368, %parallel_loop3A_397 : i32
      %parallel_loop3A_399 = arith.constant 0 : i32
      %parallel_loop3A_400 = arith.cmpi ne, %parallel_loop3A_398, %parallel_loop3A_399 : i32
      %parallel_loop3A_401 = arith.constant 0 : i32
      %parallel_loop3A_402 = arith.cmpi slt, %parallel_loop3A_398, %parallel_loop3A_401 : i32
      %parallel_loop3A_403 = arith.constant 0 : i32
      %parallel_loop3A_404 = arith.cmpi slt, %parallel_loop3A_397, %parallel_loop3A_403 : i32
      %parallel_loop3A_405 = arith.xori %parallel_loop3A_402, %parallel_loop3A_404 : i1
      %parallel_loop3A_406 = arith.andi %parallel_loop3A_405, %parallel_loop3A_400 : i1
      %parallel_loop3A_407 = arith.addi %parallel_loop3A_398, %parallel_loop3A_397 : i32
      %parallel_loop3A_408 = arith.select %parallel_loop3A_406, %parallel_loop3A_407, %parallel_loop3A_398 : i32
      %parallel_loop3A_409 = arith.constant 16 : i32
      %parallel_loop3A_410 = arith.muli %parallel_loop3A_408, %parallel_loop3A_409 : i32
      %parallel_loop3A_411 = arith.index_cast %parallel_loop3A_392 : i32 to index
      %parallel_loop3A_412 = arith.index_cast %parallel_loop3A_410 : i32 to index
      %parallel_loop3A_413 = tpu.vector_load %arg5[%parallel_loop3A_411, %parallel_loop3A_412] {strides = array<i32>} : memref<16x1024xf32, #tpu.memory_space<vmem>>, vector<1x16xf32>,
      %parallel_loop3A_414 = vector.shape_cast %parallel_loop3A_413 : vector<1x16xf32> to vector<16xf32>
      %parallel_loop3A_415 = arith.constant 3.125000e-02 : f32
      %parallel_loop3A_416 = vector.broadcast %parallel_loop3A_415 : f32 to vector<16xf32>
      %parallel_loop3A_417 = arith.mulf %parallel_loop3A_414, %parallel_loop3A_416 : vector<16xf32>
      %parallel_loop3A_418 = arith.index_cast %parallel_loop3A_392 : i32 to index
      %parallel_loop3A_419 = arith.index_cast %parallel_loop3A_410 : i32 to index
      %parallel_loop3A_420 = tpu.vector_load %arg5[%parallel_loop3A_418, %parallel_loop3A_419] {strides = array<i32>} : memref<16x1024xf32, #tpu.memory_space<vmem>>, vector<1x16xf32>,
      %parallel_loop3A_421 = vector.shape_cast %parallel_loop3A_420 : vector<1x16xf32> to vector<16xf32>
      %parallel_loop3A_422 = vector.shape_cast %parallel_loop3A_417 : vector<16xf32> to vector<1x16xf32>
      tpu.vector_store %arg5[%parallel_loop3A_418, %parallel_loop3A_419], %parallel_loop3A_422 {strides = array<i32>} : memref<16x1024xf32, #tpu.memory_space<vmem>>, vector<1x16xf32>,
    } {sc.loop_unroll_factor = 8 : i64, sc.parallel_access}
    %add3A_56 = arith.constant 16 : i32
    %add3A_57 = arith.addi %mul3A_2, %add3A_56 : i32
    %dma_start3A_58 = arith.constant 0 : i32
    %dma_start3A_59 = tpu.memref_slice %arg3[%add3A_57, %dma_start3A_58] : memref<8192x1024xf32, #tpu.memory_space<hbm>> -> memref<16x1024xf32, #tpu.memory_space<hbm>>
    %dma_start3A_60 = arith.constant 0 : i32
    %dma_start3A_61 = tpu.memref_slice %arg3[%add3A_57, %dma_start3A_60] : memref<8192x1024xf32, #tpu.memory_space<hbm>> -> memref<16x1024xf32, #tpu.memory_space<hbm>>
    tpu.enqueue_dma source(%arg5 : memref<16x1024xf32, #tpu.memory_space<vmem>>) target(%dma_start3A_61 : memref<16x1024xf32, #tpu.memory_space<hbm>>) target_semaphore(%arg19 : memref<!tpu.dma_semaphore, #tpu.memory_space<semaphore_mem>>)
    %add3A_62 = arith.constant 96 : i32
    %add3A_63 = arith.addi %mul3A_2, %add3A_62 : i32
    %dma_start3A_64 = arith.constant 0 : i32
    %dma_start3A_65 = tpu.memref_slice %arg2[%add3A_63, %dma_start3A_64] : memref<8192x1024xf32, #tpu.memory_space<hbm>> -> memref<16x1024xf32, #tpu.memory_space<hbm>>
    %dma_start3A_66 = arith.constant 0 : i32
    %dma_start3A_67 = tpu.memref_slice %arg2[%add3A_63, %dma_start3A_66] : memref<8192x1024xf32, #tpu.memory_space<hbm>> -> memref<16x1024xf32, #tpu.memory_space<hbm>>
    tpu.enqueue_dma source(%dma_start3A_67 : memref<16x1024xf32, #tpu.memory_space<hbm>>) target(%arg10 : memref<16x1024xf32, #tpu.memory_space<vmem>>) target_semaphore(%arg17 : memref<!tpu.dma_semaphore, #tpu.memory_space<semaphore_mem>>)
    %dma_wait3A_68 = arith.constant 0 : i32
    %dma_wait3A_69 = tpu.memref_slice %arg2[%add3A_15, %dma_wait3A_68] : memref<8192x1024xf32, #tpu.memory_space<hbm>> -> memref<16x1024xf32, #tpu.memory_space<hbm>>
    %dma_wait3A_70 = arith.constant 0 : i32
    %dma_wait3A_71 = tpu.memref_slice %arg2[%add3A_15, %dma_wait3A_70] : memref<8192x1024xf32, #tpu.memory_space<hbm>> -> memref<16x1024xf32, #tpu.memory_space<hbm>>
    tpu.wait_dma2 semaphore(%arg13 : memref<!tpu.dma_semaphore, #tpu.memory_space<semaphore_mem>>) src(%dma_wait3A_71 : memref<16x1024xf32, #tpu.memory_space<hbm>>) dst(%arg6 : memref<16x1024xf32, #tpu.memory_space<vmem>>)
    %parallel_loop3A_72 = arith.constant 0 : i32
    %parallel_loop3A_73 = arith.constant 1024 : i32
    %parallel_loop3A_74 = arith.constant 1 : i32
    scf.for %parallel_loop3A_368 = %parallel_loop3A_72 to %parallel_loop3A_73 step %parallel_loop3A_74  : i32 {
      %parallel_loop3A_369 = arith.constant 64 : i32
      %parallel_loop3A_370 = arith.divsi %parallel_loop3A_368, %parallel_loop3A_369 : i32
      %parallel_loop3A_371 = arith.constant 0 : i32
      %parallel_loop3A_372 = arith.cmpi sgt, %parallel_loop3A_368, %parallel_loop3A_371 : i32
      %parallel_loop3A_373 = arith.extui %parallel_loop3A_372 : i1 to i32
      %parallel_loop3A_374 = arith.constant 0 : i32
      %parallel_loop3A_375 = arith.cmpi slt, %parallel_loop3A_368, %parallel_loop3A_374 : i32
      %parallel_loop3A_376 = arith.extui %parallel_loop3A_375 : i1 to i32
      %parallel_loop3A_377 = arith.subi %parallel_loop3A_373, %parallel_loop3A_376 : i32
      %parallel_loop3A_378 = arith.constant 0 : i32
      %parallel_loop3A_379 = arith.cmpi sgt, %parallel_loop3A_369, %parallel_loop3A_378 : i32
      %parallel_loop3A_380 = arith.extui %parallel_loop3A_379 : i1 to i32
      %parallel_loop3A_381 = arith.constant 0 : i32
      %parallel_loop3A_382 = arith.cmpi slt, %parallel_loop3A_369, %parallel_loop3A_381 : i32
      %parallel_loop3A_383 = arith.extui %parallel_loop3A_382 : i1 to i32
      %parallel_loop3A_384 = arith.subi %parallel_loop3A_380, %parallel_loop3A_383 : i32
      %parallel_loop3A_385 = arith.cmpi ne, %parallel_loop3A_377, %parallel_loop3A_384 : i32
      %parallel_loop3A_386 = arith.remsi %parallel_loop3A_368, %parallel_loop3A_369 : i32
      %parallel_loop3A_387 = arith.constant 0 : i32
      %parallel_loop3A_388 = arith.cmpi ne, %parallel_loop3A_386, %parallel_loop3A_387 : i32
      %parallel_loop3A_389 = arith.andi %parallel_loop3A_385, %parallel_loop3A_388 : i1
      %parallel_loop3A_390 = arith.constant 1 : i32
      %parallel_loop3A_391 = arith.subi %parallel_loop3A_370, %parallel_loop3A_390 : i32
      %parallel_loop3A_392 = arith.select %parallel_loop3A_389, %parallel_loop3A_391, %parallel_loop3A_370 : i32
      %parallel_loop3A_393 = arith.constant 64 : i32
      %parallel_loop3A_394 = arith.constant 0 : i32
      %parallel_loop3A_395 = arith.cmpi eq, %parallel_loop3A_393, %parallel_loop3A_394 : i32
      %parallel_loop3A_396 = arith.constant 1 : i32
      %parallel_loop3A_397 = arith.select %parallel_loop3A_395, %parallel_loop3A_396, %parallel_loop3A_393 : i32
      %parallel_loop3A_398 = arith.remsi %parallel_loop3A_368, %parallel_loop3A_397 : i32
      %parallel_loop3A_399 = arith.constant 0 : i32
      %parallel_loop3A_400 = arith.cmpi ne, %parallel_loop3A_398, %parallel_loop3A_399 : i32
      %parallel_loop3A_401 = arith.constant 0 : i32
      %parallel_loop3A_402 = arith.cmpi slt, %parallel_loop3A_398, %parallel_loop3A_401 : i32
      %parallel_loop3A_403 = arith.constant 0 : i32
      %parallel_loop3A_404 = arith.cmpi slt, %parallel_loop3A_397, %parallel_loop3A_403 : i32
      %parallel_loop3A_405 = arith.xori %parallel_loop3A_402, %parallel_loop3A_404 : i1
      %parallel_loop3A_406 = arith.andi %parallel_loop3A_405, %parallel_loop3A_400 : i1
      %parallel_loop3A_407 = arith.addi %parallel_loop3A_398, %parallel_loop3A_397 : i32
      %parallel_loop3A_408 = arith.select %parallel_loop3A_406, %parallel_loop3A_407, %parallel_loop3A_398 : i32
      %parallel_loop3A_409 = arith.constant 16 : i32
      %parallel_loop3A_410 = arith.muli %parallel_loop3A_408, %parallel_loop3A_409 : i32
      %parallel_loop3A_411 = arith.index_cast %parallel_loop3A_392 : i32 to index
      %parallel_loop3A_412 = arith.index_cast %parallel_loop3A_410 : i32 to index
      %parallel_loop3A_413 = tpu.vector_load %arg6[%parallel_loop3A_411, %parallel_loop3A_412] {strides = array<i32>} : memref<16x1024xf32, #tpu.memory_space<vmem>>, vector<1x16xf32>,
      %parallel_loop3A_414 = vector.shape_cast %parallel_loop3A_413 : vector<1x16xf32> to vector<16xf32>
      %parallel_loop3A_415 = arith.constant 3.125000e-02 : f32
      %parallel_loop3A_416 = vector.broadcast %parallel_loop3A_415 : f32 to vector<16xf32>
      %parallel_loop3A_417 = arith.mulf %parallel_loop3A_414, %parallel_loop3A_416 : vector<16xf32>
      %parallel_loop3A_418 = arith.index_cast %parallel_loop3A_392 : i32 to index
      %parallel_loop3A_419 = arith.index_cast %parallel_loop3A_410 : i32 to index
      %parallel_loop3A_420 = tpu.vector_load %arg6[%parallel_loop3A_418, %parallel_loop3A_419] {strides = array<i32>} : memref<16x1024xf32, #tpu.memory_space<vmem>>, vector<1x16xf32>,
      %parallel_loop3A_421 = vector.shape_cast %parallel_loop3A_420 : vector<1x16xf32> to vector<16xf32>
      %parallel_loop3A_422 = vector.shape_cast %parallel_loop3A_417 : vector<16xf32> to vector<1x16xf32>
      tpu.vector_store %arg6[%parallel_loop3A_418, %parallel_loop3A_419], %parallel_loop3A_422 {strides = array<i32>} : memref<16x1024xf32, #tpu.memory_space<vmem>>, vector<1x16xf32>,
    } {sc.loop_unroll_factor = 8 : i64, sc.parallel_access}
    %add3A_75 = arith.constant 32 : i32
    %add3A_76 = arith.addi %mul3A_2, %add3A_75 : i32
    %dma_start3A_77 = arith.constant 0 : i32
    %dma_start3A_78 = tpu.memref_slice %arg3[%add3A_76, %dma_start3A_77] : memref<8192x1024xf32, #tpu.memory_space<hbm>> -> memref<16x1024xf32, #tpu.memory_space<hbm>>
    %dma_start3A_79 = arith.constant 0 : i32
    %dma_start3A_80 = tpu.memref_slice %arg3[%add3A_76, %dma_start3A_79] : memref<8192x1024xf32, #tpu.memory_space<hbm>> -> memref<16x1024xf32, #tpu.memory_space<hbm>>
    tpu.enqueue_dma source(%arg6 : memref<16x1024xf32, #tpu.memory_space<vmem>>) target(%dma_start3A_80 : memref<16x1024xf32, #tpu.memory_space<hbm>>) target_semaphore(%arg20 : memref<!tpu.dma_semaphore, #tpu.memory_space<semaphore_mem>>)
    %dma_wait3A_81 = arith.constant 0 : i32
    %dma_wait3A_82 = tpu.memref_slice %arg3[%add3A_38, %dma_wait3A_81] : memref<8192x1024xf32, #tpu.memory_space<hbm>> -> memref<16x1024xf32, #tpu.memory_space<hbm>>
    %dma_wait3A_83 = arith.constant 0 : i32
    %dma_wait3A_84 = tpu.memref_slice %arg3[%add3A_38, %dma_wait3A_83] : memref<8192x1024xf32, #tpu.memory_space<hbm>> -> memref<16x1024xf32, #tpu.memory_space<hbm>>
    tpu.wait_dma2 semaphore(%arg18 : memref<!tpu.dma_semaphore, #tpu.memory_space<semaphore_mem>>) src(%arg4 : memref<16x1024xf32, #tpu.memory_space<vmem>>) dst(%dma_wait3A_84 : memref<16x1024xf32, #tpu.memory_space<hbm>>)
    %add3A_85 = arith.constant 112 : i32
    %add3A_86 = arith.addi %mul3A_2, %add3A_85 : i32
    %dma_start3A_87 = arith.constant 0 : i32
    %dma_start3A_88 = tpu.memref_slice %arg2[%add3A_86, %dma_start3A_87] : memref<8192x1024xf32, #tpu.memory_space<hbm>> -> memref<16x1024xf32, #tpu.memory_space<hbm>>
    %dma_start3A_89 = arith.constant 0 : i32
    %dma_start3A_90 = tpu.memref_slice %arg2[%add3A_86, %dma_start3A_89] : memref<8192x1024xf32, #tpu.memory_space<hbm>> -> memref<16x1024xf32, #tpu.memory_space<hbm>>
    tpu.enqueue_dma source(%dma_start3A_90 : memref<16x1024xf32, #tpu.memory_space<hbm>>) target(%arg4 : memref<16x1024xf32, #tpu.memory_space<vmem>>) target_semaphore(%arg11 : memref<!tpu.dma_semaphore, #tpu.memory_space<semaphore_mem>>)
    %dma_wait3A_91 = arith.constant 0 : i32
    %dma_wait3A_92 = tpu.memref_slice %arg2[%add3A_21, %dma_wait3A_91] : memref<8192x1024xf32, #tpu.memory_space<hbm>> -> memref<16x1024xf32, #tpu.memory_space<hbm>>
    %dma_wait3A_93 = arith.constant 0 : i32
    %dma_wait3A_94 = tpu.memref_slice %arg2[%add3A_21, %dma_wait3A_93] : memref<8192x1024xf32, #tpu.memory_space<hbm>> -> memref<16x1024xf32, #tpu.memory_space<hbm>>
    tpu.wait_dma2 semaphore(%arg14 : memref<!tpu.dma_semaphore, #tpu.memory_space<semaphore_mem>>) src(%dma_wait3A_94 : memref<16x1024xf32, #tpu.memory_space<hbm>>) dst(%arg7 : memref<16x1024xf32, #tpu.memory_space<vmem>>)
    %parallel_loop3A_95 = arith.constant 0 : i32
    %parallel_loop3A_96 = arith.constant 1024 : i32
    %parallel_loop3A_97 = arith.constant 1 : i32
    scf.for %parallel_loop3A_368 = %parallel_loop3A_95 to %parallel_loop3A_96 step %parallel_loop3A_97  : i32 {
      %parallel_loop3A_369 = arith.constant 64 : i32
      %parallel_loop3A_370 = arith.divsi %parallel_loop3A_368, %parallel_loop3A_369 : i32
      %parallel_loop3A_371 = arith.constant 0 : i32
      %parallel_loop3A_372 = arith.cmpi sgt, %parallel_loop3A_368, %parallel_loop3A_371 : i32
      %parallel_loop3A_373 = arith.extui %parallel_loop3A_372 : i1 to i32
      %parallel_loop3A_374 = arith.constant 0 : i32
      %parallel_loop3A_375 = arith.cmpi slt, %parallel_loop3A_368, %parallel_loop3A_374 : i32
      %parallel_loop3A_376 = arith.extui %parallel_loop3A_375 : i1 to i32
      %parallel_loop3A_377 = arith.subi %parallel_loop3A_373, %parallel_loop3A_376 : i32
      %parallel_loop3A_378 = arith.constant 0 : i32
      %parallel_loop3A_379 = arith.cmpi sgt, %parallel_loop3A_369, %parallel_loop3A_378 : i32
      %parallel_loop3A_380 = arith.extui %parallel_loop3A_379 : i1 to i32
      %parallel_loop3A_381 = arith.constant 0 : i32
      %parallel_loop3A_382 = arith.cmpi slt, %parallel_loop3A_369, %parallel_loop3A_381 : i32
      %parallel_loop3A_383 = arith.extui %parallel_loop3A_382 : i1 to i32
      %parallel_loop3A_384 = arith.subi %parallel_loop3A_380, %parallel_loop3A_383 : i32
      %parallel_loop3A_385 = arith.cmpi ne, %parallel_loop3A_377, %parallel_loop3A_384 : i32
      %parallel_loop3A_386 = arith.remsi %parallel_loop3A_368, %parallel_loop3A_369 : i32
      %parallel_loop3A_387 = arith.constant 0 : i32
      %parallel_loop3A_388 = arith.cmpi ne, %parallel_loop3A_386, %parallel_loop3A_387 : i32
      %parallel_loop3A_389 = arith.andi %parallel_loop3A_385, %parallel_loop3A_388 : i1
      %parallel_loop3A_390 = arith.constant 1 : i32
      %parallel_loop3A_391 = arith.subi %parallel_loop3A_370, %parallel_loop3A_390 : i32
      %parallel_loop3A_392 = arith.select %parallel_loop3A_389, %parallel_loop3A_391, %parallel_loop3A_370 : i32
      %parallel_loop3A_393 = arith.constant 64 : i32
      %parallel_loop3A_394 = arith.constant 0 : i32
      %parallel_loop3A_395 = arith.cmpi eq, %parallel_loop3A_393, %parallel_loop3A_394 : i32
      %parallel_loop3A_396 = arith.constant 1 : i32
      %parallel_loop3A_397 = arith.select %parallel_loop3A_395, %parallel_loop3A_396, %parallel_loop3A_393 : i32
      %parallel_loop3A_398 = arith.remsi %parallel_loop3A_368, %parallel_loop3A_397 : i32
      %parallel_loop3A_399 = arith.constant 0 : i32
      %parallel_loop3A_400 = arith.cmpi ne, %parallel_loop3A_398, %parallel_loop3A_399 : i32
      %parallel_loop3A_401 = arith.constant 0 : i32
      %parallel_loop3A_402 = arith.cmpi slt, %parallel_loop3A_398, %parallel_loop3A_401 : i32
      %parallel_loop3A_403 = arith.constant 0 : i32
      %parallel_loop3A_404 = arith.cmpi slt, %parallel_loop3A_397, %parallel_loop3A_403 : i32
      %parallel_loop3A_405 = arith.xori %parallel_loop3A_402, %parallel_loop3A_404 : i1
      %parallel_loop3A_406 = arith.andi %parallel_loop3A_405, %parallel_loop3A_400 : i1
      %parallel_loop3A_407 = arith.addi %parallel_loop3A_398, %parallel_loop3A_397 : i32
      %parallel_loop3A_408 = arith.select %parallel_loop3A_406, %parallel_loop3A_407, %parallel_loop3A_398 : i32
      %parallel_loop3A_409 = arith.constant 16 : i32
      %parallel_loop3A_410 = arith.muli %parallel_loop3A_408, %parallel_loop3A_409 : i32
      %parallel_loop3A_411 = arith.index_cast %parallel_loop3A_392 : i32 to index
      %parallel_loop3A_412 = arith.index_cast %parallel_loop3A_410 : i32 to index
      %parallel_loop3A_413 = tpu.vector_load %arg7[%parallel_loop3A_411, %parallel_loop3A_412] {strides = array<i32>} : memref<16x1024xf32, #tpu.memory_space<vmem>>, vector<1x16xf32>,
      %parallel_loop3A_414 = vector.shape_cast %parallel_loop3A_413 : vector<1x16xf32> to vector<16xf32>
      %parallel_loop3A_415 = arith.constant 3.125000e-02 : f32
      %parallel_loop3A_416 = vector.broadcast %parallel_loop3A_415 : f32 to vector<16xf32>
      %parallel_loop3A_417 = arith.mulf %parallel_loop3A_414, %parallel_loop3A_416 : vector<16xf32>
      %parallel_loop3A_418 = arith.index_cast %parallel_loop3A_392 : i32 to index
      %parallel_loop3A_419 = arith.index_cast %parallel_loop3A_410 : i32 to index
      %parallel_loop3A_420 = tpu.vector_load %arg7[%parallel_loop3A_418, %parallel_loop3A_419] {strides = array<i32>} : memref<16x1024xf32, #tpu.memory_space<vmem>>, vector<1x16xf32>,
      %parallel_loop3A_421 = vector.shape_cast %parallel_loop3A_420 : vector<1x16xf32> to vector<16xf32>
      %parallel_loop3A_422 = vector.shape_cast %parallel_loop3A_417 : vector<16xf32> to vector<1x16xf32>
      tpu.vector_store %arg7[%parallel_loop3A_418, %parallel_loop3A_419], %parallel_loop3A_422 {strides = array<i32>} : memref<16x1024xf32, #tpu.memory_space<vmem>>, vector<1x16xf32>,
    } {sc.loop_unroll_factor = 8 : i64, sc.parallel_access}
    %add3A_98 = arith.constant 48 : i32
    %add3A_99 = arith.addi %mul3A_2, %add3A_98 : i32
    %dma_start3A_100 = arith.constant 0 : i32
    %dma_start3A_101 = tpu.memref_slice %arg3[%add3A_99, %dma_start3A_100] : memref<8192x1024xf32, #tpu.memory_space<hbm>> -> memref<16x1024xf32, #tpu.memory_space<hbm>>
    %dma_start3A_102 = arith.constant 0 : i32
    %dma_start3A_103 = tpu.memref_slice %arg3[%add3A_99, %dma_start3A_102] : memref<8192x1024xf32, #tpu.memory_space<hbm>> -> memref<16x1024xf32, #tpu.memory_space<hbm>>
    tpu.enqueue_dma source(%arg7 : memref<16x1024xf32, #tpu.memory_space<vmem>>) target(%dma_start3A_103 : memref<16x1024xf32, #tpu.memory_space<hbm>>) target_semaphore(%arg21 : memref<!tpu.dma_semaphore, #tpu.memory_space<semaphore_mem>>)
    %dma_wait3A_104 = arith.constant 0 : i32
    %dma_wait3A_105 = tpu.memref_slice %arg3[%add3A_57, %dma_wait3A_104] : memref<8192x1024xf32, #tpu.memory_space<hbm>> -> memref<16x1024xf32, #tpu.memory_space<hbm>>
    %dma_wait3A_106 = arith.constant 0 : i32
    %dma_wait3A_107 = tpu.memref_slice %arg3[%add3A_57, %dma_wait3A_106] : memref<8192x1024xf32, #tpu.memory_space<hbm>> -> memref<16x1024xf32, #tpu.memory_space<hbm>>
    tpu.wait_dma2 semaphore(%arg19 : memref<!tpu.dma_semaphore, #tpu.memory_space<semaphore_mem>>) src(%arg5 : memref<16x1024xf32, #tpu.memory_space<vmem>>) dst(%dma_wait3A_107 : memref<16x1024xf32, #tpu.memory_space<hbm>>)
    %add3A_108 = arith.constant 128 : i32
    %add3A_109 = arith.addi %mul3A_2, %add3A_108 : i32
    %dma_start3A_110 = arith.constant 0 : i32
    %dma_start3A_111 = tpu.memref_slice %arg2[%add3A_109, %dma_start3A_110] : memref<8192x1024xf32, #tpu.memory_space<hbm>> -> memref<16x1024xf32, #tpu.memory_space<hbm>>
    %dma_start3A_112 = arith.constant 0 : i32
    %dma_start3A_113 = tpu.memref_slice %arg2[%add3A_109, %dma_start3A_112] : memref<8192x1024xf32, #tpu.memory_space<hbm>> -> memref<16x1024xf32, #tpu.memory_space<hbm>>
    tpu.enqueue_dma source(%dma_start3A_113 : memref<16x1024xf32, #tpu.memory_space<hbm>>) target(%arg5 : memref<16x1024xf32, #tpu.memory_space<vmem>>) target_semaphore(%arg12 : memref<!tpu.dma_semaphore, #tpu.memory_space<semaphore_mem>>)
    %dma_wait3A_114 = arith.constant 0 : i32
    %dma_wait3A_115 = tpu.memref_slice %arg2[%add3A_27, %dma_wait3A_114] : memref<8192x1024xf32, #tpu.memory_space<hbm>> -> memref<16x1024xf32, #tpu.memory_space<hbm>>
    %dma_wait3A_116 = arith.constant 0 : i32
    %dma_wait3A_117 = tpu.memref_slice %arg2[%add3A_27, %dma_wait3A_116] : memref<8192x1024xf32, #tpu.memory_space<hbm>> -> memref<16x1024xf32, #tpu.memory_space<hbm>>
    tpu.wait_dma2 semaphore(%arg15 : memref<!tpu.dma_semaphore, #tpu.memory_space<semaphore_mem>>) src(%dma_wait3A_117 : memref<16x1024xf32, #tpu.memory_space<hbm>>) dst(%arg8 : memref<16x1024xf32, #tpu.memory_space<vmem>>)
    %parallel_loop3A_118 = arith.constant 0 : i32
    %parallel_loop3A_119 = arith.constant 1024 : i32
    %parallel_loop3A_120 = arith.constant 1 : i32
    scf.for %parallel_loop3A_368 = %parallel_loop3A_118 to %parallel_loop3A_119 step %parallel_loop3A_120  : i32 {
      %parallel_loop3A_369 = arith.constant 64 : i32
      %parallel_loop3A_370 = arith.divsi %parallel_loop3A_368, %parallel_loop3A_369 : i32
      %parallel_loop3A_371 = arith.constant 0 : i32
      %parallel_loop3A_372 = arith.cmpi sgt, %parallel_loop3A_368, %parallel_loop3A_371 : i32
      %parallel_loop3A_373 = arith.extui %parallel_loop3A_372 : i1 to i32
      %parallel_loop3A_374 = arith.constant 0 : i32
      %parallel_loop3A_375 = arith.cmpi slt, %parallel_loop3A_368, %parallel_loop3A_374 : i32
      %parallel_loop3A_376 = arith.extui %parallel_loop3A_375 : i1 to i32
      %parallel_loop3A_377 = arith.subi %parallel_loop3A_373, %parallel_loop3A_376 : i32
      %parallel_loop3A_378 = arith.constant 0 : i32
      %parallel_loop3A_379 = arith.cmpi sgt, %parallel_loop3A_369, %parallel_loop3A_378 : i32
      %parallel_loop3A_380 = arith.extui %parallel_loop3A_379 : i1 to i32
      %parallel_loop3A_381 = arith.constant 0 : i32
      %parallel_loop3A_382 = arith.cmpi slt, %parallel_loop3A_369, %parallel_loop3A_381 : i32
      %parallel_loop3A_383 = arith.extui %parallel_loop3A_382 : i1 to i32
      %parallel_loop3A_384 = arith.subi %parallel_loop3A_380, %parallel_loop3A_383 : i32
      %parallel_loop3A_385 = arith.cmpi ne, %parallel_loop3A_377, %parallel_loop3A_384 : i32
      %parallel_loop3A_386 = arith.remsi %parallel_loop3A_368, %parallel_loop3A_369 : i32
      %parallel_loop3A_387 = arith.constant 0 : i32
      %parallel_loop3A_388 = arith.cmpi ne, %parallel_loop3A_386, %parallel_loop3A_387 : i32
      %parallel_loop3A_389 = arith.andi %parallel_loop3A_385, %parallel_loop3A_388 : i1
      %parallel_loop3A_390 = arith.constant 1 : i32
      %parallel_loop3A_391 = arith.subi %parallel_loop3A_370, %parallel_loop3A_390 : i32
      %parallel_loop3A_392 = arith.select %parallel_loop3A_389, %parallel_loop3A_391, %parallel_loop3A_370 : i32
      %parallel_loop3A_393 = arith.constant 64 : i32
      %parallel_loop3A_394 = arith.constant 0 : i32
      %parallel_loop3A_395 = arith.cmpi eq, %parallel_loop3A_393, %parallel_loop3A_394 : i32
      %parallel_loop3A_396 = arith.constant 1 : i32
      %parallel_loop3A_397 = arith.select %parallel_loop3A_395, %parallel_loop3A_396, %parallel_loop3A_393 : i32
      %parallel_loop3A_398 = arith.remsi %parallel_loop3A_368, %parallel_loop3A_397 : i32
      %parallel_loop3A_399 = arith.constant 0 : i32
      %parallel_loop3A_400 = arith.cmpi ne, %parallel_loop3A_398, %parallel_loop3A_399 : i32
      %parallel_loop3A_401 = arith.constant 0 : i32
      %parallel_loop3A_402 = arith.cmpi slt, %parallel_loop3A_398, %parallel_loop3A_401 : i32
      %parallel_loop3A_403 = arith.constant 0 : i32
      %parallel_loop3A_404 = arith.cmpi slt, %parallel_loop3A_397, %parallel_loop3A_403 : i32
      %parallel_loop3A_405 = arith.xori %parallel_loop3A_402, %parallel_loop3A_404 : i1
      %parallel_loop3A_406 = arith.andi %parallel_loop3A_405, %parallel_loop3A_400 : i1
      %parallel_loop3A_407 = arith.addi %parallel_loop3A_398, %parallel_loop3A_397 : i32
      %parallel_loop3A_408 = arith.select %parallel_loop3A_406, %parallel_loop3A_407, %parallel_loop3A_398 : i32
      %parallel_loop3A_409 = arith.constant 16 : i32
      %parallel_loop3A_410 = arith.muli %parallel_loop3A_408, %parallel_loop3A_409 : i32
      %parallel_loop3A_411 = arith.index_cast %parallel_loop3A_392 : i32 to index
      %parallel_loop3A_412 = arith.index_cast %parallel_loop3A_410 : i32 to index
      %parallel_loop3A_413 = tpu.vector_load %arg8[%parallel_loop3A_411, %parallel_loop3A_412] {strides = array<i32>} : memref<16x1024xf32, #tpu.memory_space<vmem>>, vector<1x16xf32>,
      %parallel_loop3A_414 = vector.shape_cast %parallel_loop3A_413 : vector<1x16xf32> to vector<16xf32>
      %parallel_loop3A_415 = arith.constant 3.125000e-02 : f32
      %parallel_loop3A_416 = vector.broadcast %parallel_loop3A_415 : f32 to vector<16xf32>
      %parallel_loop3A_417 = arith.mulf %parallel_loop3A_414, %parallel_loop3A_416 : vector<16xf32>
      %parallel_loop3A_418 = arith.index_cast %parallel_loop3A_392 : i32 to index
      %parallel_loop3A_419 = arith.index_cast %parallel_loop3A_410 : i32 to index
      %parallel_loop3A_420 = tpu.vector_load %arg8[%parallel_loop3A_418, %parallel_loop3A_419] {strides = array<i32>} : memref<16x1024xf32, #tpu.memory_space<vmem>>, vector<1x16xf32>,
      %parallel_loop3A_421 = vector.shape_cast %parallel_loop3A_420 : vector<1x16xf32> to vector<16xf32>
      %parallel_loop3A_422 = vector.shape_cast %parallel_loop3A_417 : vector<16xf32> to vector<1x16xf32>
      tpu.vector_store %arg8[%parallel_loop3A_418, %parallel_loop3A_419], %parallel_loop3A_422 {strides = array<i32>} : memref<16x1024xf32, #tpu.memory_space<vmem>>, vector<1x16xf32>,
    } {sc.loop_unroll_factor = 8 : i64, sc.parallel_access}
    %add3A_121 = arith.constant 64 : i32
    %add3A_122 = arith.addi %mul3A_2, %add3A_121 : i32
    %dma_start3A_123 = arith.constant 0 : i32
    %dma_start3A_124 = tpu.memref_slice %arg3[%add3A_122, %dma_start3A_123] : memref<8192x1024xf32, #tpu.memory_space<hbm>> -> memref<16x1024xf32, #tpu.memory_space<hbm>>
    %dma_start3A_125 = arith.constant 0 : i32
    %dma_start3A_126 = tpu.memref_slice %arg3[%add3A_122, %dma_start3A_125] : memref<8192x1024xf32, #tpu.memory_space<hbm>> -> memref<16x1024xf32, #tpu.memory_space<hbm>>
    tpu.enqueue_dma source(%arg8 : memref<16x1024xf32, #tpu.memory_space<vmem>>) target(%dma_start3A_126 : memref<16x1024xf32, #tpu.memory_space<hbm>>) target_semaphore(%arg22 : memref<!tpu.dma_semaphore, #tpu.memory_space<semaphore_mem>>)
    %dma_wait3A_127 = arith.constant 0 : i32
    %dma_wait3A_128 = tpu.memref_slice %arg3[%add3A_76, %dma_wait3A_127] : memref<8192x1024xf32, #tpu.memory_space<hbm>> -> memref<16x1024xf32, #tpu.memory_space<hbm>>
    %dma_wait3A_129 = arith.constant 0 : i32
    %dma_wait3A_130 = tpu.memref_slice %arg3[%add3A_76, %dma_wait3A_129] : memref<8192x1024xf32, #tpu.memory_space<hbm>> -> memref<16x1024xf32, #tpu.memory_space<hbm>>
    tpu.wait_dma2 semaphore(%arg20 : memref<!tpu.dma_semaphore, #tpu.memory_space<semaphore_mem>>) src(%arg6 : memref<16x1024xf32, #tpu.memory_space<vmem>>) dst(%dma_wait3A_130 : memref<16x1024xf32, #tpu.memory_space<hbm>>)
    %add3A_131 = arith.constant 144 : i32
    %add3A_132 = arith.addi %mul3A_2, %add3A_131 : i32
    %dma_start3A_133 = arith.constant 0 : i32
    %dma_start3A_134 = tpu.memref_slice %arg2[%add3A_132, %dma_start3A_133] : memref<8192x1024xf32, #tpu.memory_space<hbm>> -> memref<16x1024xf32, #tpu.memory_space<hbm>>
    %dma_start3A_135 = arith.constant 0 : i32
    %dma_start3A_136 = tpu.memref_slice %arg2[%add3A_132, %dma_start3A_135] : memref<8192x1024xf32, #tpu.memory_space<hbm>> -> memref<16x1024xf32, #tpu.memory_space<hbm>>
    tpu.enqueue_dma source(%dma_start3A_136 : memref<16x1024xf32, #tpu.memory_space<hbm>>) target(%arg6 : memref<16x1024xf32, #tpu.memory_space<vmem>>) target_semaphore(%arg13 : memref<!tpu.dma_semaphore, #tpu.memory_space<semaphore_mem>>)
    %dma_wait3A_137 = arith.constant 0 : i32
    %dma_wait3A_138 = tpu.memref_slice %arg2[%add3A_44, %dma_wait3A_137] : memref<8192x1024xf32, #tpu.memory_space<hbm>> -> memref<16x1024xf32, #tpu.memory_space<hbm>>
    %dma_wait3A_139 = arith.constant 0 : i32
    %dma_wait3A_140 = tpu.memref_slice %arg2[%add3A_44, %dma_wait3A_139] : memref<8192x1024xf32, #tpu.memory_space<hbm>> -> memref<16x1024xf32, #tpu.memory_space<hbm>>
    tpu.wait_dma2 semaphore(%arg16 : memref<!tpu.dma_semaphore, #tpu.memory_space<semaphore_mem>>) src(%dma_wait3A_140 : memref<16x1024xf32, #tpu.memory_space<hbm>>) dst(%arg9 : memref<16x1024xf32, #tpu.memory_space<vmem>>)
    %parallel_loop3A_141 = arith.constant 0 : i32
    %parallel_loop3A_142 = arith.constant 1024 : i32
    %parallel_loop3A_143 = arith.constant 1 : i32
    scf.for %parallel_loop3A_368 = %parallel_loop3A_141 to %parallel_loop3A_142 step %parallel_loop3A_143  : i32 {
      %parallel_loop3A_369 = arith.constant 64 : i32
      %parallel_loop3A_370 = arith.divsi %parallel_loop3A_368, %parallel_loop3A_369 : i32
      %parallel_loop3A_371 = arith.constant 0 : i32
      %parallel_loop3A_372 = arith.cmpi sgt, %parallel_loop3A_368, %parallel_loop3A_371 : i32
      %parallel_loop3A_373 = arith.extui %parallel_loop3A_372 : i1 to i32
      %parallel_loop3A_374 = arith.constant 0 : i32
      %parallel_loop3A_375 = arith.cmpi slt, %parallel_loop3A_368, %parallel_loop3A_374 : i32
      %parallel_loop3A_376 = arith.extui %parallel_loop3A_375 : i1 to i32
      %parallel_loop3A_377 = arith.subi %parallel_loop3A_373, %parallel_loop3A_376 : i32
      %parallel_loop3A_378 = arith.constant 0 : i32
      %parallel_loop3A_379 = arith.cmpi sgt, %parallel_loop3A_369, %parallel_loop3A_378 : i32
      %parallel_loop3A_380 = arith.extui %parallel_loop3A_379 : i1 to i32
      %parallel_loop3A_381 = arith.constant 0 : i32
      %parallel_loop3A_382 = arith.cmpi slt, %parallel_loop3A_369, %parallel_loop3A_381 : i32
      %parallel_loop3A_383 = arith.extui %parallel_loop3A_382 : i1 to i32
      %parallel_loop3A_384 = arith.subi %parallel_loop3A_380, %parallel_loop3A_383 : i32
      %parallel_loop3A_385 = arith.cmpi ne, %parallel_loop3A_377, %parallel_loop3A_384 : i32
      %parallel_loop3A_386 = arith.remsi %parallel_loop3A_368, %parallel_loop3A_369 : i32
      %parallel_loop3A_387 = arith.constant 0 : i32
      %parallel_loop3A_388 = arith.cmpi ne, %parallel_loop3A_386, %parallel_loop3A_387 : i32
      %parallel_loop3A_389 = arith.andi %parallel_loop3A_385, %parallel_loop3A_388 : i1
      %parallel_loop3A_390 = arith.constant 1 : i32
      %parallel_loop3A_391 = arith.subi %parallel_loop3A_370, %parallel_loop3A_390 : i32
      %parallel_loop3A_392 = arith.select %parallel_loop3A_389, %parallel_loop3A_391, %parallel_loop3A_370 : i32
      %parallel_loop3A_393 = arith.constant 64 : i32
      %parallel_loop3A_394 = arith.constant 0 : i32
      %parallel_loop3A_395 = arith.cmpi eq, %parallel_loop3A_393, %parallel_loop3A_394 : i32
      %parallel_loop3A_396 = arith.constant 1 : i32
      %parallel_loop3A_397 = arith.select %parallel_loop3A_395, %parallel_loop3A_396, %parallel_loop3A_393 : i32
      %parallel_loop3A_398 = arith.remsi %parallel_loop3A_368, %parallel_loop3A_397 : i32
      %parallel_loop3A_399 = arith.constant 0 : i32
      %parallel_loop3A_400 = arith.cmpi ne, %parallel_loop3A_398, %parallel_loop3A_399 : i32
      %parallel_loop3A_401 = arith.constant 0 : i32
      %parallel_loop3A_402 = arith.cmpi slt, %parallel_loop3A_398, %parallel_loop3A_401 : i32
      %parallel_loop3A_403 = arith.constant 0 : i32
      %parallel_loop3A_404 = arith.cmpi slt, %parallel_loop3A_397, %parallel_loop3A_403 : i32
      %parallel_loop3A_405 = arith.xori %parallel_loop3A_402, %parallel_loop3A_404 : i1
      %parallel_loop3A_406 = arith.andi %parallel_loop3A_405, %parallel_loop3A_400 : i1
      %parallel_loop3A_407 = arith.addi %parallel_loop3A_398, %parallel_loop3A_397 : i32
      %parallel_loop3A_408 = arith.select %parallel_loop3A_406, %parallel_loop3A_407, %parallel_loop3A_398 : i32
      %parallel_loop3A_409 = arith.constant 16 : i32
      %parallel_loop3A_410 = arith.muli %parallel_loop3A_408, %parallel_loop3A_409 : i32
      %parallel_loop3A_411 = arith.index_cast %parallel_loop3A_392 : i32 to index
      %parallel_loop3A_412 = arith.index_cast %parallel_loop3A_410 : i32 to index
      %parallel_loop3A_413 = tpu.vector_load %arg9[%parallel_loop3A_411, %parallel_loop3A_412] {strides = array<i32>} : memref<16x1024xf32, #tpu.memory_space<vmem>>, vector<1x16xf32>,
      %parallel_loop3A_414 = vector.shape_cast %parallel_loop3A_413 : vector<1x16xf32> to vector<16xf32>
      %parallel_loop3A_415 = arith.constant 3.125000e-02 : f32
      %parallel_loop3A_416 = vector.broadcast %parallel_loop3A_415 : f32 to vector<16xf32>
      %parallel_loop3A_417 = arith.mulf %parallel_loop3A_414, %parallel_loop3A_416 : vector<16xf32>
      %parallel_loop3A_418 = arith.index_cast %parallel_loop3A_392 : i32 to index
      %parallel_loop3A_419 = arith.index_cast %parallel_loop3A_410 : i32 to index
      %parallel_loop3A_420 = tpu.vector_load %arg9[%parallel_loop3A_418, %parallel_loop3A_419] {strides = array<i32>} : memref<16x1024xf32, #tpu.memory_space<vmem>>, vector<1x16xf32>,
      %parallel_loop3A_421 = vector.shape_cast %parallel_loop3A_420 : vector<1x16xf32> to vector<16xf32>
      %parallel_loop3A_422 = vector.shape_cast %parallel_loop3A_417 : vector<16xf32> to vector<1x16xf32>
      tpu.vector_store %arg9[%parallel_loop3A_418, %parallel_loop3A_419], %parallel_loop3A_422 {strides = array<i32>} : memref<16x1024xf32, #tpu.memory_space<vmem>>, vector<1x16xf32>,
    } {sc.loop_unroll_factor = 8 : i64, sc.parallel_access}
    %add3A_144 = arith.constant 80 : i32
    %add3A_145 = arith.addi %mul3A_2, %add3A_144 : i32
    %dma_start3A_146 = arith.constant 0 : i32
    %dma_start3A_147 = tpu.memref_slice %arg3[%add3A_145, %dma_start3A_146] : memref<8192x1024xf32, #tpu.memory_space<hbm>> -> memref<16x1024xf32, #tpu.memory_space<hbm>>
    %dma_start3A_148 = arith.constant 0 : i32
    %dma_start3A_149 = tpu.memref_slice %arg3[%add3A_145, %dma_start3A_148] : memref<8192x1024xf32, #tpu.memory_space<hbm>> -> memref<16x1024xf32, #tpu.memory_space<hbm>>
    tpu.enqueue_dma source(%arg9 : memref<16x1024xf32, #tpu.memory_space<vmem>>) target(%dma_start3A_149 : memref<16x1024xf32, #tpu.memory_space<hbm>>) target_semaphore(%arg23 : memref<!tpu.dma_semaphore, #tpu.memory_space<semaphore_mem>>)
    %dma_wait3A_150 = arith.constant 0 : i32
    %dma_wait3A_151 = tpu.memref_slice %arg3[%add3A_99, %dma_wait3A_150] : memref<8192x1024xf32, #tpu.memory_space<hbm>> -> memref<16x1024xf32, #tpu.memory_space<hbm>>
    %dma_wait3A_152 = arith.constant 0 : i32
    %dma_wait3A_153 = tpu.memref_slice %arg3[%add3A_99, %dma_wait3A_152] : memref<8192x1024xf32, #tpu.memory_space<hbm>> -> memref<16x1024xf32, #tpu.memory_space<hbm>>
    tpu.wait_dma2 semaphore(%arg21 : memref<!tpu.dma_semaphore, #tpu.memory_space<semaphore_mem>>) src(%arg7 : memref<16x1024xf32, #tpu.memory_space<vmem>>) dst(%dma_wait3A_153 : memref<16x1024xf32, #tpu.memory_space<hbm>>)
    %add3A_154 = arith.constant 160 : i32
    %add3A_155 = arith.addi %mul3A_2, %add3A_154 : i32
    %dma_start3A_156 = arith.constant 0 : i32
    %dma_start3A_157 = tpu.memref_slice %arg2[%add3A_155, %dma_start3A_156] : memref<8192x1024xf32, #tpu.memory_space<hbm>> -> memref<16x1024xf32, #tpu.memory_space<hbm>>
    %dma_start3A_158 = arith.constant 0 : i32
    %dma_start3A_159 = tpu.memref_slice %arg2[%add3A_155, %dma_start3A_158] : memref<8192x1024xf32, #tpu.memory_space<hbm>> -> memref<16x1024xf32, #tpu.memory_space<hbm>>
    tpu.enqueue_dma source(%dma_start3A_159 : memref<16x1024xf32, #tpu.memory_space<hbm>>) target(%arg7 : memref<16x1024xf32, #tpu.memory_space<vmem>>) target_semaphore(%arg14 : memref<!tpu.dma_semaphore, #tpu.memory_space<semaphore_mem>>)
    %dma_wait3A_160 = arith.constant 0 : i32
    %dma_wait3A_161 = tpu.memref_slice %arg2[%add3A_63, %dma_wait3A_160] : memref<8192x1024xf32, #tpu.memory_space<hbm>> -> memref<16x1024xf32, #tpu.memory_space<hbm>>
    %dma_wait3A_162 = arith.constant 0 : i32
    %dma_wait3A_163 = tpu.memref_slice %arg2[%add3A_63, %dma_wait3A_162] : memref<8192x1024xf32, #tpu.memory_space<hbm>> -> memref<16x1024xf32, #tpu.memory_space<hbm>>
    tpu.wait_dma2 semaphore(%arg17 : memref<!tpu.dma_semaphore, #tpu.memory_space<semaphore_mem>>) src(%dma_wait3A_163 : memref<16x1024xf32, #tpu.memory_space<hbm>>) dst(%arg10 : memref<16x1024xf32, #tpu.memory_space<vmem>>)
    %parallel_loop3A_164 = arith.constant 0 : i32
    %parallel_loop3A_165 = arith.constant 1024 : i32
    %parallel_loop3A_166 = arith.constant 1 : i32
    scf.for %parallel_loop3A_368 = %parallel_loop3A_164 to %parallel_loop3A_165 step %parallel_loop3A_166  : i32 {
      %parallel_loop3A_369 = arith.constant 64 : i32
      %parallel_loop3A_370 = arith.divsi %parallel_loop3A_368, %parallel_loop3A_369 : i32
      %parallel_loop3A_371 = arith.constant 0 : i32
      %parallel_loop3A_372 = arith.cmpi sgt, %parallel_loop3A_368, %parallel_loop3A_371 : i32
      %parallel_loop3A_373 = arith.extui %parallel_loop3A_372 : i1 to i32
      %parallel_loop3A_374 = arith.constant 0 : i32
      %parallel_loop3A_375 = arith.cmpi slt, %parallel_loop3A_368, %parallel_loop3A_374 : i32
      %parallel_loop3A_376 = arith.extui %parallel_loop3A_375 : i1 to i32
      %parallel_loop3A_377 = arith.subi %parallel_loop3A_373, %parallel_loop3A_376 : i32
      %parallel_loop3A_378 = arith.constant 0 : i32
      %parallel_loop3A_379 = arith.cmpi sgt, %parallel_loop3A_369, %parallel_loop3A_378 : i32
      %parallel_loop3A_380 = arith.extui %parallel_loop3A_379 : i1 to i32
      %parallel_loop3A_381 = arith.constant 0 : i32
      %parallel_loop3A_382 = arith.cmpi slt, %parallel_loop3A_369, %parallel_loop3A_381 : i32
      %parallel_loop3A_383 = arith.extui %parallel_loop3A_382 : i1 to i32
      %parallel_loop3A_384 = arith.subi %parallel_loop3A_380, %parallel_loop3A_383 : i32
      %parallel_loop3A_385 = arith.cmpi ne, %parallel_loop3A_377, %parallel_loop3A_384 : i32
      %parallel_loop3A_386 = arith.remsi %parallel_loop3A_368, %parallel_loop3A_369 : i32
      %parallel_loop3A_387 = arith.constant 0 : i32
      %parallel_loop3A_388 = arith.cmpi ne, %parallel_loop3A_386, %parallel_loop3A_387 : i32
      %parallel_loop3A_389 = arith.andi %parallel_loop3A_385, %parallel_loop3A_388 : i1
      %parallel_loop3A_390 = arith.constant 1 : i32
      %parallel_loop3A_391 = arith.subi %parallel_loop3A_370, %parallel_loop3A_390 : i32
      %parallel_loop3A_392 = arith.select %parallel_loop3A_389, %parallel_loop3A_391, %parallel_loop3A_370 : i32
      %parallel_loop3A_393 = arith.constant 64 : i32
      %parallel_loop3A_394 = arith.constant 0 : i32
      %parallel_loop3A_395 = arith.cmpi eq, %parallel_loop3A_393, %parallel_loop3A_394 : i32
      %parallel_loop3A_396 = arith.constant 1 : i32
      %parallel_loop3A_397 = arith.select %parallel_loop3A_395, %parallel_loop3A_396, %parallel_loop3A_393 : i32
      %parallel_loop3A_398 = arith.remsi %parallel_loop3A_368, %parallel_loop3A_397 : i32
      %parallel_loop3A_399 = arith.constant 0 : i32
      %parallel_loop3A_400 = arith.cmpi ne, %parallel_loop3A_398, %parallel_loop3A_399 : i32
      %parallel_loop3A_401 = arith.constant 0 : i32
      %parallel_loop3A_402 = arith.cmpi slt, %parallel_loop3A_398, %parallel_loop3A_401 : i32
      %parallel_loop3A_403 = arith.constant 0 : i32
      %parallel_loop3A_404 = arith.cmpi slt, %parallel_loop3A_397, %parallel_loop3A_403 : i32
      %parallel_loop3A_405 = arith.xori %parallel_loop3A_402, %parallel_loop3A_404 : i1
      %parallel_loop3A_406 = arith.andi %parallel_loop3A_405, %parallel_loop3A_400 : i1
      %parallel_loop3A_407 = arith.addi %parallel_loop3A_398, %parallel_loop3A_397 : i32
      %parallel_loop3A_408 = arith.select %parallel_loop3A_406, %parallel_loop3A_407, %parallel_loop3A_398 : i32
      %parallel_loop3A_409 = arith.constant 16 : i32
      %parallel_loop3A_410 = arith.muli %parallel_loop3A_408, %parallel_loop3A_409 : i32
      %parallel_loop3A_411 = arith.index_cast %parallel_loop3A_392 : i32 to index
      %parallel_loop3A_412 = arith.index_cast %parallel_loop3A_410 : i32 to index
      %parallel_loop3A_413 = tpu.vector_load %arg10[%parallel_loop3A_411, %parallel_loop3A_412] {strides = array<i32>} : memref<16x1024xf32, #tpu.memory_space<vmem>>, vector<1x16xf32>,
      %parallel_loop3A_414 = vector.shape_cast %parallel_loop3A_413 : vector<1x16xf32> to vector<16xf32>
      %parallel_loop3A_415 = arith.constant 3.125000e-02 : f32
      %parallel_loop3A_416 = vector.broadcast %parallel_loop3A_415 : f32 to vector<16xf32>
      %parallel_loop3A_417 = arith.mulf %parallel_loop3A_414, %parallel_loop3A_416 : vector<16xf32>
      %parallel_loop3A_418 = arith.index_cast %parallel_loop3A_392 : i32 to index
      %parallel_loop3A_419 = arith.index_cast %parallel_loop3A_410 : i32 to index
      %parallel_loop3A_420 = tpu.vector_load %arg10[%parallel_loop3A_418, %parallel_loop3A_419] {strides = array<i32>} : memref<16x1024xf32, #tpu.memory_space<vmem>>, vector<1x16xf32>,
      %parallel_loop3A_421 = vector.shape_cast %parallel_loop3A_420 : vector<1x16xf32> to vector<16xf32>
      %parallel_loop3A_422 = vector.shape_cast %parallel_loop3A_417 : vector<16xf32> to vector<1x16xf32>
      tpu.vector_store %arg10[%parallel_loop3A_418, %parallel_loop3A_419], %parallel_loop3A_422 {strides = array<i32>} : memref<16x1024xf32, #tpu.memory_space<vmem>>, vector<1x16xf32>,
    } {sc.loop_unroll_factor = 8 : i64, sc.parallel_access}
    %add3A_167 = arith.constant 96 : i32
    %add3A_168 = arith.addi %mul3A_2, %add3A_167 : i32
    %dma_start3A_169 = arith.constant 0 : i32
    %dma_start3A_170 = tpu.memref_slice %arg3[%add3A_168, %dma_start3A_169] : memref<8192x1024xf32, #tpu.memory_space<hbm>> -> memref<16x1024xf32, #tpu.memory_space<hbm>>
    %dma_start3A_171 = arith.constant 0 : i32
    %dma_start3A_172 = tpu.memref_slice %arg3[%add3A_168, %dma_start3A_171] : memref<8192x1024xf32, #tpu.memory_space<hbm>> -> memref<16x1024xf32, #tpu.memory_space<hbm>>
    tpu.enqueue_dma source(%arg10 : memref<16x1024xf32, #tpu.memory_space<vmem>>) target(%dma_start3A_172 : memref<16x1024xf32, #tpu.memory_space<hbm>>) target_semaphore(%arg24 : memref<!tpu.dma_semaphore, #tpu.memory_space<semaphore_mem>>)
    %dma_wait3A_173 = arith.constant 0 : i32
    %dma_wait3A_174 = tpu.memref_slice %arg3[%add3A_122, %dma_wait3A_173] : memref<8192x1024xf32, #tpu.memory_space<hbm>> -> memref<16x1024xf32, #tpu.memory_space<hbm>>
    %dma_wait3A_175 = arith.constant 0 : i32
    %dma_wait3A_176 = tpu.memref_slice %arg3[%add3A_122, %dma_wait3A_175] : memref<8192x1024xf32, #tpu.memory_space<hbm>> -> memref<16x1024xf32, #tpu.memory_space<hbm>>
    tpu.wait_dma2 semaphore(%arg22 : memref<!tpu.dma_semaphore, #tpu.memory_space<semaphore_mem>>) src(%arg8 : memref<16x1024xf32, #tpu.memory_space<vmem>>) dst(%dma_wait3A_176 : memref<16x1024xf32, #tpu.memory_space<hbm>>)
    %add3A_177 = arith.constant 176 : i32
    %add3A_178 = arith.addi %mul3A_2, %add3A_177 : i32
    %dma_start3A_179 = arith.constant 0 : i32
    %dma_start3A_180 = tpu.memref_slice %arg2[%add3A_178, %dma_start3A_179] : memref<8192x1024xf32, #tpu.memory_space<hbm>> -> memref<16x1024xf32, #tpu.memory_space<hbm>>
    %dma_start3A_181 = arith.constant 0 : i32
    %dma_start3A_182 = tpu.memref_slice %arg2[%add3A_178, %dma_start3A_181] : memref<8192x1024xf32, #tpu.memory_space<hbm>> -> memref<16x1024xf32, #tpu.memory_space<hbm>>
    tpu.enqueue_dma source(%dma_start3A_182 : memref<16x1024xf32, #tpu.memory_space<hbm>>) target(%arg8 : memref<16x1024xf32, #tpu.memory_space<vmem>>) target_semaphore(%arg15 : memref<!tpu.dma_semaphore, #tpu.memory_space<semaphore_mem>>)
    %dma_wait3A_183 = arith.constant 0 : i32
    %dma_wait3A_184 = tpu.memref_slice %arg2[%add3A_86, %dma_wait3A_183] : memref<8192x1024xf32, #tpu.memory_space<hbm>> -> memref<16x1024xf32, #tpu.memory_space<hbm>>
    %dma_wait3A_185 = arith.constant 0 : i32
    %dma_wait3A_186 = tpu.memref_slice %arg2[%add3A_86, %dma_wait3A_185] : memref<8192x1024xf32, #tpu.memory_space<hbm>> -> memref<16x1024xf32, #tpu.memory_space<hbm>>
    tpu.wait_dma2 semaphore(%arg11 : memref<!tpu.dma_semaphore, #tpu.memory_space<semaphore_mem>>) src(%dma_wait3A_186 : memref<16x1024xf32, #tpu.memory_space<hbm>>) dst(%arg4 : memref<16x1024xf32, #tpu.memory_space<vmem>>)
    %parallel_loop3A_187 = arith.constant 0 : i32
    %parallel_loop3A_188 = arith.constant 1024 : i32
    %parallel_loop3A_189 = arith.constant 1 : i32
    scf.for %parallel_loop3A_368 = %parallel_loop3A_187 to %parallel_loop3A_188 step %parallel_loop3A_189  : i32 {
      %parallel_loop3A_369 = arith.constant 64 : i32
      %parallel_loop3A_370 = arith.divsi %parallel_loop3A_368, %parallel_loop3A_369 : i32
      %parallel_loop3A_371 = arith.constant 0 : i32
      %parallel_loop3A_372 = arith.cmpi sgt, %parallel_loop3A_368, %parallel_loop3A_371 : i32
      %parallel_loop3A_373 = arith.extui %parallel_loop3A_372 : i1 to i32
      %parallel_loop3A_374 = arith.constant 0 : i32
      %parallel_loop3A_375 = arith.cmpi slt, %parallel_loop3A_368, %parallel_loop3A_374 : i32
      %parallel_loop3A_376 = arith.extui %parallel_loop3A_375 : i1 to i32
      %parallel_loop3A_377 = arith.subi %parallel_loop3A_373, %parallel_loop3A_376 : i32
      %parallel_loop3A_378 = arith.constant 0 : i32
      %parallel_loop3A_379 = arith.cmpi sgt, %parallel_loop3A_369, %parallel_loop3A_378 : i32
      %parallel_loop3A_380 = arith.extui %parallel_loop3A_379 : i1 to i32
      %parallel_loop3A_381 = arith.constant 0 : i32
      %parallel_loop3A_382 = arith.cmpi slt, %parallel_loop3A_369, %parallel_loop3A_381 : i32
      %parallel_loop3A_383 = arith.extui %parallel_loop3A_382 : i1 to i32
      %parallel_loop3A_384 = arith.subi %parallel_loop3A_380, %parallel_loop3A_383 : i32
      %parallel_loop3A_385 = arith.cmpi ne, %parallel_loop3A_377, %parallel_loop3A_384 : i32
      %parallel_loop3A_386 = arith.remsi %parallel_loop3A_368, %parallel_loop3A_369 : i32
      %parallel_loop3A_387 = arith.constant 0 : i32
      %parallel_loop3A_388 = arith.cmpi ne, %parallel_loop3A_386, %parallel_loop3A_387 : i32
      %parallel_loop3A_389 = arith.andi %parallel_loop3A_385, %parallel_loop3A_388 : i1
      %parallel_loop3A_390 = arith.constant 1 : i32
      %parallel_loop3A_391 = arith.subi %parallel_loop3A_370, %parallel_loop3A_390 : i32
      %parallel_loop3A_392 = arith.select %parallel_loop3A_389, %parallel_loop3A_391, %parallel_loop3A_370 : i32
      %parallel_loop3A_393 = arith.constant 64 : i32
      %parallel_loop3A_394 = arith.constant 0 : i32
      %parallel_loop3A_395 = arith.cmpi eq, %parallel_loop3A_393, %parallel_loop3A_394 : i32
      %parallel_loop3A_396 = arith.constant 1 : i32
      %parallel_loop3A_397 = arith.select %parallel_loop3A_395, %parallel_loop3A_396, %parallel_loop3A_393 : i32
      %parallel_loop3A_398 = arith.remsi %parallel_loop3A_368, %parallel_loop3A_397 : i32
      %parallel_loop3A_399 = arith.constant 0 : i32
      %parallel_loop3A_400 = arith.cmpi ne, %parallel_loop3A_398, %parallel_loop3A_399 : i32
      %parallel_loop3A_401 = arith.constant 0 : i32
      %parallel_loop3A_402 = arith.cmpi slt, %parallel_loop3A_398, %parallel_loop3A_401 : i32
      %parallel_loop3A_403 = arith.constant 0 : i32
      %parallel_loop3A_404 = arith.cmpi slt, %parallel_loop3A_397, %parallel_loop3A_403 : i32
      %parallel_loop3A_405 = arith.xori %parallel_loop3A_402, %parallel_loop3A_404 : i1
      %parallel_loop3A_406 = arith.andi %parallel_loop3A_405, %parallel_loop3A_400 : i1
      %parallel_loop3A_407 = arith.addi %parallel_loop3A_398, %parallel_loop3A_397 : i32
      %parallel_loop3A_408 = arith.select %parallel_loop3A_406, %parallel_loop3A_407, %parallel_loop3A_398 : i32
      %parallel_loop3A_409 = arith.constant 16 : i32
      %parallel_loop3A_410 = arith.muli %parallel_loop3A_408, %parallel_loop3A_409 : i32
      %parallel_loop3A_411 = arith.index_cast %parallel_loop3A_392 : i32 to index
      %parallel_loop3A_412 = arith.index_cast %parallel_loop3A_410 : i32 to index
      %parallel_loop3A_413 = tpu.vector_load %arg4[%parallel_loop3A_411, %parallel_loop3A_412] {strides = array<i32>} : memref<16x1024xf32, #tpu.memory_space<vmem>>, vector<1x16xf32>,
      %parallel_loop3A_414 = vector.shape_cast %parallel_loop3A_413 : vector<1x16xf32> to vector<16xf32>
      %parallel_loop3A_415 = arith.constant 3.125000e-02 : f32
      %parallel_loop3A_416 = vector.broadcast %parallel_loop3A_415 : f32 to vector<16xf32>
      %parallel_loop3A_417 = arith.mulf %parallel_loop3A_414, %parallel_loop3A_416 : vector<16xf32>
      %parallel_loop3A_418 = arith.index_cast %parallel_loop3A_392 : i32 to index
      %parallel_loop3A_419 = arith.index_cast %parallel_loop3A_410 : i32 to index
      %parallel_loop3A_420 = tpu.vector_load %arg4[%parallel_loop3A_418, %parallel_loop3A_419] {strides = array<i32>} : memref<16x1024xf32, #tpu.memory_space<vmem>>, vector<1x16xf32>,
      %parallel_loop3A_421 = vector.shape_cast %parallel_loop3A_420 : vector<1x16xf32> to vector<16xf32>
      %parallel_loop3A_422 = vector.shape_cast %parallel_loop3A_417 : vector<16xf32> to vector<1x16xf32>
      tpu.vector_store %arg4[%parallel_loop3A_418, %parallel_loop3A_419], %parallel_loop3A_422 {strides = array<i32>} : memref<16x1024xf32, #tpu.memory_space<vmem>>, vector<1x16xf32>,
    } {sc.loop_unroll_factor = 8 : i64, sc.parallel_access}
    %add3A_190 = arith.constant 112 : i32
    %add3A_191 = arith.addi %mul3A_2, %add3A_190 : i32
    %dma_start3A_192 = arith.constant 0 : i32
    %dma_start3A_193 = tpu.memref_slice %arg3[%add3A_191, %dma_start3A_192] : memref<8192x1024xf32, #tpu.memory_space<hbm>> -> memref<16x1024xf32, #tpu.memory_space<hbm>>
    %dma_start3A_194 = arith.constant 0 : i32
    %dma_start3A_195 = tpu.memref_slice %arg3[%add3A_191, %dma_start3A_194] : memref<8192x1024xf32, #tpu.memory_space<hbm>> -> memref<16x1024xf32, #tpu.memory_space<hbm>>
    tpu.enqueue_dma source(%arg4 : memref<16x1024xf32, #tpu.memory_space<vmem>>) target(%dma_start3A_195 : memref<16x1024xf32, #tpu.memory_space<hbm>>) target_semaphore(%arg18 : memref<!tpu.dma_semaphore, #tpu.memory_space<semaphore_mem>>)
    %dma_wait3A_196 = arith.constant 0 : i32
    %dma_wait3A_197 = tpu.memref_slice %arg3[%add3A_145, %dma_wait3A_196] : memref<8192x1024xf32, #tpu.memory_space<hbm>> -> memref<16x1024xf32, #tpu.memory_space<hbm>>
    %dma_wait3A_198 = arith.constant 0 : i32
    %dma_wait3A_199 = tpu.memref_slice %arg3[%add3A_145, %dma_wait3A_198] : memref<8192x1024xf32, #tpu.memory_space<hbm>> -> memref<16x1024xf32, #tpu.memory_space<hbm>>
    tpu.wait_dma2 semaphore(%arg23 : memref<!tpu.dma_semaphore, #tpu.memory_space<semaphore_mem>>) src(%arg9 : memref<16x1024xf32, #tpu.memory_space<vmem>>) dst(%dma_wait3A_199 : memref<16x1024xf32, #tpu.memory_space<hbm>>)
    %add3A_200 = arith.constant 192 : i32
    %add3A_201 = arith.addi %mul3A_2, %add3A_200 : i32
    %dma_start3A_202 = arith.constant 0 : i32
    %dma_start3A_203 = tpu.memref_slice %arg2[%add3A_201, %dma_start3A_202] : memref<8192x1024xf32, #tpu.memory_space<hbm>> -> memref<16x1024xf32, #tpu.memory_space<hbm>>
    %dma_start3A_204 = arith.constant 0 : i32
    %dma_start3A_205 = tpu.memref_slice %arg2[%add3A_201, %dma_start3A_204] : memref<8192x1024xf32, #tpu.memory_space<hbm>> -> memref<16x1024xf32, #tpu.memory_space<hbm>>
    tpu.enqueue_dma source(%dma_start3A_205 : memref<16x1024xf32, #tpu.memory_space<hbm>>) target(%arg9 : memref<16x1024xf32, #tpu.memory_space<vmem>>) target_semaphore(%arg16 : memref<!tpu.dma_semaphore, #tpu.memory_space<semaphore_mem>>)
    %dma_wait3A_206 = arith.constant 0 : i32
    %dma_wait3A_207 = tpu.memref_slice %arg2[%add3A_109, %dma_wait3A_206] : memref<8192x1024xf32, #tpu.memory_space<hbm>> -> memref<16x1024xf32, #tpu.memory_space<hbm>>
    %dma_wait3A_208 = arith.constant 0 : i32
    %dma_wait3A_209 = tpu.memref_slice %arg2[%add3A_109, %dma_wait3A_208] : memref<8192x1024xf32, #tpu.memory_space<hbm>> -> memref<16x1024xf32, #tpu.memory_space<hbm>>
    tpu.wait_dma2 semaphore(%arg12 : memref<!tpu.dma_semaphore, #tpu.memory_space<semaphore_mem>>) src(%dma_wait3A_209 : memref<16x1024xf32, #tpu.memory_space<hbm>>) dst(%arg5 : memref<16x1024xf32, #tpu.memory_space<vmem>>)
    %parallel_loop3A_210 = arith.constant 0 : i32
    %parallel_loop3A_211 = arith.constant 1024 : i32
    %parallel_loop3A_212 = arith.constant 1 : i32
    scf.for %parallel_loop3A_368 = %parallel_loop3A_210 to %parallel_loop3A_211 step %parallel_loop3A_212  : i32 {
      %parallel_loop3A_369 = arith.constant 64 : i32
      %parallel_loop3A_370 = arith.divsi %parallel_loop3A_368, %parallel_loop3A_369 : i32
      %parallel_loop3A_371 = arith.constant 0 : i32
      %parallel_loop3A_372 = arith.cmpi sgt, %parallel_loop3A_368, %parallel_loop3A_371 : i32
      %parallel_loop3A_373 = arith.extui %parallel_loop3A_372 : i1 to i32
      %parallel_loop3A_374 = arith.constant 0 : i32
      %parallel_loop3A_375 = arith.cmpi slt, %parallel_loop3A_368, %parallel_loop3A_374 : i32
      %parallel_loop3A_376 = arith.extui %parallel_loop3A_375 : i1 to i32
      %parallel_loop3A_377 = arith.subi %parallel_loop3A_373, %parallel_loop3A_376 : i32
      %parallel_loop3A_378 = arith.constant 0 : i32
      %parallel_loop3A_379 = arith.cmpi sgt, %parallel_loop3A_369, %parallel_loop3A_378 : i32
      %parallel_loop3A_380 = arith.extui %parallel_loop3A_379 : i1 to i32
      %parallel_loop3A_381 = arith.constant 0 : i32
      %parallel_loop3A_382 = arith.cmpi slt, %parallel_loop3A_369, %parallel_loop3A_381 : i32
      %parallel_loop3A_383 = arith.extui %parallel_loop3A_382 : i1 to i32
      %parallel_loop3A_384 = arith.subi %parallel_loop3A_380, %parallel_loop3A_383 : i32
      %parallel_loop3A_385 = arith.cmpi ne, %parallel_loop3A_377, %parallel_loop3A_384 : i32
      %parallel_loop3A_386 = arith.remsi %parallel_loop3A_368, %parallel_loop3A_369 : i32
      %parallel_loop3A_387 = arith.constant 0 : i32
      %parallel_loop3A_388 = arith.cmpi ne, %parallel_loop3A_386, %parallel_loop3A_387 : i32
      %parallel_loop3A_389 = arith.andi %parallel_loop3A_385, %parallel_loop3A_388 : i1
      %parallel_loop3A_390 = arith.constant 1 : i32
      %parallel_loop3A_391 = arith.subi %parallel_loop3A_370, %parallel_loop3A_390 : i32
      %parallel_loop3A_392 = arith.select %parallel_loop3A_389, %parallel_loop3A_391, %parallel_loop3A_370 : i32
      %parallel_loop3A_393 = arith.constant 64 : i32
      %parallel_loop3A_394 = arith.constant 0 : i32
      %parallel_loop3A_395 = arith.cmpi eq, %parallel_loop3A_393, %parallel_loop3A_394 : i32
      %parallel_loop3A_396 = arith.constant 1 : i32
      %parallel_loop3A_397 = arith.select %parallel_loop3A_395, %parallel_loop3A_396, %parallel_loop3A_393 : i32
      %parallel_loop3A_398 = arith.remsi %parallel_loop3A_368, %parallel_loop3A_397 : i32
      %parallel_loop3A_399 = arith.constant 0 : i32
      %parallel_loop3A_400 = arith.cmpi ne, %parallel_loop3A_398, %parallel_loop3A_399 : i32
      %parallel_loop3A_401 = arith.constant 0 : i32
      %parallel_loop3A_402 = arith.cmpi slt, %parallel_loop3A_398, %parallel_loop3A_401 : i32
      %parallel_loop3A_403 = arith.constant 0 : i32
      %parallel_loop3A_404 = arith.cmpi slt, %parallel_loop3A_397, %parallel_loop3A_403 : i32
      %parallel_loop3A_405 = arith.xori %parallel_loop3A_402, %parallel_loop3A_404 : i1
      %parallel_loop3A_406 = arith.andi %parallel_loop3A_405, %parallel_loop3A_400 : i1
      %parallel_loop3A_407 = arith.addi %parallel_loop3A_398, %parallel_loop3A_397 : i32
      %parallel_loop3A_408 = arith.select %parallel_loop3A_406, %parallel_loop3A_407, %parallel_loop3A_398 : i32
      %parallel_loop3A_409 = arith.constant 16 : i32
      %parallel_loop3A_410 = arith.muli %parallel_loop3A_408, %parallel_loop3A_409 : i32
      %parallel_loop3A_411 = arith.index_cast %parallel_loop3A_392 : i32 to index
      %parallel_loop3A_412 = arith.index_cast %parallel_loop3A_410 : i32 to index
      %parallel_loop3A_413 = tpu.vector_load %arg5[%parallel_loop3A_411, %parallel_loop3A_412] {strides = array<i32>} : memref<16x1024xf32, #tpu.memory_space<vmem>>, vector<1x16xf32>,
      %parallel_loop3A_414 = vector.shape_cast %parallel_loop3A_413 : vector<1x16xf32> to vector<16xf32>
      %parallel_loop3A_415 = arith.constant 3.125000e-02 : f32
      %parallel_loop3A_416 = vector.broadcast %parallel_loop3A_415 : f32 to vector<16xf32>
      %parallel_loop3A_417 = arith.mulf %parallel_loop3A_414, %parallel_loop3A_416 : vector<16xf32>
      %parallel_loop3A_418 = arith.index_cast %parallel_loop3A_392 : i32 to index
      %parallel_loop3A_419 = arith.index_cast %parallel_loop3A_410 : i32 to index
      %parallel_loop3A_420 = tpu.vector_load %arg5[%parallel_loop3A_418, %parallel_loop3A_419] {strides = array<i32>} : memref<16x1024xf32, #tpu.memory_space<vmem>>, vector<1x16xf32>,
      %parallel_loop3A_421 = vector.shape_cast %parallel_loop3A_420 : vector<1x16xf32> to vector<16xf32>
      %parallel_loop3A_422 = vector.shape_cast %parallel_loop3A_417 : vector<16xf32> to vector<1x16xf32>
      tpu.vector_store %arg5[%parallel_loop3A_418, %parallel_loop3A_419], %parallel_loop3A_422 {strides = array<i32>} : memref<16x1024xf32, #tpu.memory_space<vmem>>, vector<1x16xf32>,
    } {sc.loop_unroll_factor = 8 : i64, sc.parallel_access}
    %add3A_213 = arith.constant 128 : i32
    %add3A_214 = arith.addi %mul3A_2, %add3A_213 : i32
    %dma_start3A_215 = arith.constant 0 : i32
    %dma_start3A_216 = tpu.memref_slice %arg3[%add3A_214, %dma_start3A_215] : memref<8192x1024xf32, #tpu.memory_space<hbm>> -> memref<16x1024xf32, #tpu.memory_space<hbm>>
    %dma_start3A_217 = arith.constant 0 : i32
    %dma_start3A_218 = tpu.memref_slice %arg3[%add3A_214, %dma_start3A_217] : memref<8192x1024xf32, #tpu.memory_space<hbm>> -> memref<16x1024xf32, #tpu.memory_space<hbm>>
    tpu.enqueue_dma source(%arg5 : memref<16x1024xf32, #tpu.memory_space<vmem>>) target(%dma_start3A_218 : memref<16x1024xf32, #tpu.memory_space<hbm>>) target_semaphore(%arg19 : memref<!tpu.dma_semaphore, #tpu.memory_space<semaphore_mem>>)
    %dma_wait3A_219 = arith.constant 0 : i32
    %dma_wait3A_220 = tpu.memref_slice %arg3[%add3A_168, %dma_wait3A_219] : memref<8192x1024xf32, #tpu.memory_space<hbm>> -> memref<16x1024xf32, #tpu.memory_space<hbm>>
    %dma_wait3A_221 = arith.constant 0 : i32
    %dma_wait3A_222 = tpu.memref_slice %arg3[%add3A_168, %dma_wait3A_221] : memref<8192x1024xf32, #tpu.memory_space<hbm>> -> memref<16x1024xf32, #tpu.memory_space<hbm>>
    tpu.wait_dma2 semaphore(%arg24 : memref<!tpu.dma_semaphore, #tpu.memory_space<semaphore_mem>>) src(%arg10 : memref<16x1024xf32, #tpu.memory_space<vmem>>) dst(%dma_wait3A_222 : memref<16x1024xf32, #tpu.memory_space<hbm>>)
    %add3A_223 = arith.constant 208 : i32
    %add3A_224 = arith.addi %mul3A_2, %add3A_223 : i32
    %dma_start3A_225 = arith.constant 0 : i32
    %dma_start3A_226 = tpu.memref_slice %arg2[%add3A_224, %dma_start3A_225] : memref<8192x1024xf32, #tpu.memory_space<hbm>> -> memref<16x1024xf32, #tpu.memory_space<hbm>>
    %dma_start3A_227 = arith.constant 0 : i32
    %dma_start3A_228 = tpu.memref_slice %arg2[%add3A_224, %dma_start3A_227] : memref<8192x1024xf32, #tpu.memory_space<hbm>> -> memref<16x1024xf32, #tpu.memory_space<hbm>>
    tpu.enqueue_dma source(%dma_start3A_228 : memref<16x1024xf32, #tpu.memory_space<hbm>>) target(%arg10 : memref<16x1024xf32, #tpu.memory_space<vmem>>) target_semaphore(%arg17 : memref<!tpu.dma_semaphore, #tpu.memory_space<semaphore_mem>>)
    %dma_wait3A_229 = arith.constant 0 : i32
    %dma_wait3A_230 = tpu.memref_slice %arg2[%add3A_132, %dma_wait3A_229] : memref<8192x1024xf32, #tpu.memory_space<hbm>> -> memref<16x1024xf32, #tpu.memory_space<hbm>>
    %dma_wait3A_231 = arith.constant 0 : i32
    %dma_wait3A_232 = tpu.memref_slice %arg2[%add3A_132, %dma_wait3A_231] : memref<8192x1024xf32, #tpu.memory_space<hbm>> -> memref<16x1024xf32, #tpu.memory_space<hbm>>
    tpu.wait_dma2 semaphore(%arg13 : memref<!tpu.dma_semaphore, #tpu.memory_space<semaphore_mem>>) src(%dma_wait3A_232 : memref<16x1024xf32, #tpu.memory_space<hbm>>) dst(%arg6 : memref<16x1024xf32, #tpu.memory_space<vmem>>)
    %parallel_loop3A_233 = arith.constant 0 : i32
    %parallel_loop3A_234 = arith.constant 1024 : i32
    %parallel_loop3A_235 = arith.constant 1 : i32
    scf.for %parallel_loop3A_368 = %parallel_loop3A_233 to %parallel_loop3A_234 step %parallel_loop3A_235  : i32 {
      %parallel_loop3A_369 = arith.constant 64 : i32
      %parallel_loop3A_370 = arith.divsi %parallel_loop3A_368, %parallel_loop3A_369 : i32
      %parallel_loop3A_371 = arith.constant 0 : i32
      %parallel_loop3A_372 = arith.cmpi sgt, %parallel_loop3A_368, %parallel_loop3A_371 : i32
      %parallel_loop3A_373 = arith.extui %parallel_loop3A_372 : i1 to i32
      %parallel_loop3A_374 = arith.constant 0 : i32
      %parallel_loop3A_375 = arith.cmpi slt, %parallel_loop3A_368, %parallel_loop3A_374 : i32
      %parallel_loop3A_376 = arith.extui %parallel_loop3A_375 : i1 to i32
      %parallel_loop3A_377 = arith.subi %parallel_loop3A_373, %parallel_loop3A_376 : i32
      %parallel_loop3A_378 = arith.constant 0 : i32
      %parallel_loop3A_379 = arith.cmpi sgt, %parallel_loop3A_369, %parallel_loop3A_378 : i32
      %parallel_loop3A_380 = arith.extui %parallel_loop3A_379 : i1 to i32
      %parallel_loop3A_381 = arith.constant 0 : i32
      %parallel_loop3A_382 = arith.cmpi slt, %parallel_loop3A_369, %parallel_loop3A_381 : i32
      %parallel_loop3A_383 = arith.extui %parallel_loop3A_382 : i1 to i32
      %parallel_loop3A_384 = arith.subi %parallel_loop3A_380, %parallel_loop3A_383 : i32
      %parallel_loop3A_385 = arith.cmpi ne, %parallel_loop3A_377, %parallel_loop3A_384 : i32
      %parallel_loop3A_386 = arith.remsi %parallel_loop3A_368, %parallel_loop3A_369 : i32
      %parallel_loop3A_387 = arith.constant 0 : i32
      %parallel_loop3A_388 = arith.cmpi ne, %parallel_loop3A_386, %parallel_loop3A_387 : i32
      %parallel_loop3A_389 = arith.andi %parallel_loop3A_385, %parallel_loop3A_388 : i1
      %parallel_loop3A_390 = arith.constant 1 : i32
      %parallel_loop3A_391 = arith.subi %parallel_loop3A_370, %parallel_loop3A_390 : i32
      %parallel_loop3A_392 = arith.select %parallel_loop3A_389, %parallel_loop3A_391, %parallel_loop3A_370 : i32
      %parallel_loop3A_393 = arith.constant 64 : i32
      %parallel_loop3A_394 = arith.constant 0 : i32
      %parallel_loop3A_395 = arith.cmpi eq, %parallel_loop3A_393, %parallel_loop3A_394 : i32
      %parallel_loop3A_396 = arith.constant 1 : i32
      %parallel_loop3A_397 = arith.select %parallel_loop3A_395, %parallel_loop3A_396, %parallel_loop3A_393 : i32
      %parallel_loop3A_398 = arith.remsi %parallel_loop3A_368, %parallel_loop3A_397 : i32
      %parallel_loop3A_399 = arith.constant 0 : i32
      %parallel_loop3A_400 = arith.cmpi ne, %parallel_loop3A_398, %parallel_loop3A_399 : i32
      %parallel_loop3A_401 = arith.constant 0 : i32
      %parallel_loop3A_402 = arith.cmpi slt, %parallel_loop3A_398, %parallel_loop3A_401 : i32
      %parallel_loop3A_403 = arith.constant 0 : i32
      %parallel_loop3A_404 = arith.cmpi slt, %parallel_loop3A_397, %parallel_loop3A_403 : i32
      %parallel_loop3A_405 = arith.xori %parallel_loop3A_402, %parallel_loop3A_404 : i1
      %parallel_loop3A_406 = arith.andi %parallel_loop3A_405, %parallel_loop3A_400 : i1
      %parallel_loop3A_407 = arith.addi %parallel_loop3A_398, %parallel_loop3A_397 : i32
      %parallel_loop3A_408 = arith.select %parallel_loop3A_406, %parallel_loop3A_407, %parallel_loop3A_398 : i32
      %parallel_loop3A_409 = arith.constant 16 : i32
      %parallel_loop3A_410 = arith.muli %parallel_loop3A_408, %parallel_loop3A_409 : i32
      %parallel_loop3A_411 = arith.index_cast %parallel_loop3A_392 : i32 to index
      %parallel_loop3A_412 = arith.index_cast %parallel_loop3A_410 : i32 to index
      %parallel_loop3A_413 = tpu.vector_load %arg6[%parallel_loop3A_411, %parallel_loop3A_412] {strides = array<i32>} : memref<16x1024xf32, #tpu.memory_space<vmem>>, vector<1x16xf32>,
      %parallel_loop3A_414 = vector.shape_cast %parallel_loop3A_413 : vector<1x16xf32> to vector<16xf32>
      %parallel_loop3A_415 = arith.constant 3.125000e-02 : f32
      %parallel_loop3A_416 = vector.broadcast %parallel_loop3A_415 : f32 to vector<16xf32>
      %parallel_loop3A_417 = arith.mulf %parallel_loop3A_414, %parallel_loop3A_416 : vector<16xf32>
      %parallel_loop3A_418 = arith.index_cast %parallel_loop3A_392 : i32 to index
      %parallel_loop3A_419 = arith.index_cast %parallel_loop3A_410 : i32 to index
      %parallel_loop3A_420 = tpu.vector_load %arg6[%parallel_loop3A_418, %parallel_loop3A_419] {strides = array<i32>} : memref<16x1024xf32, #tpu.memory_space<vmem>>, vector<1x16xf32>,
      %parallel_loop3A_421 = vector.shape_cast %parallel_loop3A_420 : vector<1x16xf32> to vector<16xf32>
      %parallel_loop3A_422 = vector.shape_cast %parallel_loop3A_417 : vector<16xf32> to vector<1x16xf32>
      tpu.vector_store %arg6[%parallel_loop3A_418, %parallel_loop3A_419], %parallel_loop3A_422 {strides = array<i32>} : memref<16x1024xf32, #tpu.memory_space<vmem>>, vector<1x16xf32>,
    } {sc.loop_unroll_factor = 8 : i64, sc.parallel_access}
    %add3A_236 = arith.constant 144 : i32
    %add3A_237 = arith.addi %mul3A_2, %add3A_236 : i32
    %dma_start3A_238 = arith.constant 0 : i32
    %dma_start3A_239 = tpu.memref_slice %arg3[%add3A_237, %dma_start3A_238] : memref<8192x1024xf32, #tpu.memory_space<hbm>> -> memref<16x1024xf32, #tpu.memory_space<hbm>>
    %dma_start3A_240 = arith.constant 0 : i32
    %dma_start3A_241 = tpu.memref_slice %arg3[%add3A_237, %dma_start3A_240] : memref<8192x1024xf32, #tpu.memory_space<hbm>> -> memref<16x1024xf32, #tpu.memory_space<hbm>>
    tpu.enqueue_dma source(%arg6 : memref<16x1024xf32, #tpu.memory_space<vmem>>) target(%dma_start3A_241 : memref<16x1024xf32, #tpu.memory_space<hbm>>) target_semaphore(%arg20 : memref<!tpu.dma_semaphore, #tpu.memory_space<semaphore_mem>>)
    %dma_wait3A_242 = arith.constant 0 : i32
    %dma_wait3A_243 = tpu.memref_slice %arg3[%add3A_191, %dma_wait3A_242] : memref<8192x1024xf32, #tpu.memory_space<hbm>> -> memref<16x1024xf32, #tpu.memory_space<hbm>>
    %dma_wait3A_244 = arith.constant 0 : i32
    %dma_wait3A_245 = tpu.memref_slice %arg3[%add3A_191, %dma_wait3A_244] : memref<8192x1024xf32, #tpu.memory_space<hbm>> -> memref<16x1024xf32, #tpu.memory_space<hbm>>
    tpu.wait_dma2 semaphore(%arg18 : memref<!tpu.dma_semaphore, #tpu.memory_space<semaphore_mem>>) src(%arg4 : memref<16x1024xf32, #tpu.memory_space<vmem>>) dst(%dma_wait3A_245 : memref<16x1024xf32, #tpu.memory_space<hbm>>)
    %add3A_246 = arith.constant 224 : i32
    %add3A_247 = arith.addi %mul3A_2, %add3A_246 : i32
    %dma_start3A_248 = arith.constant 0 : i32
    %dma_start3A_249 = tpu.memref_slice %arg2[%add3A_247, %dma_start3A_248] : memref<8192x1024xf32, #tpu.memory_space<hbm>> -> memref<16x1024xf32, #tpu.memory_space<hbm>>
    %dma_start3A_250 = arith.constant 0 : i32
    %dma_start3A_251 = tpu.memref_slice %arg2[%add3A_247, %dma_start3A_250] : memref<8192x1024xf32, #tpu.memory_space<hbm>> -> memref<16x1024xf32, #tpu.memory_space<hbm>>
    tpu.enqueue_dma source(%dma_start3A_251 : memref<16x1024xf32, #tpu.memory_space<hbm>>) target(%arg4 : memref<16x1024xf32, #tpu.memory_space<vmem>>) target_semaphore(%arg11 : memref<!tpu.dma_semaphore, #tpu.memory_space<semaphore_mem>>)
    %dma_wait3A_252 = arith.constant 0 : i32
    %dma_wait3A_253 = tpu.memref_slice %arg2[%add3A_155, %dma_wait3A_252] : memref<8192x1024xf32, #tpu.memory_space<hbm>> -> memref<16x1024xf32, #tpu.memory_space<hbm>>
    %dma_wait3A_254 = arith.constant 0 : i32
    %dma_wait3A_255 = tpu.memref_slice %arg2[%add3A_155, %dma_wait3A_254] : memref<8192x1024xf32, #tpu.memory_space<hbm>> -> memref<16x1024xf32, #tpu.memory_space<hbm>>
    tpu.wait_dma2 semaphore(%arg14 : memref<!tpu.dma_semaphore, #tpu.memory_space<semaphore_mem>>) src(%dma_wait3A_255 : memref<16x1024xf32, #tpu.memory_space<hbm>>) dst(%arg7 : memref<16x1024xf32, #tpu.memory_space<vmem>>)
    %parallel_loop3A_256 = arith.constant 0 : i32
    %parallel_loop3A_257 = arith.constant 1024 : i32
    %parallel_loop3A_258 = arith.constant 1 : i32
    scf.for %parallel_loop3A_368 = %parallel_loop3A_256 to %parallel_loop3A_257 step %parallel_loop3A_258  : i32 {
      %parallel_loop3A_369 = arith.constant 64 : i32
      %parallel_loop3A_370 = arith.divsi %parallel_loop3A_368, %parallel_loop3A_369 : i32
      %parallel_loop3A_371 = arith.constant 0 : i32
      %parallel_loop3A_372 = arith.cmpi sgt, %parallel_loop3A_368, %parallel_loop3A_371 : i32
      %parallel_loop3A_373 = arith.extui %parallel_loop3A_372 : i1 to i32
      %parallel_loop3A_374 = arith.constant 0 : i32
      %parallel_loop3A_375 = arith.cmpi slt, %parallel_loop3A_368, %parallel_loop3A_374 : i32
      %parallel_loop3A_376 = arith.extui %parallel_loop3A_375 : i1 to i32
      %parallel_loop3A_377 = arith.subi %parallel_loop3A_373, %parallel_loop3A_376 : i32
      %parallel_loop3A_378 = arith.constant 0 : i32
      %parallel_loop3A_379 = arith.cmpi sgt, %parallel_loop3A_369, %parallel_loop3A_378 : i32
      %parallel_loop3A_380 = arith.extui %parallel_loop3A_379 : i1 to i32
      %parallel_loop3A_381 = arith.constant 0 : i32
      %parallel_loop3A_382 = arith.cmpi slt, %parallel_loop3A_369, %parallel_loop3A_381 : i32
      %parallel_loop3A_383 = arith.extui %parallel_loop3A_382 : i1 to i32
      %parallel_loop3A_384 = arith.subi %parallel_loop3A_380, %parallel_loop3A_383 : i32
      %parallel_loop3A_385 = arith.cmpi ne, %parallel_loop3A_377, %parallel_loop3A_384 : i32
      %parallel_loop3A_386 = arith.remsi %parallel_loop3A_368, %parallel_loop3A_369 : i32
      %parallel_loop3A_387 = arith.constant 0 : i32
      %parallel_loop3A_388 = arith.cmpi ne, %parallel_loop3A_386, %parallel_loop3A_387 : i32
      %parallel_loop3A_389 = arith.andi %parallel_loop3A_385, %parallel_loop3A_388 : i1
      %parallel_loop3A_390 = arith.constant 1 : i32
      %parallel_loop3A_391 = arith.subi %parallel_loop3A_370, %parallel_loop3A_390 : i32
      %parallel_loop3A_392 = arith.select %parallel_loop3A_389, %parallel_loop3A_391, %parallel_loop3A_370 : i32
      %parallel_loop3A_393 = arith.constant 64 : i32
      %parallel_loop3A_394 = arith.constant 0 : i32
      %parallel_loop3A_395 = arith.cmpi eq, %parallel_loop3A_393, %parallel_loop3A_394 : i32
      %parallel_loop3A_396 = arith.constant 1 : i32
      %parallel_loop3A_397 = arith.select %parallel_loop3A_395, %parallel_loop3A_396, %parallel_loop3A_393 : i32
      %parallel_loop3A_398 = arith.remsi %parallel_loop3A_368, %parallel_loop3A_397 : i32
      %parallel_loop3A_399 = arith.constant 0 : i32
      %parallel_loop3A_400 = arith.cmpi ne, %parallel_loop3A_398, %parallel_loop3A_399 : i32
      %parallel_loop3A_401 = arith.constant 0 : i32
      %parallel_loop3A_402 = arith.cmpi slt, %parallel_loop3A_398, %parallel_loop3A_401 : i32
      %parallel_loop3A_403 = arith.constant 0 : i32
      %parallel_loop3A_404 = arith.cmpi slt, %parallel_loop3A_397, %parallel_loop3A_403 : i32
      %parallel_loop3A_405 = arith.xori %parallel_loop3A_402, %parallel_loop3A_404 : i1
      %parallel_loop3A_406 = arith.andi %parallel_loop3A_405, %parallel_loop3A_400 : i1
      %parallel_loop3A_407 = arith.addi %parallel_loop3A_398, %parallel_loop3A_397 : i32
      %parallel_loop3A_408 = arith.select %parallel_loop3A_406, %parallel_loop3A_407, %parallel_loop3A_398 : i32
      %parallel_loop3A_409 = arith.constant 16 : i32
      %parallel_loop3A_410 = arith.muli %parallel_loop3A_408, %parallel_loop3A_409 : i32
      %parallel_loop3A_411 = arith.index_cast %parallel_loop3A_392 : i32 to index
      %parallel_loop3A_412 = arith.index_cast %parallel_loop3A_410 : i32 to index
      %parallel_loop3A_413 = tpu.vector_load %arg7[%parallel_loop3A_411, %parallel_loop3A_412] {strides = array<i32>} : memref<16x1024xf32, #tpu.memory_space<vmem>>, vector<1x16xf32>,
      %parallel_loop3A_414 = vector.shape_cast %parallel_loop3A_413 : vector<1x16xf32> to vector<16xf32>
      %parallel_loop3A_415 = arith.constant 3.125000e-02 : f32
      %parallel_loop3A_416 = vector.broadcast %parallel_loop3A_415 : f32 to vector<16xf32>
      %parallel_loop3A_417 = arith.mulf %parallel_loop3A_414, %parallel_loop3A_416 : vector<16xf32>
      %parallel_loop3A_418 = arith.index_cast %parallel_loop3A_392 : i32 to index
      %parallel_loop3A_419 = arith.index_cast %parallel_loop3A_410 : i32 to index
      %parallel_loop3A_420 = tpu.vector_load %arg7[%parallel_loop3A_418, %parallel_loop3A_419] {strides = array<i32>} : memref<16x1024xf32, #tpu.memory_space<vmem>>, vector<1x16xf32>,
      %parallel_loop3A_421 = vector.shape_cast %parallel_loop3A_420 : vector<1x16xf32> to vector<16xf32>
      %parallel_loop3A_422 = vector.shape_cast %parallel_loop3A_417 : vector<16xf32> to vector<1x16xf32>
      tpu.vector_store %arg7[%parallel_loop3A_418, %parallel_loop3A_419], %parallel_loop3A_422 {strides = array<i32>} : memref<16x1024xf32, #tpu.memory_space<vmem>>, vector<1x16xf32>,
    } {sc.loop_unroll_factor = 8 : i64, sc.parallel_access}
    %add3A_259 = arith.constant 160 : i32
    %add3A_260 = arith.addi %mul3A_2, %add3A_259 : i32
    %dma_start3A_261 = arith.constant 0 : i32
    %dma_start3A_262 = tpu.memref_slice %arg3[%add3A_260, %dma_start3A_261] : memref<8192x1024xf32, #tpu.memory_space<hbm>> -> memref<16x1024xf32, #tpu.memory_space<hbm>>
    %dma_start3A_263 = arith.constant 0 : i32
    %dma_start3A_264 = tpu.memref_slice %arg3[%add3A_260, %dma_start3A_263] : memref<8192x1024xf32, #tpu.memory_space<hbm>> -> memref<16x1024xf32, #tpu.memory_space<hbm>>
    tpu.enqueue_dma source(%arg7 : memref<16x1024xf32, #tpu.memory_space<vmem>>) target(%dma_start3A_264 : memref<16x1024xf32, #tpu.memory_space<hbm>>) target_semaphore(%arg21 : memref<!tpu.dma_semaphore, #tpu.memory_space<semaphore_mem>>)
    %dma_wait3A_265 = arith.constant 0 : i32
    %dma_wait3A_266 = tpu.memref_slice %arg3[%add3A_214, %dma_wait3A_265] : memref<8192x1024xf32, #tpu.memory_space<hbm>> -> memref<16x1024xf32, #tpu.memory_space<hbm>>
    %dma_wait3A_267 = arith.constant 0 : i32
    %dma_wait3A_268 = tpu.memref_slice %arg3[%add3A_214, %dma_wait3A_267] : memref<8192x1024xf32, #tpu.memory_space<hbm>> -> memref<16x1024xf32, #tpu.memory_space<hbm>>
    tpu.wait_dma2 semaphore(%arg19 : memref<!tpu.dma_semaphore, #tpu.memory_space<semaphore_mem>>) src(%arg5 : memref<16x1024xf32, #tpu.memory_space<vmem>>) dst(%dma_wait3A_268 : memref<16x1024xf32, #tpu.memory_space<hbm>>)
    %add3A_269 = arith.constant 240 : i32
    %add3A_270 = arith.addi %mul3A_2, %add3A_269 : i32
    %dma_start3A_271 = arith.constant 0 : i32
    %dma_start3A_272 = tpu.memref_slice %arg2[%add3A_270, %dma_start3A_271] : memref<8192x1024xf32, #tpu.memory_space<hbm>> -> memref<16x1024xf32, #tpu.memory_space<hbm>>
    %dma_start3A_273 = arith.constant 0 : i32
    %dma_start3A_274 = tpu.memref_slice %arg2[%add3A_270, %dma_start3A_273] : memref<8192x1024xf32, #tpu.memory_space<hbm>> -> memref<16x1024xf32, #tpu.memory_space<hbm>>
    tpu.enqueue_dma source(%dma_start3A_274 : memref<16x1024xf32, #tpu.memory_space<hbm>>) target(%arg5 : memref<16x1024xf32, #tpu.memory_space<vmem>>) target_semaphore(%arg12 : memref<!tpu.dma_semaphore, #tpu.memory_space<semaphore_mem>>)
    %dma_wait3A_275 = arith.constant 0 : i32
    %dma_wait3A_276 = tpu.memref_slice %arg2[%add3A_178, %dma_wait3A_275] : memref<8192x1024xf32, #tpu.memory_space<hbm>> -> memref<16x1024xf32, #tpu.memory_space<hbm>>
    %dma_wait3A_277 = arith.constant 0 : i32
    %dma_wait3A_278 = tpu.memref_slice %arg2[%add3A_178, %dma_wait3A_277] : memref<8192x1024xf32, #tpu.memory_space<hbm>> -> memref<16x1024xf32, #tpu.memory_space<hbm>>
    tpu.wait_dma2 semaphore(%arg15 : memref<!tpu.dma_semaphore, #tpu.memory_space<semaphore_mem>>) src(%dma_wait3A_278 : memref<16x1024xf32, #tpu.memory_space<hbm>>) dst(%arg8 : memref<16x1024xf32, #tpu.memory_space<vmem>>)
    %parallel_loop3A_279 = arith.constant 0 : i32
    %parallel_loop3A_280 = arith.constant 1024 : i32
    %parallel_loop3A_281 = arith.constant 1 : i32
    scf.for %parallel_loop3A_368 = %parallel_loop3A_279 to %parallel_loop3A_280 step %parallel_loop3A_281  : i32 {
      %parallel_loop3A_369 = arith.constant 64 : i32
      %parallel_loop3A_370 = arith.divsi %parallel_loop3A_368, %parallel_loop3A_369 : i32
      %parallel_loop3A_371 = arith.constant 0 : i32
      %parallel_loop3A_372 = arith.cmpi sgt, %parallel_loop3A_368, %parallel_loop3A_371 : i32
      %parallel_loop3A_373 = arith.extui %parallel_loop3A_372 : i1 to i32
      %parallel_loop3A_374 = arith.constant 0 : i32
      %parallel_loop3A_375 = arith.cmpi slt, %parallel_loop3A_368, %parallel_loop3A_374 : i32
      %parallel_loop3A_376 = arith.extui %parallel_loop3A_375 : i1 to i32
      %parallel_loop3A_377 = arith.subi %parallel_loop3A_373, %parallel_loop3A_376 : i32
      %parallel_loop3A_378 = arith.constant 0 : i32
      %parallel_loop3A_379 = arith.cmpi sgt, %parallel_loop3A_369, %parallel_loop3A_378 : i32
      %parallel_loop3A_380 = arith.extui %parallel_loop3A_379 : i1 to i32
      %parallel_loop3A_381 = arith.constant 0 : i32
      %parallel_loop3A_382 = arith.cmpi slt, %parallel_loop3A_369, %parallel_loop3A_381 : i32
      %parallel_loop3A_383 = arith.extui %parallel_loop3A_382 : i1 to i32
      %parallel_loop3A_384 = arith.subi %parallel_loop3A_380, %parallel_loop3A_383 : i32
      %parallel_loop3A_385 = arith.cmpi ne, %parallel_loop3A_377, %parallel_loop3A_384 : i32
      %parallel_loop3A_386 = arith.remsi %parallel_loop3A_368, %parallel_loop3A_369 : i32
      %parallel_loop3A_387 = arith.constant 0 : i32
      %parallel_loop3A_388 = arith.cmpi ne, %parallel_loop3A_386, %parallel_loop3A_387 : i32
      %parallel_loop3A_389 = arith.andi %parallel_loop3A_385, %parallel_loop3A_388 : i1
      %parallel_loop3A_390 = arith.constant 1 : i32
      %parallel_loop3A_391 = arith.subi %parallel_loop3A_370, %parallel_loop3A_390 : i32
      %parallel_loop3A_392 = arith.select %parallel_loop3A_389, %parallel_loop3A_391, %parallel_loop3A_370 : i32
      %parallel_loop3A_393 = arith.constant 64 : i32
      %parallel_loop3A_394 = arith.constant 0 : i32
      %parallel_loop3A_395 = arith.cmpi eq, %parallel_loop3A_393, %parallel_loop3A_394 : i32
      %parallel_loop3A_396 = arith.constant 1 : i32
      %parallel_loop3A_397 = arith.select %parallel_loop3A_395, %parallel_loop3A_396, %parallel_loop3A_393 : i32
      %parallel_loop3A_398 = arith.remsi %parallel_loop3A_368, %parallel_loop3A_397 : i32
      %parallel_loop3A_399 = arith.constant 0 : i32
      %parallel_loop3A_400 = arith.cmpi ne, %parallel_loop3A_398, %parallel_loop3A_399 : i32
      %parallel_loop3A_401 = arith.constant 0 : i32
      %parallel_loop3A_402 = arith.cmpi slt, %parallel_loop3A_398, %parallel_loop3A_401 : i32
      %parallel_loop3A_403 = arith.constant 0 : i32
      %parallel_loop3A_404 = arith.cmpi slt, %parallel_loop3A_397, %parallel_loop3A_403 : i32
      %parallel_loop3A_405 = arith.xori %parallel_loop3A_402, %parallel_loop3A_404 : i1
      %parallel_loop3A_406 = arith.andi %parallel_loop3A_405, %parallel_loop3A_400 : i1
      %parallel_loop3A_407 = arith.addi %parallel_loop3A_398, %parallel_loop3A_397 : i32
      %parallel_loop3A_408 = arith.select %parallel_loop3A_406, %parallel_loop3A_407, %parallel_loop3A_398 : i32
      %parallel_loop3A_409 = arith.constant 16 : i32
      %parallel_loop3A_410 = arith.muli %parallel_loop3A_408, %parallel_loop3A_409 : i32
      %parallel_loop3A_411 = arith.index_cast %parallel_loop3A_392 : i32 to index
      %parallel_loop3A_412 = arith.index_cast %parallel_loop3A_410 : i32 to index
      %parallel_loop3A_413 = tpu.vector_load %arg8[%parallel_loop3A_411, %parallel_loop3A_412] {strides = array<i32>} : memref<16x1024xf32, #tpu.memory_space<vmem>>, vector<1x16xf32>,
      %parallel_loop3A_414 = vector.shape_cast %parallel_loop3A_413 : vector<1x16xf32> to vector<16xf32>
      %parallel_loop3A_415 = arith.constant 3.125000e-02 : f32
      %parallel_loop3A_416 = vector.broadcast %parallel_loop3A_415 : f32 to vector<16xf32>
      %parallel_loop3A_417 = arith.mulf %parallel_loop3A_414, %parallel_loop3A_416 : vector<16xf32>
      %parallel_loop3A_418 = arith.index_cast %parallel_loop3A_392 : i32 to index
      %parallel_loop3A_419 = arith.index_cast %parallel_loop3A_410 : i32 to index
      %parallel_loop3A_420 = tpu.vector_load %arg8[%parallel_loop3A_418, %parallel_loop3A_419] {strides = array<i32>} : memref<16x1024xf32, #tpu.memory_space<vmem>>, vector<1x16xf32>,
      %parallel_loop3A_421 = vector.shape_cast %parallel_loop3A_420 : vector<1x16xf32> to vector<16xf32>
      %parallel_loop3A_422 = vector.shape_cast %parallel_loop3A_417 : vector<16xf32> to vector<1x16xf32>
      tpu.vector_store %arg8[%parallel_loop3A_418, %parallel_loop3A_419], %parallel_loop3A_422 {strides = array<i32>} : memref<16x1024xf32, #tpu.memory_space<vmem>>, vector<1x16xf32>,
    } {sc.loop_unroll_factor = 8 : i64, sc.parallel_access}
    %add3A_282 = arith.constant 176 : i32
    %add3A_283 = arith.addi %mul3A_2, %add3A_282 : i32
    %dma_start3A_284 = arith.constant 0 : i32
    %dma_start3A_285 = tpu.memref_slice %arg3[%add3A_283, %dma_start3A_284] : memref<8192x1024xf32, #tpu.memory_space<hbm>> -> memref<16x1024xf32, #tpu.memory_space<hbm>>
    %dma_start3A_286 = arith.constant 0 : i32
    %dma_start3A_287 = tpu.memref_slice %arg3[%add3A_283, %dma_start3A_286] : memref<8192x1024xf32, #tpu.memory_space<hbm>> -> memref<16x1024xf32, #tpu.memory_space<hbm>>
    tpu.enqueue_dma source(%arg8 : memref<16x1024xf32, #tpu.memory_space<vmem>>) target(%dma_start3A_287 : memref<16x1024xf32, #tpu.memory_space<hbm>>) target_semaphore(%arg22 : memref<!tpu.dma_semaphore, #tpu.memory_space<semaphore_mem>>)
    %dma_wait3A_288 = arith.constant 0 : i32
    %dma_wait3A_289 = tpu.memref_slice %arg2[%add3A_201, %dma_wait3A_288] : memref<8192x1024xf32, #tpu.memory_space<hbm>> -> memref<16x1024xf32, #tpu.memory_space<hbm>>
    %dma_wait3A_290 = arith.constant 0 : i32
    %dma_wait3A_291 = tpu.memref_slice %arg2[%add3A_201, %dma_wait3A_290] : memref<8192x1024xf32, #tpu.memory_space<hbm>> -> memref<16x1024xf32, #tpu.memory_space<hbm>>
    tpu.wait_dma2 semaphore(%arg16 : memref<!tpu.dma_semaphore, #tpu.memory_space<semaphore_mem>>) src(%dma_wait3A_291 : memref<16x1024xf32, #tpu.memory_space<hbm>>) dst(%arg9 : memref<16x1024xf32, #tpu.memory_space<vmem>>)
    %parallel_loop3A_292 = arith.constant 0 : i32
    %parallel_loop3A_293 = arith.constant 1024 : i32
    %parallel_loop3A_294 = arith.constant 1 : i32
    scf.for %parallel_loop3A_368 = %parallel_loop3A_292 to %parallel_loop3A_293 step %parallel_loop3A_294  : i32 {
      %parallel_loop3A_369 = arith.constant 64 : i32
      %parallel_loop3A_370 = arith.divsi %parallel_loop3A_368, %parallel_loop3A_369 : i32
      %parallel_loop3A_371 = arith.constant 0 : i32
      %parallel_loop3A_372 = arith.cmpi sgt, %parallel_loop3A_368, %parallel_loop3A_371 : i32
      %parallel_loop3A_373 = arith.extui %parallel_loop3A_372 : i1 to i32
      %parallel_loop3A_374 = arith.constant 0 : i32
      %parallel_loop3A_375 = arith.cmpi slt, %parallel_loop3A_368, %parallel_loop3A_374 : i32
      %parallel_loop3A_376 = arith.extui %parallel_loop3A_375 : i1 to i32
      %parallel_loop3A_377 = arith.subi %parallel_loop3A_373, %parallel_loop3A_376 : i32
      %parallel_loop3A_378 = arith.constant 0 : i32
      %parallel_loop3A_379 = arith.cmpi sgt, %parallel_loop3A_369, %parallel_loop3A_378 : i32
      %parallel_loop3A_380 = arith.extui %parallel_loop3A_379 : i1 to i32
      %parallel_loop3A_381 = arith.constant 0 : i32
      %parallel_loop3A_382 = arith.cmpi slt, %parallel_loop3A_369, %parallel_loop3A_381 : i32
      %parallel_loop3A_383 = arith.extui %parallel_loop3A_382 : i1 to i32
      %parallel_loop3A_384 = arith.subi %parallel_loop3A_380, %parallel_loop3A_383 : i32
      %parallel_loop3A_385 = arith.cmpi ne, %parallel_loop3A_377, %parallel_loop3A_384 : i32
      %parallel_loop3A_386 = arith.remsi %parallel_loop3A_368, %parallel_loop3A_369 : i32
      %parallel_loop3A_387 = arith.constant 0 : i32
      %parallel_loop3A_388 = arith.cmpi ne, %parallel_loop3A_386, %parallel_loop3A_387 : i32
      %parallel_loop3A_389 = arith.andi %parallel_loop3A_385, %parallel_loop3A_388 : i1
      %parallel_loop3A_390 = arith.constant 1 : i32
      %parallel_loop3A_391 = arith.subi %parallel_loop3A_370, %parallel_loop3A_390 : i32
      %parallel_loop3A_392 = arith.select %parallel_loop3A_389, %parallel_loop3A_391, %parallel_loop3A_370 : i32
      %parallel_loop3A_393 = arith.constant 64 : i32
      %parallel_loop3A_394 = arith.constant 0 : i32
      %parallel_loop3A_395 = arith.cmpi eq, %parallel_loop3A_393, %parallel_loop3A_394 : i32
      %parallel_loop3A_396 = arith.constant 1 : i32
      %parallel_loop3A_397 = arith.select %parallel_loop3A_395, %parallel_loop3A_396, %parallel_loop3A_393 : i32
      %parallel_loop3A_398 = arith.remsi %parallel_loop3A_368, %parallel_loop3A_397 : i32
      %parallel_loop3A_399 = arith.constant 0 : i32
      %parallel_loop3A_400 = arith.cmpi ne, %parallel_loop3A_398, %parallel_loop3A_399 : i32
      %parallel_loop3A_401 = arith.constant 0 : i32
      %parallel_loop3A_402 = arith.cmpi slt, %parallel_loop3A_398, %parallel_loop3A_401 : i32
      %parallel_loop3A_403 = arith.constant 0 : i32
      %parallel_loop3A_404 = arith.cmpi slt, %parallel_loop3A_397, %parallel_loop3A_403 : i32
      %parallel_loop3A_405 = arith.xori %parallel_loop3A_402, %parallel_loop3A_404 : i1
      %parallel_loop3A_406 = arith.andi %parallel_loop3A_405, %parallel_loop3A_400 : i1
      %parallel_loop3A_407 = arith.addi %parallel_loop3A_398, %parallel_loop3A_397 : i32
      %parallel_loop3A_408 = arith.select %parallel_loop3A_406, %parallel_loop3A_407, %parallel_loop3A_398 : i32
      %parallel_loop3A_409 = arith.constant 16 : i32
      %parallel_loop3A_410 = arith.muli %parallel_loop3A_408, %parallel_loop3A_409 : i32
      %parallel_loop3A_411 = arith.index_cast %parallel_loop3A_392 : i32 to index
      %parallel_loop3A_412 = arith.index_cast %parallel_loop3A_410 : i32 to index
      %parallel_loop3A_413 = tpu.vector_load %arg9[%parallel_loop3A_411, %parallel_loop3A_412] {strides = array<i32>} : memref<16x1024xf32, #tpu.memory_space<vmem>>, vector<1x16xf32>,
      %parallel_loop3A_414 = vector.shape_cast %parallel_loop3A_413 : vector<1x16xf32> to vector<16xf32>
      %parallel_loop3A_415 = arith.constant 3.125000e-02 : f32
      %parallel_loop3A_416 = vector.broadcast %parallel_loop3A_415 : f32 to vector<16xf32>
      %parallel_loop3A_417 = arith.mulf %parallel_loop3A_414, %parallel_loop3A_416 : vector<16xf32>
      %parallel_loop3A_418 = arith.index_cast %parallel_loop3A_392 : i32 to index
      %parallel_loop3A_419 = arith.index_cast %parallel_loop3A_410 : i32 to index
      %parallel_loop3A_420 = tpu.vector_load %arg9[%parallel_loop3A_418, %parallel_loop3A_419] {strides = array<i32>} : memref<16x1024xf32, #tpu.memory_space<vmem>>, vector<1x16xf32>,
      %parallel_loop3A_421 = vector.shape_cast %parallel_loop3A_420 : vector<1x16xf32> to vector<16xf32>
      %parallel_loop3A_422 = vector.shape_cast %parallel_loop3A_417 : vector<16xf32> to vector<1x16xf32>
      tpu.vector_store %arg9[%parallel_loop3A_418, %parallel_loop3A_419], %parallel_loop3A_422 {strides = array<i32>} : memref<16x1024xf32, #tpu.memory_space<vmem>>, vector<1x16xf32>,
    } {sc.loop_unroll_factor = 8 : i64, sc.parallel_access}
    %add3A_295 = arith.constant 192 : i32
    %add3A_296 = arith.addi %mul3A_2, %add3A_295 : i32
    %dma_start3A_297 = arith.constant 0 : i32
    %dma_start3A_298 = tpu.memref_slice %arg3[%add3A_296, %dma_start3A_297] : memref<8192x1024xf32, #tpu.memory_space<hbm>> -> memref<16x1024xf32, #tpu.memory_space<hbm>>
    %dma_start3A_299 = arith.constant 0 : i32
    %dma_start3A_300 = tpu.memref_slice %arg3[%add3A_296, %dma_start3A_299] : memref<8192x1024xf32, #tpu.memory_space<hbm>> -> memref<16x1024xf32, #tpu.memory_space<hbm>>
    tpu.enqueue_dma source(%arg9 : memref<16x1024xf32, #tpu.memory_space<vmem>>) target(%dma_start3A_300 : memref<16x1024xf32, #tpu.memory_space<hbm>>) target_semaphore(%arg23 : memref<!tpu.dma_semaphore, #tpu.memory_space<semaphore_mem>>)
    %dma_wait3A_301 = arith.constant 0 : i32
    %dma_wait3A_302 = tpu.memref_slice %arg2[%add3A_224, %dma_wait3A_301] : memref<8192x1024xf32, #tpu.memory_space<hbm>> -> memref<16x1024xf32, #tpu.memory_space<hbm>>
    %dma_wait3A_303 = arith.constant 0 : i32
    %dma_wait3A_304 = tpu.memref_slice %arg2[%add3A_224, %dma_wait3A_303] : memref<8192x1024xf32, #tpu.memory_space<hbm>> -> memref<16x1024xf32, #tpu.memory_space<hbm>>
    tpu.wait_dma2 semaphore(%arg17 : memref<!tpu.dma_semaphore, #tpu.memory_space<semaphore_mem>>) src(%dma_wait3A_304 : memref<16x1024xf32, #tpu.memory_space<hbm>>) dst(%arg10 : memref<16x1024xf32, #tpu.memory_space<vmem>>)
    %parallel_loop3A_305 = arith.constant 0 : i32
    %parallel_loop3A_306 = arith.constant 1024 : i32
    %parallel_loop3A_307 = arith.constant 1 : i32
    scf.for %parallel_loop3A_368 = %parallel_loop3A_305 to %parallel_loop3A_306 step %parallel_loop3A_307  : i32 {
      %parallel_loop3A_369 = arith.constant 64 : i32
      %parallel_loop3A_370 = arith.divsi %parallel_loop3A_368, %parallel_loop3A_369 : i32
      %parallel_loop3A_371 = arith.constant 0 : i32
      %parallel_loop3A_372 = arith.cmpi sgt, %parallel_loop3A_368, %parallel_loop3A_371 : i32
      %parallel_loop3A_373 = arith.extui %parallel_loop3A_372 : i1 to i32
      %parallel_loop3A_374 = arith.constant 0 : i32
      %parallel_loop3A_375 = arith.cmpi slt, %parallel_loop3A_368, %parallel_loop3A_374 : i32
      %parallel_loop3A_376 = arith.extui %parallel_loop3A_375 : i1 to i32
      %parallel_loop3A_377 = arith.subi %parallel_loop3A_373, %parallel_loop3A_376 : i32
      %parallel_loop3A_378 = arith.constant 0 : i32
      %parallel_loop3A_379 = arith.cmpi sgt, %parallel_loop3A_369, %parallel_loop3A_378 : i32
      %parallel_loop3A_380 = arith.extui %parallel_loop3A_379 : i1 to i32
      %parallel_loop3A_381 = arith.constant 0 : i32
      %parallel_loop3A_382 = arith.cmpi slt, %parallel_loop3A_369, %parallel_loop3A_381 : i32
      %parallel_loop3A_383 = arith.extui %parallel_loop3A_382 : i1 to i32
      %parallel_loop3A_384 = arith.subi %parallel_loop3A_380, %parallel_loop3A_383 : i32
      %parallel_loop3A_385 = arith.cmpi ne, %parallel_loop3A_377, %parallel_loop3A_384 : i32
      %parallel_loop3A_386 = arith.remsi %parallel_loop3A_368, %parallel_loop3A_369 : i32
      %parallel_loop3A_387 = arith.constant 0 : i32
      %parallel_loop3A_388 = arith.cmpi ne, %parallel_loop3A_386, %parallel_loop3A_387 : i32
      %parallel_loop3A_389 = arith.andi %parallel_loop3A_385, %parallel_loop3A_388 : i1
      %parallel_loop3A_390 = arith.constant 1 : i32
      %parallel_loop3A_391 = arith.subi %parallel_loop3A_370, %parallel_loop3A_390 : i32
      %parallel_loop3A_392 = arith.select %parallel_loop3A_389, %parallel_loop3A_391, %parallel_loop3A_370 : i32
      %parallel_loop3A_393 = arith.constant 64 : i32
      %parallel_loop3A_394 = arith.constant 0 : i32
      %parallel_loop3A_395 = arith.cmpi eq, %parallel_loop3A_393, %parallel_loop3A_394 : i32
      %parallel_loop3A_396 = arith.constant 1 : i32
      %parallel_loop3A_397 = arith.select %parallel_loop3A_395, %parallel_loop3A_396, %parallel_loop3A_393 : i32
      %parallel_loop3A_398 = arith.remsi %parallel_loop3A_368, %parallel_loop3A_397 : i32
      %parallel_loop3A_399 = arith.constant 0 : i32
      %parallel_loop3A_400 = arith.cmpi ne, %parallel_loop3A_398, %parallel_loop3A_399 : i32
      %parallel_loop3A_401 = arith.constant 0 : i32
      %parallel_loop3A_402 = arith.cmpi slt, %parallel_loop3A_398, %parallel_loop3A_401 : i32
      %parallel_loop3A_403 = arith.constant 0 : i32
      %parallel_loop3A_404 = arith.cmpi slt, %parallel_loop3A_397, %parallel_loop3A_403 : i32
      %parallel_loop3A_405 = arith.xori %parallel_loop3A_402, %parallel_loop3A_404 : i1
      %parallel_loop3A_406 = arith.andi %parallel_loop3A_405, %parallel_loop3A_400 : i1
      %parallel_loop3A_407 = arith.addi %parallel_loop3A_398, %parallel_loop3A_397 : i32
      %parallel_loop3A_408 = arith.select %parallel_loop3A_406, %parallel_loop3A_407, %parallel_loop3A_398 : i32
      %parallel_loop3A_409 = arith.constant 16 : i32
      %parallel_loop3A_410 = arith.muli %parallel_loop3A_408, %parallel_loop3A_409 : i32
      %parallel_loop3A_411 = arith.index_cast %parallel_loop3A_392 : i32 to index
      %parallel_loop3A_412 = arith.index_cast %parallel_loop3A_410 : i32 to index
      %parallel_loop3A_413 = tpu.vector_load %arg10[%parallel_loop3A_411, %parallel_loop3A_412] {strides = array<i32>} : memref<16x1024xf32, #tpu.memory_space<vmem>>, vector<1x16xf32>,
      %parallel_loop3A_414 = vector.shape_cast %parallel_loop3A_413 : vector<1x16xf32> to vector<16xf32>
      %parallel_loop3A_415 = arith.constant 3.125000e-02 : f32
      %parallel_loop3A_416 = vector.broadcast %parallel_loop3A_415 : f32 to vector<16xf32>
      %parallel_loop3A_417 = arith.mulf %parallel_loop3A_414, %parallel_loop3A_416 : vector<16xf32>
      %parallel_loop3A_418 = arith.index_cast %parallel_loop3A_392 : i32 to index
      %parallel_loop3A_419 = arith.index_cast %parallel_loop3A_410 : i32 to index
      %parallel_loop3A_420 = tpu.vector_load %arg10[%parallel_loop3A_418, %parallel_loop3A_419] {strides = array<i32>} : memref<16x1024xf32, #tpu.memory_space<vmem>>, vector<1x16xf32>,
      %parallel_loop3A_421 = vector.shape_cast %parallel_loop3A_420 : vector<1x16xf32> to vector<16xf32>
      %parallel_loop3A_422 = vector.shape_cast %parallel_loop3A_417 : vector<16xf32> to vector<1x16xf32>
      tpu.vector_store %arg10[%parallel_loop3A_418, %parallel_loop3A_419], %parallel_loop3A_422 {strides = array<i32>} : memref<16x1024xf32, #tpu.memory_space<vmem>>, vector<1x16xf32>,
    } {sc.loop_unroll_factor = 8 : i64, sc.parallel_access}
    %add3A_308 = arith.constant 208 : i32
    %add3A_309 = arith.addi %mul3A_2, %add3A_308 : i32
    %dma_start3A_310 = arith.constant 0 : i32
    %dma_start3A_311 = tpu.memref_slice %arg3[%add3A_309, %dma_start3A_310] : memref<8192x1024xf32, #tpu.memory_space<hbm>> -> memref<16x1024xf32, #tpu.memory_space<hbm>>
    %dma_start3A_312 = arith.constant 0 : i32
    %dma_start3A_313 = tpu.memref_slice %arg3[%add3A_309, %dma_start3A_312] : memref<8192x1024xf32, #tpu.memory_space<hbm>> -> memref<16x1024xf32, #tpu.memory_space<hbm>>
    tpu.enqueue_dma source(%arg10 : memref<16x1024xf32, #tpu.memory_space<vmem>>) target(%dma_start3A_313 : memref<16x1024xf32, #tpu.memory_space<hbm>>) target_semaphore(%arg24 : memref<!tpu.dma_semaphore, #tpu.memory_space<semaphore_mem>>)
    %dma_wait3A_314 = arith.constant 0 : i32
    %dma_wait3A_315 = tpu.memref_slice %arg2[%add3A_247, %dma_wait3A_314] : memref<8192x1024xf32, #tpu.memory_space<hbm>> -> memref<16x1024xf32, #tpu.memory_space<hbm>>
    %dma_wait3A_316 = arith.constant 0 : i32
    %dma_wait3A_317 = tpu.memref_slice %arg2[%add3A_247, %dma_wait3A_316] : memref<8192x1024xf32, #tpu.memory_space<hbm>> -> memref<16x1024xf32, #tpu.memory_space<hbm>>
    tpu.wait_dma2 semaphore(%arg11 : memref<!tpu.dma_semaphore, #tpu.memory_space<semaphore_mem>>) src(%dma_wait3A_317 : memref<16x1024xf32, #tpu.memory_space<hbm>>) dst(%arg4 : memref<16x1024xf32, #tpu.memory_space<vmem>>)
    %parallel_loop3A_318 = arith.constant 0 : i32
    %parallel_loop3A_319 = arith.constant 1024 : i32
    %parallel_loop3A_320 = arith.constant 1 : i32
    scf.for %parallel_loop3A_368 = %parallel_loop3A_318 to %parallel_loop3A_319 step %parallel_loop3A_320  : i32 {
      %parallel_loop3A_369 = arith.constant 64 : i32
      %parallel_loop3A_370 = arith.divsi %parallel_loop3A_368, %parallel_loop3A_369 : i32
      %parallel_loop3A_371 = arith.constant 0 : i32
      %parallel_loop3A_372 = arith.cmpi sgt, %parallel_loop3A_368, %parallel_loop3A_371 : i32
      %parallel_loop3A_373 = arith.extui %parallel_loop3A_372 : i1 to i32
      %parallel_loop3A_374 = arith.constant 0 : i32
      %parallel_loop3A_375 = arith.cmpi slt, %parallel_loop3A_368, %parallel_loop3A_374 : i32
      %parallel_loop3A_376 = arith.extui %parallel_loop3A_375 : i1 to i32
      %parallel_loop3A_377 = arith.subi %parallel_loop3A_373, %parallel_loop3A_376 : i32
      %parallel_loop3A_378 = arith.constant 0 : i32
      %parallel_loop3A_379 = arith.cmpi sgt, %parallel_loop3A_369, %parallel_loop3A_378 : i32
      %parallel_loop3A_380 = arith.extui %parallel_loop3A_379 : i1 to i32
      %parallel_loop3A_381 = arith.constant 0 : i32
      %parallel_loop3A_382 = arith.cmpi slt, %parallel_loop3A_369, %parallel_loop3A_381 : i32
      %parallel_loop3A_383 = arith.extui %parallel_loop3A_382 : i1 to i32
      %parallel_loop3A_384 = arith.subi %parallel_loop3A_380, %parallel_loop3A_383 : i32
      %parallel_loop3A_385 = arith.cmpi ne, %parallel_loop3A_377, %parallel_loop3A_384 : i32
      %parallel_loop3A_386 = arith.remsi %parallel_loop3A_368, %parallel_loop3A_369 : i32
      %parallel_loop3A_387 = arith.constant 0 : i32
      %parallel_loop3A_388 = arith.cmpi ne, %parallel_loop3A_386, %parallel_loop3A_387 : i32
      %parallel_loop3A_389 = arith.andi %parallel_loop3A_385, %parallel_loop3A_388 : i1
      %parallel_loop3A_390 = arith.constant 1 : i32
      %parallel_loop3A_391 = arith.subi %parallel_loop3A_370, %parallel_loop3A_390 : i32
      %parallel_loop3A_392 = arith.select %parallel_loop3A_389, %parallel_loop3A_391, %parallel_loop3A_370 : i32
      %parallel_loop3A_393 = arith.constant 64 : i32
      %parallel_loop3A_394 = arith.constant 0 : i32
      %parallel_loop3A_395 = arith.cmpi eq, %parallel_loop3A_393, %parallel_loop3A_394 : i32
      %parallel_loop3A_396 = arith.constant 1 : i32
      %parallel_loop3A_397 = arith.select %parallel_loop3A_395, %parallel_loop3A_396, %parallel_loop3A_393 : i32
      %parallel_loop3A_398 = arith.remsi %parallel_loop3A_368, %parallel_loop3A_397 : i32
      %parallel_loop3A_399 = arith.constant 0 : i32
      %parallel_loop3A_400 = arith.cmpi ne, %parallel_loop3A_398, %parallel_loop3A_399 : i32
      %parallel_loop3A_401 = arith.constant 0 : i32
      %parallel_loop3A_402 = arith.cmpi slt, %parallel_loop3A_398, %parallel_loop3A_401 : i32
      %parallel_loop3A_403 = arith.constant 0 : i32
      %parallel_loop3A_404 = arith.cmpi slt, %parallel_loop3A_397, %parallel_loop3A_403 : i32
      %parallel_loop3A_405 = arith.xori %parallel_loop3A_402, %parallel_loop3A_404 : i1
      %parallel_loop3A_406 = arith.andi %parallel_loop3A_405, %parallel_loop3A_400 : i1
      %parallel_loop3A_407 = arith.addi %parallel_loop3A_398, %parallel_loop3A_397 : i32
      %parallel_loop3A_408 = arith.select %parallel_loop3A_406, %parallel_loop3A_407, %parallel_loop3A_398 : i32
      %parallel_loop3A_409 = arith.constant 16 : i32
      %parallel_loop3A_410 = arith.muli %parallel_loop3A_408, %parallel_loop3A_409 : i32
      %parallel_loop3A_411 = arith.index_cast %parallel_loop3A_392 : i32 to index
      %parallel_loop3A_412 = arith.index_cast %parallel_loop3A_410 : i32 to index
      %parallel_loop3A_413 = tpu.vector_load %arg4[%parallel_loop3A_411, %parallel_loop3A_412] {strides = array<i32>} : memref<16x1024xf32, #tpu.memory_space<vmem>>, vector<1x16xf32>,
      %parallel_loop3A_414 = vector.shape_cast %parallel_loop3A_413 : vector<1x16xf32> to vector<16xf32>
      %parallel_loop3A_415 = arith.constant 3.125000e-02 : f32
      %parallel_loop3A_416 = vector.broadcast %parallel_loop3A_415 : f32 to vector<16xf32>
      %parallel_loop3A_417 = arith.mulf %parallel_loop3A_414, %parallel_loop3A_416 : vector<16xf32>
      %parallel_loop3A_418 = arith.index_cast %parallel_loop3A_392 : i32 to index
      %parallel_loop3A_419 = arith.index_cast %parallel_loop3A_410 : i32 to index
      %parallel_loop3A_420 = tpu.vector_load %arg4[%parallel_loop3A_418, %parallel_loop3A_419] {strides = array<i32>} : memref<16x1024xf32, #tpu.memory_space<vmem>>, vector<1x16xf32>,
      %parallel_loop3A_421 = vector.shape_cast %parallel_loop3A_420 : vector<1x16xf32> to vector<16xf32>
      %parallel_loop3A_422 = vector.shape_cast %parallel_loop3A_417 : vector<16xf32> to vector<1x16xf32>
      tpu.vector_store %arg4[%parallel_loop3A_418, %parallel_loop3A_419], %parallel_loop3A_422 {strides = array<i32>} : memref<16x1024xf32, #tpu.memory_space<vmem>>, vector<1x16xf32>,
    } {sc.loop_unroll_factor = 8 : i64, sc.parallel_access}
    %add3A_321 = arith.constant 224 : i32
    %add3A_322 = arith.addi %mul3A_2, %add3A_321 : i32
    %dma_start3A_323 = arith.constant 0 : i32
    %dma_start3A_324 = tpu.memref_slice %arg3[%add3A_322, %dma_start3A_323] : memref<8192x1024xf32, #tpu.memory_space<hbm>> -> memref<16x1024xf32, #tpu.memory_space<hbm>>
    %dma_start3A_325 = arith.constant 0 : i32
    %dma_start3A_326 = tpu.memref_slice %arg3[%add3A_322, %dma_start3A_325] : memref<8192x1024xf32, #tpu.memory_space<hbm>> -> memref<16x1024xf32, #tpu.memory_space<hbm>>
    tpu.enqueue_dma source(%arg4 : memref<16x1024xf32, #tpu.memory_space<vmem>>) target(%dma_start3A_326 : memref<16x1024xf32, #tpu.memory_space<hbm>>) target_semaphore(%arg18 : memref<!tpu.dma_semaphore, #tpu.memory_space<semaphore_mem>>)
    %dma_wait3A_327 = arith.constant 0 : i32
    %dma_wait3A_328 = tpu.memref_slice %arg2[%add3A_270, %dma_wait3A_327] : memref<8192x1024xf32, #tpu.memory_space<hbm>> -> memref<16x1024xf32, #tpu.memory_space<hbm>>
    %dma_wait3A_329 = arith.constant 0 : i32
    %dma_wait3A_330 = tpu.memref_slice %arg2[%add3A_270, %dma_wait3A_329] : memref<8192x1024xf32, #tpu.memory_space<hbm>> -> memref<16x1024xf32, #tpu.memory_space<hbm>>
    tpu.wait_dma2 semaphore(%arg12 : memref<!tpu.dma_semaphore, #tpu.memory_space<semaphore_mem>>) src(%dma_wait3A_330 : memref<16x1024xf32, #tpu.memory_space<hbm>>) dst(%arg5 : memref<16x1024xf32, #tpu.memory_space<vmem>>)
    %parallel_loop3A_331 = arith.constant 0 : i32
    %parallel_loop3A_332 = arith.constant 1024 : i32
    %parallel_loop3A_333 = arith.constant 1 : i32
    scf.for %parallel_loop3A_368 = %parallel_loop3A_331 to %parallel_loop3A_332 step %parallel_loop3A_333  : i32 {
      %parallel_loop3A_369 = arith.constant 64 : i32
      %parallel_loop3A_370 = arith.divsi %parallel_loop3A_368, %parallel_loop3A_369 : i32
      %parallel_loop3A_371 = arith.constant 0 : i32
      %parallel_loop3A_372 = arith.cmpi sgt, %parallel_loop3A_368, %parallel_loop3A_371 : i32
      %parallel_loop3A_373 = arith.extui %parallel_loop3A_372 : i1 to i32
      %parallel_loop3A_374 = arith.constant 0 : i32
      %parallel_loop3A_375 = arith.cmpi slt, %parallel_loop3A_368, %parallel_loop3A_374 : i32
      %parallel_loop3A_376 = arith.extui %parallel_loop3A_375 : i1 to i32
      %parallel_loop3A_377 = arith.subi %parallel_loop3A_373, %parallel_loop3A_376 : i32
      %parallel_loop3A_378 = arith.constant 0 : i32
      %parallel_loop3A_379 = arith.cmpi sgt, %parallel_loop3A_369, %parallel_loop3A_378 : i32
      %parallel_loop3A_380 = arith.extui %parallel_loop3A_379 : i1 to i32
      %parallel_loop3A_381 = arith.constant 0 : i32
      %parallel_loop3A_382 = arith.cmpi slt, %parallel_loop3A_369, %parallel_loop3A_381 : i32
      %parallel_loop3A_383 = arith.extui %parallel_loop3A_382 : i1 to i32
      %parallel_loop3A_384 = arith.subi %parallel_loop3A_380, %parallel_loop3A_383 : i32
      %parallel_loop3A_385 = arith.cmpi ne, %parallel_loop3A_377, %parallel_loop3A_384 : i32
      %parallel_loop3A_386 = arith.remsi %parallel_loop3A_368, %parallel_loop3A_369 : i32
      %parallel_loop3A_387 = arith.constant 0 : i32
      %parallel_loop3A_388 = arith.cmpi ne, %parallel_loop3A_386, %parallel_loop3A_387 : i32
      %parallel_loop3A_389 = arith.andi %parallel_loop3A_385, %parallel_loop3A_388 : i1
      %parallel_loop3A_390 = arith.constant 1 : i32
      %parallel_loop3A_391 = arith.subi %parallel_loop3A_370, %parallel_loop3A_390 : i32
      %parallel_loop3A_392 = arith.select %parallel_loop3A_389, %parallel_loop3A_391, %parallel_loop3A_370 : i32
      %parallel_loop3A_393 = arith.constant 64 : i32
      %parallel_loop3A_394 = arith.constant 0 : i32
      %parallel_loop3A_395 = arith.cmpi eq, %parallel_loop3A_393, %parallel_loop3A_394 : i32
      %parallel_loop3A_396 = arith.constant 1 : i32
      %parallel_loop3A_397 = arith.select %parallel_loop3A_395, %parallel_loop3A_396, %parallel_loop3A_393 : i32
      %parallel_loop3A_398 = arith.remsi %parallel_loop3A_368, %parallel_loop3A_397 : i32
      %parallel_loop3A_399 = arith.constant 0 : i32
      %parallel_loop3A_400 = arith.cmpi ne, %parallel_loop3A_398, %parallel_loop3A_399 : i32
      %parallel_loop3A_401 = arith.constant 0 : i32
      %parallel_loop3A_402 = arith.cmpi slt, %parallel_loop3A_398, %parallel_loop3A_401 : i32
      %parallel_loop3A_403 = arith.constant 0 : i32
      %parallel_loop3A_404 = arith.cmpi slt, %parallel_loop3A_397, %parallel_loop3A_403 : i32
      %parallel_loop3A_405 = arith.xori %parallel_loop3A_402, %parallel_loop3A_404 : i1
      %parallel_loop3A_406 = arith.andi %parallel_loop3A_405, %parallel_loop3A_400 : i1
      %parallel_loop3A_407 = arith.addi %parallel_loop3A_398, %parallel_loop3A_397 : i32
      %parallel_loop3A_408 = arith.select %parallel_loop3A_406, %parallel_loop3A_407, %parallel_loop3A_398 : i32
      %parallel_loop3A_409 = arith.constant 16 : i32
      %parallel_loop3A_410 = arith.muli %parallel_loop3A_408, %parallel_loop3A_409 : i32
      %parallel_loop3A_411 = arith.index_cast %parallel_loop3A_392 : i32 to index
      %parallel_loop3A_412 = arith.index_cast %parallel_loop3A_410 : i32 to index
      %parallel_loop3A_413 = tpu.vector_load %arg5[%parallel_loop3A_411, %parallel_loop3A_412] {strides = array<i32>} : memref<16x1024xf32, #tpu.memory_space<vmem>>, vector<1x16xf32>,
      %parallel_loop3A_414 = vector.shape_cast %parallel_loop3A_413 : vector<1x16xf32> to vector<16xf32>
      %parallel_loop3A_415 = arith.constant 3.125000e-02 : f32
      %parallel_loop3A_416 = vector.broadcast %parallel_loop3A_415 : f32 to vector<16xf32>
      %parallel_loop3A_417 = arith.mulf %parallel_loop3A_414, %parallel_loop3A_416 : vector<16xf32>
      %parallel_loop3A_418 = arith.index_cast %parallel_loop3A_392 : i32 to index
      %parallel_loop3A_419 = arith.index_cast %parallel_loop3A_410 : i32 to index
      %parallel_loop3A_420 = tpu.vector_load %arg5[%parallel_loop3A_418, %parallel_loop3A_419] {strides = array<i32>} : memref<16x1024xf32, #tpu.memory_space<vmem>>, vector<1x16xf32>,
      %parallel_loop3A_421 = vector.shape_cast %parallel_loop3A_420 : vector<1x16xf32> to vector<16xf32>
      %parallel_loop3A_422 = vector.shape_cast %parallel_loop3A_417 : vector<16xf32> to vector<1x16xf32>
      tpu.vector_store %arg5[%parallel_loop3A_418, %parallel_loop3A_419], %parallel_loop3A_422 {strides = array<i32>} : memref<16x1024xf32, #tpu.memory_space<vmem>>, vector<1x16xf32>,
    } {sc.loop_unroll_factor = 8 : i64, sc.parallel_access}
    %add3A_334 = arith.constant 240 : i32
    %add3A_335 = arith.addi %mul3A_2, %add3A_334 : i32
    %dma_start3A_336 = arith.constant 0 : i32
    %dma_start3A_337 = tpu.memref_slice %arg3[%add3A_335, %dma_start3A_336] : memref<8192x1024xf32, #tpu.memory_space<hbm>> -> memref<16x1024xf32, #tpu.memory_space<hbm>>
    %dma_start3A_338 = arith.constant 0 : i32
    %dma_start3A_339 = tpu.memref_slice %arg3[%add3A_335, %dma_start3A_338] : memref<8192x1024xf32, #tpu.memory_space<hbm>> -> memref<16x1024xf32, #tpu.memory_space<hbm>>
    tpu.enqueue_dma source(%arg5 : memref<16x1024xf32, #tpu.memory_space<vmem>>) target(%dma_start3A_339 : memref<16x1024xf32, #tpu.memory_space<hbm>>) target_semaphore(%arg19 : memref<!tpu.dma_semaphore, #tpu.memory_space<semaphore_mem>>)
    %dma_wait3A_340 = arith.constant 0 : i32
    %dma_wait3A_341 = tpu.memref_slice %arg3[%add3A_237, %dma_wait3A_340] : memref<8192x1024xf32, #tpu.memory_space<hbm>> -> memref<16x1024xf32, #tpu.memory_space<hbm>>
    %dma_wait3A_342 = arith.constant 0 : i32
    %dma_wait3A_343 = tpu.memref_slice %arg3[%add3A_237, %dma_wait3A_342] : memref<8192x1024xf32, #tpu.memory_space<hbm>> -> memref<16x1024xf32, #tpu.memory_space<hbm>>
    tpu.wait_dma2 semaphore(%arg20 : memref<!tpu.dma_semaphore, #tpu.memory_space<semaphore_mem>>) src(%arg6 : memref<16x1024xf32, #tpu.memory_space<vmem>>) dst(%dma_wait3A_343 : memref<16x1024xf32, #tpu.memory_space<hbm>>)
    %dma_wait3A_344 = arith.constant 0 : i32
    %dma_wait3A_345 = tpu.memref_slice %arg3[%add3A_260, %dma_wait3A_344] : memref<8192x1024xf32, #tpu.memory_space<hbm>> -> memref<16x1024xf32, #tpu.memory_space<hbm>>
    %dma_wait3A_346 = arith.constant 0 : i32
    %dma_wait3A_347 = tpu.memref_slice %arg3[%add3A_260, %dma_wait3A_346] : memref<8192x1024xf32, #tpu.memory_space<hbm>> -> memref<16x1024xf32, #tpu.memory_space<hbm>>
    tpu.wait_dma2 semaphore(%arg21 : memref<!tpu.dma_semaphore, #tpu.memory_space<semaphore_mem>>) src(%arg7 : memref<16x1024xf32, #tpu.memory_space<vmem>>) dst(%dma_wait3A_347 : memref<16x1024xf32, #tpu.memory_space<hbm>>)
    %dma_wait3A_348 = arith.constant 0 : i32
    %dma_wait3A_349 = tpu.memref_slice %arg3[%add3A_283, %dma_wait3A_348] : memref<8192x1024xf32, #tpu.memory_space<hbm>> -> memref<16x1024xf32, #tpu.memory_space<hbm>>
    %dma_wait3A_350 = arith.constant 0 : i32
    %dma_wait3A_351 = tpu.memref_slice %arg3[%add3A_283, %dma_wait3A_350] : memref<8192x1024xf32, #tpu.memory_space<hbm>> -> memref<16x1024xf32, #tpu.memory_space<hbm>>
    tpu.wait_dma2 semaphore(%arg22 : memref<!tpu.dma_semaphore, #tpu.memory_space<semaphore_mem>>) src(%arg8 : memref<16x1024xf32, #tpu.memory_space<vmem>>) dst(%dma_wait3A_351 : memref<16x1024xf32, #tpu.memory_space<hbm>>)
    %dma_wait3A_352 = arith.constant 0 : i32
    %dma_wait3A_353 = tpu.memref_slice %arg3[%add3A_296, %dma_wait3A_352] : memref<8192x1024xf32, #tpu.memory_space<hbm>> -> memref<16x1024xf32, #tpu.memory_space<hbm>>
    %dma_wait3A_354 = arith.constant 0 : i32
    %dma_wait3A_355 = tpu.memref_slice %arg3[%add3A_296, %dma_wait3A_354] : memref<8192x1024xf32, #tpu.memory_space<hbm>> -> memref<16x1024xf32, #tpu.memory_space<hbm>>
    tpu.wait_dma2 semaphore(%arg23 : memref<!tpu.dma_semaphore, #tpu.memory_space<semaphore_mem>>) src(%arg9 : memref<16x1024xf32, #tpu.memory_space<vmem>>) dst(%dma_wait3A_355 : memref<16x1024xf32, #tpu.memory_space<hbm>>)
    %dma_wait3A_356 = arith.constant 0 : i32
    %dma_wait3A_357 = tpu.memref_slice %arg3[%add3A_309, %dma_wait3A_356] : memref<8192x1024xf32, #tpu.memory_space<hbm>> -> memref<16x1024xf32, #tpu.memory_space<hbm>>
    %dma_wait3A_358 = arith.constant 0 : i32
    %dma_wait3A_359 = tpu.memref_slice %arg3[%add3A_309, %dma_wait3A_358] : memref<8192x1024xf32, #tpu.memory_space<hbm>> -> memref<16x1024xf32, #tpu.memory_space<hbm>>
    tpu.wait_dma2 semaphore(%arg24 : memref<!tpu.dma_semaphore, #tpu.memory_space<semaphore_mem>>) src(%arg10 : memref<16x1024xf32, #tpu.memory_space<vmem>>) dst(%dma_wait3A_359 : memref<16x1024xf32, #tpu.memory_space<hbm>>)
    %dma_wait3A_360 = arith.constant 0 : i32
    %dma_wait3A_361 = tpu.memref_slice %arg3[%add3A_322, %dma_wait3A_360] : memref<8192x1024xf32, #tpu.memory_space<hbm>> -> memref<16x1024xf32, #tpu.memory_space<hbm>>
    %dma_wait3A_362 = arith.constant 0 : i32
    %dma_wait3A_363 = tpu.memref_slice %arg3[%add3A_322, %dma_wait3A_362] : memref<8192x1024xf32, #tpu.memory_space<hbm>> -> memref<16x1024xf32, #tpu.memory_space<hbm>>
    tpu.wait_dma2 semaphore(%arg18 : memref<!tpu.dma_semaphore, #tpu.memory_space<semaphore_mem>>) src(%arg4 : memref<16x1024xf32, #tpu.memory_space<vmem>>) dst(%dma_wait3A_363 : memref<16x1024xf32, #tpu.memory_space<hbm>>)
    %dma_wait3A_364 = arith.constant 0 : i32
    %dma_wait3A_365 = tpu.memref_slice %arg3[%add3A_335, %dma_wait3A_364] : memref<8192x1024xf32, #tpu.memory_space<hbm>> -> memref<16x1024xf32, #tpu.memory_space<hbm>>
    %dma_wait3A_366 = arith.constant 0 : i32
    %dma_wait3A_367 = tpu.memref_slice %arg3[%add3A_335, %dma_wait3A_366] : memref<8192x1024xf32, #tpu.memory_space<hbm>> -> memref<16x1024xf32, #tpu.memory_space<hbm>>
    tpu.wait_dma2 semaphore(%arg19 : memref<!tpu.dma_semaphore, #tpu.memory_space<semaphore_mem>>) src(%arg5 : memref<16x1024xf32, #tpu.memory_space<vmem>>) dst(%dma_wait3A_367 : memref<16x1024xf32, #tpu.memory_space<hbm>>)
    return
  }
}

</mosaic_0001>

<sc_bundles>
// kernel: kernel.3.cloned.1.call-start
scs
__scs_entry_jumppad:
0x0: {  	(pc) =	sbr.rel $0x88, $3  }
0x1: {  	(tag) =	ssettag $0x0;
	lr =	simm.s32 $0x1  }
0x2: {  	[smem:$0x3FA0] =	sst lr;
	_ =	strace $0xD0000000  }
0x3: {  	_ = 	snop  }
0x4: {  	_ = 	snop  }
0x5: {  	_ = 	snop  }
0x6: {  	_ = 	snop  }
0x7: {  	_ = 	snop  }
__scs_overlays_trampoline_lowered:
0x8: {  	[smem:$0x3FAF] =	sst s0  }
0x9: {  	[smem:$0x3FB0] =	sst s1  }
0xa: {  	[smem:$0x3FB1] =	sst s2  }
0xb: {  	[smem:$0x3FB2] =	sst s3  }
0xc: {  	[smem:$0x3FB3] =	sst s4  }
0xd: {  	[smem:$0x3FB4] =	sst s5  }
0xe: {  	[smem:$0x3FB5] =	sst s6  }
0xf: {  	[smem:$0x3FB6] =	sst s7  }
0x10: {  	[smem:$0x3FB7] =	sst s8  }
0x11: {  	[smem:$0x3FB8] =	sst s9;
	s0 =	simm.s32 @!p0 $0x0  }
0x12: {  	s1 =	sld [smem:$0x3F9E];
	s0 =	simm.s32 @p0 $0x1  }
0x13: {  	[smem:$0x3FB9] =	sst s0;
	s0 =	simm.s32 @!p1 $0x0  }
0x14: {  	s2 =	sld [smem:$0x3F9D];
	s0 =	simm.s32 @p1 $0x1  }
0x15: {  	[smem:$0x3FBA] =	sst s0;
	s0 =	simm.s32 @!p2 $0x0  }
0x16: {  	s3 =	sld [smem:$0x3FDB];
	s0 =	simm.s32 @p2 $0x1  }
0x17: {  	s4 =	simm.s32 $0x1BF5;
	[smem:$0x3FBC] =	sst s0  }
0x18: {  	s0 =	sld [smem:$0x3F9F];
	_ =	swait.ge [sflag:s4], $0x0  }
0x19: {  	s7 =	sld [smem:$0x3FA0]  }
0x1a: {  	s8 =	sadd.s32 $0xFFFFE003, lr  }
0x1b: {  	s9 =	sadd.s32 $0xFFFFFEF7, lr;
	s5 =	simm.s32 $0xFFFFFFFF;
	p2 =	slt.u32 s8, $0xFFFFF086  }
0x1c: {  	p1 =	slt.u32 s9, $0xF7A;
	s5 =	simm.s32 @!p2 $0x0  }
0x1d: {  	s5 =	simm.s32 @p1 $0x1;
	p0 =	seq.s32 s7, s2  }
0x1e: {  	s7 =	smul.u32 @!p0 $0xF7A, s2;
	p2 =	seq.s32 @!p0 s5, $0x0  }
0x1f: {  	s9 =	smul.u32 $0xF7A, s1;
	s8 =	simm.s32 @!p0 $0x1BF5;
	p2 =	por !p2, p0  }
0x20: {  	[sflag:s8] =	ssyncset.s32 @!p0 $0xFFFFF086;
	s6 =	sadd.s32 @!p0 s3, s7;
	s7 =	simm.s32 @!p0 $0x108  }
0x21: {  	s3 =	sadd.s32 s3, s9;
	s6 =	sadd.s32 @!p0 $0x88, s6;
	s7 =	simm.s32 @p2 $0x1082  }
0x22: {  	[simem:s7], [sflag:s8] =	dma.local @!p0 [hbm:s6], $0xF7A  }
0x23: {  	s9 =	sor.u32 $0xD0000000, s2;
	s6 =	simm.s32 $0x108;
	_ =	swait.ge @!p0 [sflag:s8], $0x0  }
0x24: {  	s3 =	sadd.s32 $0x88, s3;
	s6 =	simm.s32 @!p1 $0x1082;
	[sflag:s4] =	ssyncset.s32 $0xFFFFF086  }
0x25: {  	[simem:s6], [sflag:s4] =	dma.local [hbm:s3], $0xF7A  }
0x26: {  	[smem:$0x3FA0] =	sst s1;
	(tag) =	ssettag s2;
	_ =	strace s9  }
0x27: {  	s1 =	sld [smem:$0x3FB0]  }
0x28: {  	s2 =	sld [smem:$0x3FB1]  }
0x29: {  	s4 =	sld [smem:$0x3FB3]  }
0x2a: {  	p0 =	seq.s32 s5, $0x0;
	s5 =	sld [smem:$0x3FB4]  }
0x2b: {  	s6 =	sld [smem:$0x3FB5]  }
0x2c: {  	s7 =	sld [smem:$0x3FB6]  }
0x2d: {  	s3 =	simm.s32 $0x108;
	s8 =	sld [smem:$0x3FB7]  }
0x2e: {  	s3 =	simm.s32 @!p0 $0x1082;
	s9 =	sld [smem:$0x3FB8]  }
0x2f: {  	lr =	sadd.s32 s0, s3;
	s0 =	sld [smem:$0x3FAF]  }
0x30: {  	s3 =	sld [smem:$0x3FB2]  }
0x31: {  	[smem:$0x3FBB] =	sst s10  }
0x32: {  	s10 =	sld [smem:$0x3FB9];
	_ =	sdelay $0x3  }
0x33: {  	p0 =	seq.s32 s10, $0x1;
	s10 =	sld [smem:$0x3FBB];
	_ =	sdelay $0x3  }
0x34: {  	[smem:$0x3FBB] =	sst s10  }
0x35: {  	s10 =	sld [smem:$0x3FBA];
	_ =	sdelay $0x3  }
0x36: {  	p1 =	seq.s32 s10, $0x1;
	s10 =	sld [smem:$0x3FBB];
	_ =	sdelay $0x3  }
0x37: {  	[smem:$0x3FBB] =	sst s10  }
0x38: {  	s10 =	sld [smem:$0x3FBC]  }
0x39: {  	_ = 	snop;
	(pc) =	sbr.ind lr, $3  }
0x3a: {  	_ = 	snop  }
0x3b: {  	_ = 	snop  }
0x3c: {  	p2 =	seq.s32 s10, $0x1;
	s10 =	sld [smem:$0x3FBB]  }
0x3d: {  	_ =	shalt  }
0x3e: {  	_ =	shalt  }
0x3f: {  	_ =	shalt  }
0x40: {  	_ =	shalt  }
0x41: {  	_ =	shalt  }
0x42: {  	_ =	shalt  }
0x43: {  	_ =	shalt  }
0x44: {  	_ =	shalt  }
0x45: {  	_ =	shalt  }
0x46: {  	_ =	shalt  }
0x47: {  	_ =	shalt  }
0x48: {  	_ =	shalt  }
0x49: {  	_ =	shalt  }
0x4a: {  	_ =	shalt  }
0x4b: {  	_ =	shalt  }
0x4c: {  	_ =	shalt  }
0x4d: {  	_ =	shalt  }
0x4e: {  	_ =	shalt  }
0x4f: {  	_ =	shalt  }
0x50: {  	_ =	shalt  }
0x51: {  	_ =	shalt  }
0x52: {  	_ =	shalt  }
0x53: {  	_ =	shalt  }
0x54: {  	_ =	shalt  }
0x55: {  	_ =	shalt  }
0x56: {  	_ =	shalt  }
0x57: {  	_ =	shalt  }
0x58: {  	_ =	shalt  }
0x59: {  	_ =	shalt  }
0x5a: {  	_ =	shalt  }
0x5b: {  	_ =	shalt  }
0x5c: {  	_ =	shalt  }
0x5d: {  	_ =	shalt  }
0x5e: {  	_ =	shalt  }
0x5f: {  	_ =	shalt  }
0x60: {  	_ =	shalt  }
0x61: {  	_ =	shalt  }
0x62: {  	_ =	shalt  }
0x63: {  	_ =	shalt  }
0x64: {  	_ =	shalt  }
0x65: {  	_ =	shalt  }
0x66: {  	_ =	shalt  }
0x67: {  	_ =	shalt  }
0x68: {  	_ =	shalt  }
0x69: {  	_ =	shalt  }
0x6a: {  	_ =	shalt  }
0x6b: {  	_ =	shalt  }
0x6c: {  	_ =	shalt  }
0x6d: {  	_ =	shalt  }
0x6e: {  	_ =	shalt  }
0x6f: {  	_ =	shalt  }
0x70: {  	_ =	shalt  }
0x71: {  	_ =	shalt  }
0x72: {  	_ =	shalt  }
0x73: {  	_ =	shalt  }
0x74: {  	_ =	shalt  }
0x75: {  	_ =	shalt  }
0x76: {  	_ =	shalt  }
0x77: {  	_ =	shalt  }
0x78: {  	_ =	shalt  }
0x79: {  	_ =	shalt  }
0x7a: {  	_ =	shalt  }
0x7b: {  	_ =	shalt  }
0x7c: {  	_ =	shalt  }
0x7d: {  	_ =	shalt  }
0x7e: {  	_ =	shalt  }
0x7f: {  	_ =	shalt  }
0x80: {  	_ =	shalt  }
0x81: {  	_ =	shalt  }
0x82: {  	_ =	shalt  }
0x83: {  	_ =	shalt  }
0x84: {  	_ =	shalt  }
0x85: {  	_ =	shalt  }
0x86: {  	_ =	shalt  }
0x87: {  	_ =	shalt  }
.Lfunc_end0:
.L_simem_size_0:
called_computation_lowered:
.L_overlay_start_0:
0x88: {  	s2 =	sld [smem:$0x3FD9]  }
0x89: {  	s3 =	sld [smem:$0x3FFE];
	_ =	sdelay $0x1  }
0x8a: {  	s1 =	srdreg.scid  }
0x8b: {  	s0 =	sand.u32 $0x1, s1  }
0x8c: {  	s18 =	sshll.u32 s0, $0xA;
	s2 =	sadd.s32 s3, s2  }
0x8d: {  	s2 =	sadd.s32 s2, s18  }
0x8e: {  	[smem:$0x3FC7] =	sst s2  }
0x8f: {  	_ = 	snop  }
0x90: {  	s2 =	sld [smem:$0x3FC9]  }
0x91: {  	s19 =	sld [smem:$0x3FD0];
	(tm) =	ssettm $0x1  }
0x92: {  	s4 =	sld [smem:$0x3FFB];
	_ =	sdelay $0x3  }
0x93: {  	_ =	strace s4  }
0x94: {  	s4 =	sld [smem:$0x3FFC];
	_ =	sdelay $0x3  }
0x95: {  	_ =	strace s4  }
0x96: {  	s4 =	sld [smem:$0x3FFD];
	_ =	sdelay $0x3  }
0x97: {  	_ =	strace s4  }
0x98: {  	_ =	strace $0x8FFFFFFF  }
0x99: {  	s20 =	sld [smem:$0x3FDB];
	_ =	sdelay $0x1  }
0x9a: {  	s5 =	simm.s32 $_scs_section_size  }
0x9b: {  	s6 =	simm.s32 $_size__tile_overlayer_lowered;
	s7 =	simm.s32 $_tile_overlayer_lowered  }
0x9c: {  	s23 =	simm.s32 $0x1BFF;
	s22 =	sshll.u32 s7, $0x1;
	s4 =	sadd.s32 s5, s20  }
0x9d: {  	s8 =	simm.s32 $0x0;
	s21 =	sshll.u32 s6, $0x1;
	s6 =	sadd.s32 s22, s4  }
0x9e: {  	[timem:s8], [sflag:s23] =	dma.local [hbm:s6], s21  }
0x9f: {  	_ =	swait.ge [sflag:s23], s21  }
0xa0: {  	s5 =	ssub.s32 $0x0, s21;
	[sflag:s23] =	ssyncset.done $0x0  }
0xa1: {  	[sflag:s23] =	ssyncadd.s32 s5;
	_ =	sdelay $0x1  }
0xa2: {  	s24 =	simm.s32 $0x1B8B  }
0xa3: {  	_ =	swait.ge [sflag:s24], $0x1  }
0xa4: {  	[sflag:s24] =	ssyncset.done $0x0  }
0xa5: {  	s25 =	simm.s32 $0x1B8E;
	[sflag:s24] =	ssyncadd.s32 $0xFFFFFFFF  }
0xa6: {  	s26 =	simm.s32 $execute0_lowered;
	[smem:$0x3FD2] =	sst s25  }
0xa7: {  	s5 =	sshll.u32 s26, $0x1;
	_ =	strace $0x80000046;
	[dreg:$0x1] =	wrdreg $0xFFFFFFFF  }
0xa8: {  	s28 =	simm.s32 $_size_execute0_lowered;
	s4 =	sadd.s32 s4, s5;
	[dreg:$0x0] =	wrdreg $0x0  }
0xa9: {  	s5 =	sshll.u32 s28, $0x1;
	[dreg:$0x2] =	wrdreg s4  }
0xaa: {  	[dreg:$0x3] =	wrdreg s5  }
0xab: {  	[dreg:$0x4] =	wrdreg $0xC0  }
0xac: {  	_ =	task [dreg:s8], $0x5FFFF  }
0xad: {  	[dreg:$0x1] =	wrdreg $0xFFFFFFFF  }
0xae: {  	[dreg:$0x0] =	wrdreg $0x60  }
0xaf: {  	[dreg:$0x2] =	wrdreg s2  }
0xb0: {  	[dreg:$0x3] =	wrdreg s19  }
0xb1: {  	[dreg:$0x4] =	wrdreg $0x9  }
0xb2: {  	_ =	task.clear_ibuf [dreg:s8], $0x5FFFF;
	_ =	strace $0x90000046  }
0xb3: {  	s29 =	simm.s32 $0x9;
	_ =	strace $0x80000048  }
0xb4: {  	_ =	swait.ge [sflag:s29], $0x1  }
0xb5: {  	[sflag:s29] =	ssyncadd.s32 $0xFFFFFFFF  }
0xb6: {  	_ =	strace $0x90000048  }
0xb7: {  	_ =	sfence  }
0xb8: {  	s30 =	sld [smem:$0x0];
	_ =	sdelay $0x2  }
0xb9: {  	s31 =	sshll.u32 s1, $0xD;
	s1 =	sshrl.u32 s1, $0x2  }
0xba: {  	s3 =	sand.u32 $0x4000, s31;
	s1 =	sadd.s32 s1, s30  }
0xbb: {  	s0 =	sor.u32 s3, s0;
	s1 =	sshll.u32 s1, $0x11  }
0xbc: {  	s0 =	sor.u32 s1, s0  }
0xbd: {  	s0 =	sadd.s32 $0x8F2B, s0  }
0xbe: {  	[sflag:s0] =	ssyncadd.remote.s32 $0x1  }
0xbf: {  	_ =	sfence.sel $0xFFFF  }
0xc0: {  	[dreg:$0x0] =	wrdreg $0xFFFFFFFF;
	(pc) =	sbr.abs _section_cstart, $3  }
0xc1: {  	[dreg:$0x1] =	wrdreg $0xFFFFFFFF  }
0xc2: {  	_ =	task.clear_ibuf [dreg:s8], $0x2FFFF;
	_ =	strace $0x9FFFFFFF  }
0xc3: {  	(tm) =	ssettm $0x7FFFFFFF  }
tec
execute0_lowered:
.L_overlay_start_1:
0x0: {  	(tag) =	ssettag $0x1  }
0x1: {  	s2 =	srdreg.scid  }
0x2: {  	s0 =	rddreg [dreg:$0x0];
	s5 =	stileid.u32;
	s2 =	sand.u32 $0x1, s2  }
0x3: {  	s5 =	sshll.u32 s5, $0x10;
	s4 =	ssub.s32 $0x2, s2;
	s2 =	sshll.u32 s2, $0xF  }
0x4: {  	s3 =	rddreg [dreg:$0x1];
	s1 =	simm.s32 $0x0;
	s2 =	sor.u32 s2, s5  }
0x5: {  	[smem:$0x7FF] =	sst s1;
	s5 =	sor.u32 $0x800, s2;
	s16 =	sadd.s32 s0, s2  }
0x6: {  	s17 =	sor.u32 $0x1000, s2;
	s7 =	sadd.s32 s0, s5;
	[dreg:$0x17] =	wrdreg s16  }
0x7: {  	s19 =	sor.u32 $0x1800, s2;
	s18 =	sadd.s32 s0, s17;
	[dreg:$0x3] =	wrdreg s7  }
0x8: {  	s20 =	sor.u32 $0x2000, s2;
	s8 =	sadd.s32 s0, s19;
	[dreg:$0x4] =	wrdreg s18  }
0x9: {  	s9 =	sor.u32 $0x2800, s2;
	s10 =	sadd.s32 s0, s20;
	[dreg:$0x5] =	wrdreg s8  }
0xa: {  	s6 =	sshrl.u32 s4, $0x1;
	s21 =	sadd.s32 s0, s9;
	[dreg:$0x6] =	wrdreg s10  }
0xb: {  	s22 =	sor.u32 $0x3000, s2;
	s5 =	sadd.s32 s3, s5;
	[dreg:$0x7] =	wrdreg s21  }
0xc: {  	s4 =	ssub.s32 s4, s6;
	s23 =	sadd.s32 s0, s22;
	[dreg:$0x8] =	wrdreg s5  }
0xd: {  	s24 =	sor.u32 $0x3800, s2;
	s6 =	sadd.s32 s3, s17;
	[dreg:$0x9] =	wrdreg s23  }
0xe: {  	s26 =	sor.u32 $0x4000, s2;
	s25 =	sadd.s32 s0, s24;
	[dreg:$0xa] =	wrdreg s6  }
0xf: {  	s29 =	sor.u32 $0x4800, s2;
	s28 =	sadd.s32 s0, s26;
	[dreg:$0xb] =	wrdreg s25  }
0x10: {  	s30 =	sadd.s32 s0, s29;
	[dreg:$0xd] =	wrdreg s28  }
0x11: {  	s31 =	sor.u32 $0x5000, s2;
	s9 =	sadd.s32 s3, s9;
	[dreg:$0xf] =	wrdreg s30  }
0x12: {  	s11 =	sadd.s32 s0, s31;
	s12 =	sadd.s32 s3, s22;
	[dreg:$0x10] =	wrdreg s9  }
0x13: {  	s13 =	sadd.s32 s3, s26;
	s14 =	sadd.s32 s3, s29;
	[dreg:$0x11] =	wrdreg s11  }
0x14: {  	s15 =	sadd.s32 s3, s31;
	s17 =	sadd.s32 s3, s2;
	[dreg:$0x12] =	wrdreg s12  }
0x15: {  	s22 =	sor.u32 $0x7800, s2;
	s4 =	smax.u32 s4, $0x1;
	[dreg:$0x14] =	wrdreg s13  }
0x16: {  	s16 =	simm.s32 $0x9;
	s7 =	sadd.s32 s3, s19;
	[dreg:$0x15] =	wrdreg s14  }
0x17: {  	s8 =	sadd.s32 s3, s20;
	s5 =	sadd.s32 s3, s24;
	[dreg:$0x16] =	wrdreg s15  }
0x18: {  	[dreg:$0x18] =	wrdreg s17;
	s18 =	sor.u32 $0x5800, s2;
	s19 =	sor.u32 $0x6000, s2  }
0x19: {  	s20 =	sor.u32 $0x6800, s2;
	s21 =	sor.u32 $0x7000, s2;
	s6 =	simm.s32 $0x8000  }
0x1a: {  	s9 =	simm.s32 $0x1;
	s10 =	simm.s32 $0x14000;
	s11 =	simm.s32 $0x2  }
0x1b: {  	s12 =	simm.s32 $0x18000;
	s13 =	simm.s32 $0x3;
	[dreg:$0xc] =	wrdreg s7  }
0x1c: {  	s14 =	simm.s32 $0x8;
	s15 =	simm.s32 $0x4;
	[dreg:$0xe] =	wrdreg s8  }
0x1d: {  	s17 =	simm.s32 $0x5;
	[dreg:$0x13] =	wrdreg s5;
	s23 =	sadd.s32 s0, s18  }
0x1e: {  	s24 =	sadd.s32 s0, s19;
	s25 =	sadd.s32 s0, s20;
	[dreg:$0x19] =	wrdreg s23  }
0x1f: {  	s26 =	sadd.s32 s0, s21;
	s0 =	sadd.s32 s0, s22;
	[dreg:$0x1a] =	wrdreg s24  }
0x20: {  	s28 =	sadd.s32 s3, s18;
	s29 =	sadd.s32 s3, s19;
	[dreg:$0x1b] =	wrdreg s25  }
0x21: {  	s30 =	sadd.s32 s3, s20;
	s31 =	sadd.s32 s3, s21;
	[dreg:$0x1c] =	wrdreg s26  }
0x22: {  	s3 =	sadd.s32 s3, s22;
	s5 =	simm.s32 $0x4000;
	[dreg:$0x1d] =	wrdreg s0  }
0x23: {  	s7 =	simm.s32 $0xC000;
	s8 =	simm.s32 $0x10000;
	[dreg:$0x1e] =	wrdreg s28  }
0x24: {  	s18 =	simm.s32 $0xA;
	s19 =	simm.s32 $0x6;
	[dreg:$0x1f] =	wrdreg s29  }
0x25: {  	s20 =	simm.s32 $0xB;
	s21 =	simm.s32 $0x7;
	[smem:$0x7FC] =	sst s30  }
0x26: {  	s22 =	simm.s32 $0xC;
	[smem:$0x7FD] =	sst s31;
	s23 =	simm.s32 $0xD  }
0x27: {  	s24 =	simm.s32 $0xE;
	s25 =	simm.s32 $0x0;
	_ =	strace $0x80000047  }
.LBB2_1:
0x28: {  	s0 =	rddreg [dreg:$0x17]  }
0x29: {  	[tilespmem:s1], [sflag:$0x1] =	stream.linear.gather [hbm4b:s0+s1], $0x4000, $0x38;
	[tilespmem:$0x1C000] =	vst v63  }
0x2a: {  	s26 =	rddreg [dreg:$0x3]  }
0x2b: {  	[tilespmem:s5], [sflag:$0x2] =	stream.linear.gather [hbm4b:s26+s1], $0x4000, $0x38;
	[tilespmem:$0x1C000] =	vst v63  }
0x2c: {  	s28 =	rddreg [dreg:$0x4]  }
0x2d: {  	[tilespmem:s6], [sflag:$0x3] =	stream.linear.gather [hbm4b:s28+s1], $0x4000, $0x38;
	[tilespmem:$0x1C000] =	vst v63  }
0x2e: {  	s2 =	rddreg [dreg:$0x5]  }
0x2f: {  	[tilespmem:s7], [sflag:$0x4] =	stream.linear.gather [hbm4b:s2+s1], $0x4000, $0x38;
	[tilespmem:$0x1C000] =	vst v63  }
0x30: {  	s26 =	rddreg [dreg:$0x6]  }
0x31: {  	[tilespmem:s8], [sflag:$0x5] =	stream.linear.gather [hbm4b:s26+s1], $0x4000, $0x38;
	[tilespmem:$0x1C000] =	vst v63  }
0x32: {  	s29 =	sand.u32 $0x1C00, s1;
	s26 =	simm.s32 $0x0  }
0x33: {  	s30 =	simm.s32 $0x0;
	_ =	swait.ge [sflag:s9], $0x4000;
	s26 =	sand.u32 $0x2000, s26  }
0x34: {  	s30 =	sand.u32 $0x380, s30;
	[sflag:s9] =	ssyncset.done $0x0;
	s26 =	sor.u32 s29, s26  }
0x35: {  	[sflag:s9] =	ssyncadd.s32 $0xFFFFC000;
	s29 =	sor.u32 s30, s26  }
0x36: {  	v0 =	vld [tilespmem:s29+$0x70]  }
0x37: {  	v1 =	vld [tilespmem:s29+$0x0]  }
0x38: {  	v2 =	vld [tilespmem:s29+$0x10]  }
0x39: {  	v3 =	vld [tilespmem:s29+$0x20]  }
0x3a: {  	s28 =	simm.s32 $0x80;
	s30 =	simm.s32 $0x400;
	v5 =	vld [tilespmem:s29+$0x30]  }
0x3b: {  	s26 =	sand.u32 $0x2000, s28;
	s28 =	simm.s32 $0x10;
	s31 =	sand.u32 $0x1C00, s30;
	v7 =	vld [tilespmem:s29+$0x40];
	v0 =	vmul.f32 $3.125000000e-02, v0  }
0x3c: {  	s28 =	sand.u32 $0x380, s28;
	v4 =	vld [tilespmem:s29+$0x50];
	s26 =	sor.u32 s31, s26;
	v1 =	vmul.f32 $3.125000000e-02, v1  }
0x3d: {  	s26 =	sor.u32 s28, s26;
	v6 =	vmul.f32 $3.125000000e-02, v2;
	v2 =	vld [tilespmem:s29+$0x60];
	[tilespmem:s29+$0x70] =	vst v0  }
0x3e: {  	v8 =	vmul.f32 $3.125000000e-02, v3;
	v0 =	vld [tilespmem:s26+$0x70];
	[tilespmem:s29+$0x0] =	vst v1  }
0x3f: {  	v1 =	vld [tilespmem:s26+$0x0];
	[tilespmem:s29+$0x10] =	vst v6;
	v6 =	vmul.f32 $3.125000000e-02, v5  }
0x40: {  	s31 =	simm.s32 $0x8;
	v3 =	vld [tilespmem:s26+$0x10];
	[tilespmem:s29+$0x20] =	vst v8;
	v5 =	vmul.f32 $3.125000000e-02, v7  }
.LBB2_2:
0x41: {  	s31 =	sadd.s32 $0x8, s31;
	v7 =	vld [tilespmem:s26+$0x20];
	[tilespmem:s29+$0x30] =	vst v6;
	v4 =	vmul.f32 $3.125000000e-02, v4  }
0x42: {  	s30 =	sadd.s32 $0x400, s30;
	s28 =	sshll.u32 s31, $0x4;
	p0 =	slt.u32 s31, $0x3F8;
	v6 =	vld [tilespmem:s26+$0x30];
	[tilespmem:s29+$0x40] =	vst v5;
	v2 =	vmul.f32 $3.125000000e-02, v2  }
0x43: {  	s0 =	sand.u32 $0x1C00, s30;
	s2 =	sshll.u32 s31, $0x1;
	s28 =	sand.u32 $0x2000, s28;
	v5 =	vld [tilespmem:s26+$0x40];
	v0 =	vmul.f32 $3.125000000e-02, v0;
	[tilespmem:s29+$0x50] =	vst v4  }
.Ltmp0:
0x44: {  	s2 =	sand.u32 $0x380, s2;
	s0 =	sor.u32 s0, s28;
	v1 =	vmul.f32 $3.125000000e-02, v1;
	v4 =	vld [tilespmem:s26+$0x50];
	[tilespmem:s29+$0x60] =	vst v2;
	(pc) =	sbr.rel @p0 .LBB2_2-.Ltmp0, $4  }
0x45: {  	s29 =	smov.u32 s26;
	v3 =	vmul.f32 $3.125000000e-02, v3;
	v2 =	vld [tilespmem:s26+$0x60];
	[tilespmem:s26+$0x70] =	vst v0;
	s26 =	sor.u32 s2, s0  }
0x46: {  	v0 =	vld [tilespmem:s26+$0x70];
	[tilespmem:s29+$0x0] =	vst v1;
	v7 =	vmul.f32 $3.125000000e-02, v7  }
0x47: {  	v1 =	vld [tilespmem:s26+$0x0];
	[tilespmem:s29+$0x10] =	vst v3;
	v6 =	vmul.f32 $3.125000000e-02, v6  }
0x48: {  	v3 =	vld [tilespmem:s26+$0x10];
	[tilespmem:s29+$0x20] =	vst v7;
	v5 =	vmul.f32 $3.125000000e-02, v5  }
0x49: {  	v7 =	vld [tilespmem:s26+$0x20];
	[tilespmem:s29+$0x30] =	vst v6;
	v4 =	vmul.f32 $3.125000000e-02, v4  }
0x4a: {  	v6 =	vld [tilespmem:s26+$0x30];
	[tilespmem:s29+$0x40] =	vst v5;
	v2 =	vmul.f32 $3.125000000e-02, v2  }
0x4b: {  	v5 =	vld [tilespmem:s26+$0x40];
	v0 =	vmul.f32 $3.125000000e-02, v0;
	[tilespmem:s29+$0x50] =	vst v4  }
0x4c: {  	v4 =	vld [tilespmem:s26+$0x50];
	v1 =	vmul.f32 $3.125000000e-02, v1;
	[tilespmem:s29+$0x60] =	vst v2  }
0x4d: {  	v2 =	vmul.f32 $3.125000000e-02, v3;
	v3 =	vld [tilespmem:s26+$0x60];
	[tilespmem:s26+$0x70] =	vst v0  }
0x4e: {  	[tilespmem:s26+$0x0] =	vst v1;
	v0 =	vmul.f32 $3.125000000e-02, v7  }
0x4f: {  	v1 =	vmul.f32 $3.125000000e-02, v6;
	[tilespmem:s26+$0x10] =	vst v2  }
0x50: {  	[tilespmem:s26+$0x20] =	vst v0;
	v0 =	vmul.f32 $3.125000000e-02, v5  }
0x51: {  	[tilespmem:s26+$0x30] =	vst v1;
	v1 =	vmul.f32 $3.125000000e-02, v4  }
0x52: {  	[tilespmem:s26+$0x40] =	vst v0;
	v0 =	vmul.f32 $3.125000000e-02, v3  }
0x53: {  	[tilespmem:s26+$0x50] =	vst v1  }
0x54: {  	[tilespmem:s26+$0x60] =	vst v0  }
0x55: {  	s0 =	simm.s32 $0x0;
	s26 =	simm.s32 $0x0;
	s2 =	rddreg [dreg:$0x18]  }
0x56: {  	[hbm4b:s2+s0] =	stream.linear.scatter [tilespmem:s0], [sflag:$0x8], $0x4000, $0x38;
	[tilespmem:$0x1C000] =	vst v63  }
0x57: {  	s28 =	rddreg [dreg:$0x7];
	s2 =	sand.u32 $0x2000, s26  }
0x58: {  	[tilespmem:s10], [sflag:$0x6] =	stream.linear.gather [hbm4b:s28+s0], $0x4000, $0x38;
	[tilespmem:$0x1C000] =	vst v63  }
0x59: {  	s0 =	sand.u32 $0x1C00, s0;
	s28 =	simm.s32 $0x0;
	_ =	swait.ge [sflag:s11], $0x4000  }
0x5a: {  	s26 =	sand.u32 $0x380, s28;
	s0 =	sor.u32 s0, s2;
	[sflag:s11] =	ssyncset.done $0x0  }
0x5b: {  	s29 =	sor.u32 s26, s0;
	[sflag:s11] =	ssyncadd.s32 $0xFFFFC000  }
0x5c: {  	v0 =	vld [tilespmem:s29+$0x4070]  }
0x5d: {  	v1 =	vld [tilespmem:s29+$0x4000]  }
0x5e: {  	v2 =	vld [tilespmem:s29+$0x4010]  }
0x5f: {  	v3 =	vld [tilespmem:s29+$0x4020]  }
0x60: {  	s30 =	simm.s32 $0x400;
	s26 =	simm.s32 $0x80;
	v5 =	vld [tilespmem:s29+$0x4030]  }
0x61: {  	s2 =	sand.u32 $0x1C00, s30;
	s28 =	simm.s32 $0x10;
	s0 =	sand.u32 $0x2000, s26;
	v7 =	vld [tilespmem:s29+$0x4040];
	v0 =	vmul.f32 $3.125000000e-02, v0  }
0x62: {  	s26 =	sand.u32 $0x380, s28;
	s0 =	sor.u32 s2, s0;
	v4 =	vld [tilespmem:s29+$0x4050];
	v1 =	vmul.f32 $3.125000000e-02, v1  }
0x63: {  	s26 =	sor.u32 s26, s0;
	v6 =	vmul.f32 $3.125000000e-02, v2;
	v2 =	vld [tilespmem:s29+$0x4060];
	[tilespmem:s29+$0x4070] =	vst v0  }
0x64: {  	v8 =	vmul.f32 $3.125000000e-02, v3;
	v0 =	vld [tilespmem:s26+$0x4070];
	[tilespmem:s29+$0x4000] =	vst v1  }
0x65: {  	v1 =	vld [tilespmem:s26+$0x4000];
	[tilespmem:s29+$0x4010] =	vst v6;
	v6 =	vmul.f32 $3.125000000e-02, v5  }
0x66: {  	s31 =	simm.s32 $0x8;
	v3 =	vld [tilespmem:s26+$0x4010];
	[tilespmem:s29+$0x4020] =	vst v8;
	v5 =	vmul.f32 $3.125000000e-02, v7  }
.LBB2_4:
0x67: {  	s31 =	sadd.s32 $0x8, s31;
	v7 =	vld [tilespmem:s26+$0x4020];
	[tilespmem:s29+$0x4030] =	vst v6;
	v4 =	vmul.f32 $3.125000000e-02, v4  }
0x68: {  	s30 =	sadd.s32 $0x400, s30;
	s0 =	sshll.u32 s31, $0x4;
	p0 =	slt.u32 s31, $0x3F8;
	v6 =	vld [tilespmem:s26+$0x4030];
	[tilespmem:s29+$0x4040] =	vst v5;
	v2 =	vmul.f32 $3.125000000e-02, v2  }
0x69: {  	s2 =	sand.u32 $0x1C00, s30;
	s28 =	sshll.u32 s31, $0x1;
	s0 =	sand.u32 $0x2000, s0;
	v5 =	vld [tilespmem:s26+$0x4040];
	v0 =	vmul.f32 $3.125000000e-02, v0;
	[tilespmem:s29+$0x4050] =	vst v4  }
.Ltmp1:
0x6a: {  	s28 =	sand.u32 $0x380, s28;
	s0 =	sor.u32 s2, s0;
	v1 =	vmul.f32 $3.125000000e-02, v1;
	v4 =	vld [tilespmem:s26+$0x4050];
	[tilespmem:s29+$0x4060] =	vst v2;
	(pc) =	sbr.rel @p0 .LBB2_4-.Ltmp1, $4  }
0x6b: {  	s29 =	smov.u32 s26;
	v3 =	vmul.f32 $3.125000000e-02, v3;
	v2 =	vld [tilespmem:s26+$0x4060];
	[tilespmem:s26+$0x4070] =	vst v0;
	s26 =	sor.u32 s28, s0  }
0x6c: {  	v0 =	vld [tilespmem:s26+$0x4070];
	[tilespmem:s29+$0x4000] =	vst v1;
	v7 =	vmul.f32 $3.125000000e-02, v7  }
0x6d: {  	v1 =	vld [tilespmem:s26+$0x4000];
	[tilespmem:s29+$0x4010] =	vst v3;
	v6 =	vmul.f32 $3.125000000e-02, v6  }
0x6e: {  	v3 =	vld [tilespmem:s26+$0x4010];
	[tilespmem:s29+$0x4020] =	vst v7;
	v5 =	vmul.f32 $3.125000000e-02, v5  }
0x6f: {  	v7 =	vld [tilespmem:s26+$0x4020];
	[tilespmem:s29+$0x4030] =	vst v6;
	v4 =	vmul.f32 $3.125000000e-02, v4  }
0x70: {  	v6 =	vld [tilespmem:s26+$0x4030];
	[tilespmem:s29+$0x4040] =	vst v5;
	v2 =	vmul.f32 $3.125000000e-02, v2  }
0x71: {  	v5 =	vld [tilespmem:s26+$0x4040];
	v0 =	vmul.f32 $3.125000000e-02, v0;
	[tilespmem:s29+$0x4050] =	vst v4  }
0x72: {  	v4 =	vld [tilespmem:s26+$0x4050];
	v1 =	vmul.f32 $3.125000000e-02, v1;
	[tilespmem:s29+$0x4060] =	vst v2  }
0x73: {  	v2 =	vmul.f32 $3.125000000e-02, v3;
	v3 =	vld [tilespmem:s26+$0x4060];
	[tilespmem:s26+$0x4070] =	vst v0  }
0x74: {  	[tilespmem:s26+$0x4000] =	vst v1;
	v0 =	vmul.f32 $3.125000000e-02, v7  }
0x75: {  	v1 =	vmul.f32 $3.125000000e-02, v6;
	[tilespmem:s26+$0x4010] =	vst v2  }
0x76: {  	[tilespmem:s26+$0x4020] =	vst v0;
	v0 =	vmul.f32 $3.125000000e-02, v5  }
0x77: {  	[tilespmem:s26+$0x4030] =	vst v1;
	v1 =	vmul.f32 $3.125000000e-02, v4  }
0x78: {  	[tilespmem:s26+$0x4040] =	vst v0;
	v0 =	vmul.f32 $3.125000000e-02, v3  }
0x79: {  	[tilespmem:s26+$0x4050] =	vst v1  }
0x7a: {  	[tilespmem:s26+$0x4060] =	vst v0  }
0x7b: {  	s0 =	simm.s32 $0x0;
	s26 =	simm.s32 $0x0;
	s2 =	rddreg [dreg:$0x8]  }
0x7c: {  	[hbm4b:s2+s0] =	stream.linear.scatter [tilespmem:s5], [sflag:$0x9], $0x4000, $0x38;
	[tilespmem:$0x1C000] =	vst v63  }
0x7d: {  	s28 =	rddreg [dreg:$0x9];
	s2 =	sand.u32 $0x2000, s26  }
0x7e: {  	[tilespmem:s12], [sflag:$0x7] =	stream.linear.gather [hbm4b:s28+s0], $0x4000, $0x38;
	[tilespmem:$0x1C000] =	vst v63  }
0x7f: {  	s0 =	sand.u32 $0x1C00, s0;
	s28 =	simm.s32 $0x0;
	_ =	swait.ge [sflag:s13], $0x4000  }
0x80: {  	s26 =	sand.u32 $0x380, s28;
	s0 =	sor.u32 s0, s2;
	[sflag:s13] =	ssyncset.done $0x0  }
0x81: {  	s29 =	sor.u32 s26, s0;
	[sflag:s13] =	ssyncadd.s32 $0xFFFFC000  }
0x82: {  	v0 =	vld [tilespmem:s29+$0x8070]  }
0x83: {  	v1 =	vld [tilespmem:s29+$0x8000]  }
0x84: {  	v2 =	vld [tilespmem:s29+$0x8010]  }
0x85: {  	v3 =	vld [tilespmem:s29+$0x8020]  }
0x86: {  	s30 =	simm.s32 $0x400;
	s26 =	simm.s32 $0x80;
	v5 =	vld [tilespmem:s29+$0x8030]  }
0x87: {  	s2 =	sand.u32 $0x1C00, s30;
	s28 =	simm.s32 $0x10;
	s0 =	sand.u32 $0x2000, s26;
	v7 =	vld [tilespmem:s29+$0x8040];
	v0 =	vmul.f32 $3.125000000e-02, v0  }
0x88: {  	s26 =	sand.u32 $0x380, s28;
	s0 =	sor.u32 s2, s0;
	v4 =	vld [tilespmem:s29+$0x8050];
	v1 =	vmul.f32 $3.125000000e-02, v1  }
0x89: {  	s26 =	sor.u32 s26, s0;
	v6 =	vmul.f32 $3.125000000e-02, v2;
	v2 =	vld [tilespmem:s29+$0x8060];
	[tilespmem:s29+$0x8070] =	vst v0  }
0x8a: {  	v8 =	vmul.f32 $3.125000000e-02, v3;
	v0 =	vld [tilespmem:s26+$0x8070];
	[tilespmem:s29+$0x8000] =	vst v1  }
0x8b: {  	v1 =	vld [tilespmem:s26+$0x8000];
	[tilespmem:s29+$0x8010] =	vst v6;
	v6 =	vmul.f32 $3.125000000e-02, v5  }
0x8c: {  	s31 =	simm.s32 $0x8;
	v3 =	vld [tilespmem:s26+$0x8010];
	[tilespmem:s29+$0x8020] =	vst v8;
	v5 =	vmul.f32 $3.125000000e-02, v7  }
.LBB2_6:
0x8d: {  	s31 =	sadd.s32 $0x8, s31;
	v7 =	vld [tilespmem:s26+$0x8020];
	[tilespmem:s29+$0x8030] =	vst v6;
	v4 =	vmul.f32 $3.125000000e-02, v4  }
0x8e: {  	s30 =	sadd.s32 $0x400, s30;
	s0 =	sshll.u32 s31, $0x4;
	p0 =	slt.u32 s31, $0x3F8;
	v6 =	vld [tilespmem:s26+$0x8030];
	[tilespmem:s29+$0x8040] =	vst v5;
	v2 =	vmul.f32 $3.125000000e-02, v2  }
0x8f: {  	s2 =	sand.u32 $0x1C00, s30;
	s28 =	sshll.u32 s31, $0x1;
	s0 =	sand.u32 $0x2000, s0;
	v5 =	vld [tilespmem:s26+$0x8040];
	v0 =	vmul.f32 $3.125000000e-02, v0;
	[tilespmem:s29+$0x8050] =	vst v4  }
.Ltmp2:
0x90: {  	s28 =	sand.u32 $0x380, s28;
	s0 =	sor.u32 s2, s0;
	v1 =	vmul.f32 $3.125000000e-02, v1;
	v4 =	vld [tilespmem:s26+$0x8050];
	[tilespmem:s29+$0x8060] =	vst v2;
	(pc) =	sbr.rel @p0 .LBB2_6-.Ltmp2, $4  }
0x91: {  	s29 =	smov.u32 s26;
	v3 =	vmul.f32 $3.125000000e-02, v3;
	v2 =	vld [tilespmem:s26+$0x8060];
	[tilespmem:s26+$0x8070] =	vst v0;
	s26 =	sor.u32 s28, s0  }
0x92: {  	v0 =	vld [tilespmem:s26+$0x8070];
	[tilespmem:s29+$0x8000] =	vst v1;
	v7 =	vmul.f32 $3.125000000e-02, v7  }
0x93: {  	v1 =	vld [tilespmem:s26+$0x8000];
	[tilespmem:s29+$0x8010] =	vst v3;
	v6 =	vmul.f32 $3.125000000e-02, v6  }
0x94: {  	v3 =	vld [tilespmem:s26+$0x8010];
	[tilespmem:s29+$0x8020] =	vst v7;
	v5 =	vmul.f32 $3.125000000e-02, v5  }
0x95: {  	v7 =	vld [tilespmem:s26+$0x8020];
	[tilespmem:s29+$0x8030] =	vst v6;
	v4 =	vmul.f32 $3.125000000e-02, v4  }
0x96: {  	v6 =	vld [tilespmem:s26+$0x8030];
	[tilespmem:s29+$0x8040] =	vst v5;
	v2 =	vmul.f32 $3.125000000e-02, v2  }
0x97: {  	v5 =	vld [tilespmem:s26+$0x8040];
	v0 =	vmul.f32 $3.125000000e-02, v0;
	[tilespmem:s29+$0x8050] =	vst v4  }
0x98: {  	v4 =	vld [tilespmem:s26+$0x8050];
	v1 =	vmul.f32 $3.125000000e-02, v1;
	[tilespmem:s29+$0x8060] =	vst v2  }
0x99: {  	v2 =	vmul.f32 $3.125000000e-02, v3;
	v3 =	vld [tilespmem:s26+$0x8060];
	[tilespmem:s26+$0x8070] =	vst v0  }
0x9a: {  	[tilespmem:s26+$0x8000] =	vst v1;
	v0 =	vmul.f32 $3.125000000e-02, v7  }
0x9b: {  	v1 =	vmul.f32 $3.125000000e-02, v6;
	[tilespmem:s26+$0x8010] =	vst v2  }
0x9c: {  	[tilespmem:s26+$0x8020] =	vst v0;
	v0 =	vmul.f32 $3.125000000e-02, v5  }
0x9d: {  	[tilespmem:s26+$0x8030] =	vst v1;
	v1 =	vmul.f32 $3.125000000e-02, v4  }
0x9e: {  	[tilespmem:s26+$0x8040] =	vst v0;
	v0 =	vmul.f32 $3.125000000e-02, v3  }
0x9f: {  	[tilespmem:s26+$0x8050] =	vst v1  }
0xa0: {  	[tilespmem:s26+$0x8060] =	vst v0  }
0xa1: {  	s0 =	simm.s32 $0x0;
	s2 =	rddreg [dreg:$0xa]  }
0xa2: {  	[hbm4b:s2+s0] =	stream.linear.scatter [tilespmem:s6], [sflag:$0xA], $0x4000, $0x38;
	[tilespmem:$0x1C000] =	vst v63  }
0xa3: {  	_ =	swait.ge [sflag:s14], $0x4000  }
0xa4: {  	s26 =	simm.s32 $0x0;
	[sflag:s14] =	ssyncset.done $0x0  }
0xa5: {  	s2 =	sand.u32 $0x2000, s26;
	s28 =	rddreg [dreg:$0xb];
	[sflag:s14] =	ssyncadd.s32 $0xFFFFC000  }
0xa6: {  	[tilespmem:s0], [sflag:$0x1] =	stream.linear.gather [hbm4b:s28+s0], $0x4000, $0x38;
	[tilespmem:$0x1C000] =	vst v63  }
0xa7: {  	s0 =	sand.u32 $0x1C00, s0;
	s28 =	simm.s32 $0x0;
	_ =	swait.ge [sflag:s15], $0x4000  }
0xa8: {  	s26 =	sand.u32 $0x380, s28;
	s0 =	sor.u32 s0, s2;
	[sflag:s15] =	ssyncset.done $0x0  }
0xa9: {  	s29 =	sor.u32 s26, s0;
	[sflag:s15] =	ssyncadd.s32 $0xFFFFC000  }
0xaa: {  	v0 =	vld [tilespmem:s29+$0xC070]  }
0xab: {  	v1 =	vld [tilespmem:s29+$0xC000]  }
0xac: {  	v2 =	vld [tilespmem:s29+$0xC010]  }
0xad: {  	v3 =	vld [tilespmem:s29+$0xC020]  }
0xae: {  	s30 =	simm.s32 $0x400;
	s26 =	simm.s32 $0x80;
	v5 =	vld [tilespmem:s29+$0xC030]  }
0xaf: {  	s2 =	sand.u32 $0x1C00, s30;
	s28 =	simm.s32 $0x10;
	s0 =	sand.u32 $0x2000, s26;
	v7 =	vld [tilespmem:s29+$0xC040];
	v0 =	vmul.f32 $3.125000000e-02, v0  }
0xb0: {  	s26 =	sand.u32 $0x380, s28;
	s0 =	sor.u32 s2, s0;
	v4 =	vld [tilespmem:s29+$0xC050];
	v1 =	vmul.f32 $3.125000000e-02, v1  }
0xb1: {  	s26 =	sor.u32 s26, s0;
	v6 =	vmul.f32 $3.125000000e-02, v2;
	v2 =	vld [tilespmem:s29+$0xC060];
	[tilespmem:s29+$0xC070] =	vst v0  }
0xb2: {  	v8 =	vmul.f32 $3.125000000e-02, v3;
	v0 =	vld [tilespmem:s26+$0xC070];
	[tilespmem:s29+$0xC000] =	vst v1  }
0xb3: {  	v1 =	vld [tilespmem:s26+$0xC000];
	[tilespmem:s29+$0xC010] =	vst v6;
	v6 =	vmul.f32 $3.125000000e-02, v5  }
0xb4: {  	s31 =	simm.s32 $0x8;
	v3 =	vld [tilespmem:s26+$0xC010];
	[tilespmem:s29+$0xC020] =	vst v8;
	v5 =	vmul.f32 $3.125000000e-02, v7  }
.LBB2_8:
0xb5: {  	s31 =	sadd.s32 $0x8, s31;
	v7 =	vld [tilespmem:s26+$0xC020];
	[tilespmem:s29+$0xC030] =	vst v6;
	v4 =	vmul.f32 $3.125000000e-02, v4  }
0xb6: {  	s30 =	sadd.s32 $0x400, s30;
	s0 =	sshll.u32 s31, $0x4;
	p0 =	slt.u32 s31, $0x3F8;
	v6 =	vld [tilespmem:s26+$0xC030];
	[tilespmem:s29+$0xC040] =	vst v5;
	v2 =	vmul.f32 $3.125000000e-02, v2  }
0xb7: {  	s2 =	sand.u32 $0x1C00, s30;
	s28 =	sshll.u32 s31, $0x1;
	s0 =	sand.u32 $0x2000, s0;
	v5 =	vld [tilespmem:s26+$0xC040];
	v0 =	vmul.f32 $3.125000000e-02, v0;
	[tilespmem:s29+$0xC050] =	vst v4  }
.Ltmp3:
0xb8: {  	s28 =	sand.u32 $0x380, s28;
	s0 =	sor.u32 s2, s0;
	v1 =	vmul.f32 $3.125000000e-02, v1;
	v4 =	vld [tilespmem:s26+$0xC050];
	[tilespmem:s29+$0xC060] =	vst v2;
	(pc) =	sbr.rel @p0 .LBB2_8-.Ltmp3, $4  }
0xb9: {  	s29 =	smov.u32 s26;
	v3 =	vmul.f32 $3.125000000e-02, v3;
	v2 =	vld [tilespmem:s26+$0xC060];
	[tilespmem:s26+$0xC070] =	vst v0;
	s26 =	sor.u32 s28, s0  }
0xba: {  	v0 =	vld [tilespmem:s26+$0xC070];
	[tilespmem:s29+$0xC000] =	vst v1;
	v7 =	vmul.f32 $3.125000000e-02, v7  }
0xbb: {  	v1 =	vld [tilespmem:s26+$0xC000];
	[tilespmem:s29+$0xC010] =	vst v3;
	v6 =	vmul.f32 $3.125000000e-02, v6  }
0xbc: {  	v3 =	vld [tilespmem:s26+$0xC010];
	[tilespmem:s29+$0xC020] =	vst v7;
	v5 =	vmul.f32 $3.125000000e-02, v5  }
0xbd: {  	v7 =	vld [tilespmem:s26+$0xC020];
	[tilespmem:s29+$0xC030] =	vst v6;
	v4 =	vmul.f32 $3.125000000e-02, v4  }
0xbe: {  	v6 =	vld [tilespmem:s26+$0xC030];
	[tilespmem:s29+$0xC040] =	vst v5;
	v2 =	vmul.f32 $3.125000000e-02, v2  }
0xbf: {  	v5 =	vld [tilespmem:s26+$0xC040];
	v0 =	vmul.f32 $3.125000000e-02, v0;
	[tilespmem:s29+$0xC050] =	vst v4  }
0xc0: {  	v4 =	vld [tilespmem:s26+$0xC050];
	v1 =	vmul.f32 $3.125000000e-02, v1;
	[tilespmem:s29+$0xC060] =	vst v2  }
0xc1: {  	v2 =	vmul.f32 $3.125000000e-02, v3;
	v3 =	vld [tilespmem:s26+$0xC060];
	[tilespmem:s26+$0xC070] =	vst v0  }
0xc2: {  	[tilespmem:s26+$0xC000] =	vst v1;
	v0 =	vmul.f32 $3.125000000e-02, v7  }
0xc3: {  	v1 =	vmul.f32 $3.125000000e-02, v6;
	[tilespmem:s26+$0xC010] =	vst v2  }
0xc4: {  	[tilespmem:s26+$0xC020] =	vst v0;
	v0 =	vmul.f32 $3.125000000e-02, v5  }
0xc5: {  	[tilespmem:s26+$0xC030] =	vst v1;
	v1 =	vmul.f32 $3.125000000e-02, v4  }
0xc6: {  	[tilespmem:s26+$0xC040] =	vst v0;
	v0 =	vmul.f32 $3.125000000e-02, v3  }
0xc7: {  	[tilespmem:s26+$0xC050] =	vst v1  }
0xc8: {  	[tilespmem:s26+$0xC060] =	vst v0  }
0xc9: {  	s0 =	simm.s32 $0x0;
	s2 =	rddreg [dreg:$0xc]  }
0xca: {  	[hbm4b:s2+s0] =	stream.linear.scatter [tilespmem:s7], [sflag:$0xB], $0x4000, $0x38;
	[tilespmem:$0x1C000] =	vst v63  }
0xcb: {  	_ =	swait.ge [sflag:s16], $0x4000  }
0xcc: {  	s26 =	simm.s32 $0x0;
	[sflag:s16] =	ssyncset.done $0x0  }
0xcd: {  	s2 =	sand.u32 $0x2000, s26;
	s28 =	rddreg [dreg:$0xd];
	[sflag:s16] =	ssyncadd.s32 $0xFFFFC000  }
0xce: {  	[tilespmem:s5], [sflag:$0x2] =	stream.linear.gather [hbm4b:s28+s0], $0x4000, $0x38;
	[tilespmem:$0x1C000] =	vst v63  }
0xcf: {  	s0 =	sand.u32 $0x1C00, s0;
	s28 =	simm.s32 $0x0;
	_ =	swait.ge [sflag:s17], $0x4000  }
0xd0: {  	s26 =	sand.u32 $0x380, s28;
	s0 =	sor.u32 s0, s2;
	[sflag:s17] =	ssyncset.done $0x0  }
0xd1: {  	s29 =	sor.u32 s26, s0;
	[sflag:s17] =	ssyncadd.s32 $0xFFFFC000  }
0xd2: {  	v0 =	vld [tilespmem:s29+$0x10070]  }
0xd3: {  	v1 =	vld [tilespmem:s29+$0x10000]  }
0xd4: {  	v2 =	vld [tilespmem:s29+$0x10010]  }
0xd5: {  	v3 =	vld [tilespmem:s29+$0x10020]  }
0xd6: {  	s30 =	simm.s32 $0x400;
	s26 =	simm.s32 $0x80;
	v5 =	vld [tilespmem:s29+$0x10030]  }
0xd7: {  	s2 =	sand.u32 $0x1C00, s30;
	s28 =	simm.s32 $0x10;
	s0 =	sand.u32 $0x2000, s26;
	v7 =	vld [tilespmem:s29+$0x10040];
	v0 =	vmul.f32 $3.125000000e-02, v0  }
0xd8: {  	s26 =	sand.u32 $0x380, s28;
	s0 =	sor.u32 s2, s0;
	v4 =	vld [tilespmem:s29+$0x10050];
	v1 =	vmul.f32 $3.125000000e-02, v1  }
0xd9: {  	s26 =	sor.u32 s26, s0;
	v6 =	vmul.f32 $3.125000000e-02, v2;
	v2 =	vld [tilespmem:s29+$0x10060];
	[tilespmem:s29+$0x10070] =	vst v0  }
0xda: {  	v8 =	vmul.f32 $3.125000000e-02, v3;
	v0 =	vld [tilespmem:s26+$0x10070];
	[tilespmem:s29+$0x10000] =	vst v1  }
0xdb: {  	v1 =	vld [tilespmem:s26+$0x10000];
	[tilespmem:s29+$0x10010] =	vst v6;
	v6 =	vmul.f32 $3.125000000e-02, v5  }
0xdc: {  	s31 =	simm.s32 $0x8;
	v3 =	vld [tilespmem:s26+$0x10010];
	[tilespmem:s29+$0x10020] =	vst v8;
	v5 =	vmul.f32 $3.125000000e-02, v7  }
.LBB2_10:
0xdd: {  	s31 =	sadd.s32 $0x8, s31;
	v7 =	vld [tilespmem:s26+$0x10020];
	[tilespmem:s29+$0x10030] =	vst v6;
	v4 =	vmul.f32 $3.125000000e-02, v4  }
0xde: {  	s30 =	sadd.s32 $0x400, s30;
	s0 =	sshll.u32 s31, $0x4;
	p0 =	slt.u32 s31, $0x3F8;
	v6 =	vld [tilespmem:s26+$0x10030];
	[tilespmem:s29+$0x10040] =	vst v5;
	v2 =	vmul.f32 $3.125000000e-02, v2  }
0xdf: {  	s2 =	sand.u32 $0x1C00, s30;
	s28 =	sshll.u32 s31, $0x1;
	s0 =	sand.u32 $0x2000, s0;
	v5 =	vld [tilespmem:s26+$0x10040];
	v0 =	vmul.f32 $3.125000000e-02, v0;
	[tilespmem:s29+$0x10050] =	vst v4  }
.Ltmp4:
0xe0: {  	s28 =	sand.u32 $0x380, s28;
	s0 =	sor.u32 s2, s0;
	v1 =	vmul.f32 $3.125000000e-02, v1;
	v4 =	vld [tilespmem:s26+$0x10050];
	[tilespmem:s29+$0x10060] =	vst v2;
	(pc) =	sbr.rel @p0 .LBB2_10-.Ltmp4, $4  }
0xe1: {  	s29 =	smov.u32 s26;
	v3 =	vmul.f32 $3.125000000e-02, v3;
	v2 =	vld [tilespmem:s26+$0x10060];
	[tilespmem:s26+$0x10070] =	vst v0;
	s26 =	sor.u32 s28, s0  }
0xe2: {  	v0 =	vld [tilespmem:s26+$0x10070];
	[tilespmem:s29+$0x10000] =	vst v1;
	v7 =	vmul.f32 $3.125000000e-02, v7  }
0xe3: {  	v1 =	vld [tilespmem:s26+$0x10000];
	[tilespmem:s29+$0x10010] =	vst v3;
	v6 =	vmul.f32 $3.125000000e-02, v6  }
0xe4: {  	v3 =	vld [tilespmem:s26+$0x10010];
	[tilespmem:s29+$0x10020] =	vst v7;
	v5 =	vmul.f32 $3.125000000e-02, v5  }
0xe5: {  	v7 =	vld [tilespmem:s26+$0x10020];
	[tilespmem:s29+$0x10030] =	vst v6;
	v4 =	vmul.f32 $3.125000000e-02, v4  }
0xe6: {  	v6 =	vld [tilespmem:s26+$0x10030];
	[tilespmem:s29+$0x10040] =	vst v5;
	v2 =	vmul.f32 $3.125000000e-02, v2  }
0xe7: {  	v5 =	vld [tilespmem:s26+$0x10040];
	v0 =	vmul.f32 $3.125000000e-02, v0;
	[tilespmem:s29+$0x10050] =	vst v4  }
0xe8: {  	v4 =	vld [tilespmem:s26+$0x10050];
	v1 =	vmul.f32 $3.125000000e-02, v1;
	[tilespmem:s29+$0x10060] =	vst v2  }
0xe9: {  	v2 =	vmul.f32 $3.125000000e-02, v3;
	v3 =	vld [tilespmem:s26+$0x10060];
	[tilespmem:s26+$0x10070] =	vst v0  }
0xea: {  	[tilespmem:s26+$0x10000] =	vst v1;
	v0 =	vmul.f32 $3.125000000e-02, v7  }
0xeb: {  	v1 =	vmul.f32 $3.125000000e-02, v6;
	[tilespmem:s26+$0x10010] =	vst v2  }
0xec: {  	[tilespmem:s26+$0x10020] =	vst v0;
	v0 =	vmul.f32 $3.125000000e-02, v5  }
0xed: {  	[tilespmem:s26+$0x10030] =	vst v1;
	v1 =	vmul.f32 $3.125000000e-02, v4  }
0xee: {  	[tilespmem:s26+$0x10040] =	vst v0;
	v0 =	vmul.f32 $3.125000000e-02, v3  }
0xef: {  	[tilespmem:s26+$0x10050] =	vst v1  }
0xf0: {  	[tilespmem:s26+$0x10060] =	vst v0  }
0xf1: {  	s0 =	simm.s32 $0x0;
	s2 =	rddreg [dreg:$0xe]  }
0xf2: {  	[hbm4b:s2+s0] =	stream.linear.scatter [tilespmem:s8], [sflag:$0xC], $0x4000, $0x38;
	[tilespmem:$0x1C000] =	vst v63  }
0xf3: {  	_ =	swait.ge [sflag:s18], $0x4000  }
0xf4: {  	s26 =	simm.s32 $0x0;
	[sflag:s18] =	ssyncset.done $0x0  }
0xf5: {  	s2 =	sand.u32 $0x2000, s26;
	s28 =	rddreg [dreg:$0xf];
	[sflag:s18] =	ssyncadd.s32 $0xFFFFC000  }
0xf6: {  	[tilespmem:s6], [sflag:$0x3] =	stream.linear.gather [hbm4b:s28+s0], $0x4000, $0x38;
	[tilespmem:$0x1C000] =	vst v63  }
0xf7: {  	s0 =	sand.u32 $0x1C00, s0;
	s28 =	simm.s32 $0x0;
	_ =	swait.ge [sflag:s19], $0x4000  }
0xf8: {  	s26 =	sand.u32 $0x380, s28;
	s0 =	sor.u32 s0, s2;
	[sflag:s19] =	ssyncset.done $0x0  }
0xf9: {  	s29 =	sor.u32 s26, s0;
	[sflag:s19] =	ssyncadd.s32 $0xFFFFC000  }
0xfa: {  	v0 =	vld [tilespmem:s29+$0x14070]  }
0xfb: {  	v1 =	vld [tilespmem:s29+$0x14000]  }
0xfc: {  	v2 =	vld [tilespmem:s29+$0x14010]  }
0xfd: {  	v3 =	vld [tilespmem:s29+$0x14020]  }
0xfe: {  	s30 =	simm.s32 $0x400;
	s26 =	simm.s32 $0x80;
	v5 =	vld [tilespmem:s29+$0x14030]  }
0xff: {  	s2 =	sand.u32 $0x1C00, s30;
	s28 =	simm.s32 $0x10;
	s0 =	sand.u32 $0x2000, s26;
	v7 =	vld [tilespmem:s29+$0x14040];
	v0 =	vmul.f32 $3.125000000e-02, v0  }
0x100: {  	s26 =	sand.u32 $0x380, s28;
	s0 =	sor.u32 s2, s0;
	v4 =	vld [tilespmem:s29+$0x14050];
	v1 =	vmul.f32 $3.125000000e-02, v1  }
0x101: {  	s26 =	sor.u32 s26, s0;
	v6 =	vmul.f32 $3.125000000e-02, v2;
	v2 =	vld [tilespmem:s29+$0x14060];
	[tilespmem:s29+$0x14070] =	vst v0  }
0x102: {  	v8 =	vmul.f32 $3.125000000e-02, v3;
	v0 =	vld [tilespmem:s26+$0x14070];
	[tilespmem:s29+$0x14000] =	vst v1  }
0x103: {  	v1 =	vld [tilespmem:s26+$0x14000];
	[tilespmem:s29+$0x14010] =	vst v6;
	v6 =	vmul.f32 $3.125000000e-02, v5  }
0x104: {  	s31 =	simm.s32 $0x8;
	v3 =	vld [tilespmem:s26+$0x14010];
	[tilespmem:s29+$0x14020] =	vst v8;
	v5 =	vmul.f32 $3.125000000e-02, v7  }
.LBB2_12:
0x105: {  	s31 =	sadd.s32 $0x8, s31;
	v7 =	vld [tilespmem:s26+$0x14020];
	[tilespmem:s29+$0x14030] =	vst v6;
	v4 =	vmul.f32 $3.125000000e-02, v4  }
0x106: {  	s30 =	sadd.s32 $0x400, s30;
	s0 =	sshll.u32 s31, $0x4;
	p0 =	slt.u32 s31, $0x3F8;
	v6 =	vld [tilespmem:s26+$0x14030];
	[tilespmem:s29+$0x14040] =	vst v5;
	v2 =	vmul.f32 $3.125000000e-02, v2  }
0x107: {  	s2 =	sand.u32 $0x1C00, s30;
	s28 =	sshll.u32 s31, $0x1;
	s0 =	sand.u32 $0x2000, s0;
	v5 =	vld [tilespmem:s26+$0x14040];
	v0 =	vmul.f32 $3.125000000e-02, v0;
	[tilespmem:s29+$0x14050] =	vst v4  }
.Ltmp5:
0x108: {  	s28 =	sand.u32 $0x380, s28;
	s0 =	sor.u32 s2, s0;
	v1 =	vmul.f32 $3.125000000e-02, v1;
	v4 =	vld [tilespmem:s26+$0x14050];
	[tilespmem:s29+$0x14060] =	vst v2;
	(pc) =	sbr.rel @p0 .LBB2_12-.Ltmp5, $4  }
0x109: {  	s29 =	smov.u32 s26;
	v3 =	vmul.f32 $3.125000000e-02, v3;
	v2 =	vld [tilespmem:s26+$0x14060];
	[tilespmem:s26+$0x14070] =	vst v0;
	s26 =	sor.u32 s28, s0  }
0x10a: {  	v0 =	vld [tilespmem:s26+$0x14070];
	[tilespmem:s29+$0x14000] =	vst v1;
	v7 =	vmul.f32 $3.125000000e-02, v7  }
0x10b: {  	v1 =	vld [tilespmem:s26+$0x14000];
	[tilespmem:s29+$0x14010] =	vst v3;
	v6 =	vmul.f32 $3.125000000e-02, v6  }
0x10c: {  	v3 =	vld [tilespmem:s26+$0x14010];
	[tilespmem:s29+$0x14020] =	vst v7;
	v5 =	vmul.f32 $3.125000000e-02, v5  }
0x10d: {  	v7 =	vld [tilespmem:s26+$0x14020];
	[tilespmem:s29+$0x14030] =	vst v6;
	v4 =	vmul.f32 $3.125000000e-02, v4  }
0x10e: {  	v6 =	vld [tilespmem:s26+$0x14030];
	[tilespmem:s29+$0x14040] =	vst v5;
	v2 =	vmul.f32 $3.125000000e-02, v2  }
0x10f: {  	v5 =	vld [tilespmem:s26+$0x14040];
	v0 =	vmul.f32 $3.125000000e-02, v0;
	[tilespmem:s29+$0x14050] =	vst v4  }
0x110: {  	v4 =	vld [tilespmem:s26+$0x14050];
	v1 =	vmul.f32 $3.125000000e-02, v1;
	[tilespmem:s29+$0x14060] =	vst v2  }
0x111: {  	v2 =	vmul.f32 $3.125000000e-02, v3;
	v3 =	vld [tilespmem:s26+$0x14060];
	[tilespmem:s26+$0x14070] =	vst v0  }
0x112: {  	[tilespmem:s26+$0x14000] =	vst v1;
	v0 =	vmul.f32 $3.125000000e-02, v7  }
0x113: {  	v1 =	vmul.f32 $3.125000000e-02, v6;
	[tilespmem:s26+$0x14010] =	vst v2  }
0x114: {  	[tilespmem:s26+$0x14020] =	vst v0;
	v0 =	vmul.f32 $3.125000000e-02, v5  }
0x115: {  	[tilespmem:s26+$0x14030] =	vst v1;
	v1 =	vmul.f32 $3.125000000e-02, v4  }
0x116: {  	[tilespmem:s26+$0x14040] =	vst v0;
	v0 =	vmul.f32 $3.125000000e-02, v3  }
0x117: {  	[tilespmem:s26+$0x14050] =	vst v1  }
0x118: {  	[tilespmem:s26+$0x14060] =	vst v0  }
0x119: {  	s0 =	simm.s32 $0x0;
	s2 =	rddreg [dreg:$0x10]  }
0x11a: {  	[hbm4b:s2+s0] =	stream.linear.scatter [tilespmem:s10], [sflag:$0xD], $0x4000, $0x38;
	[tilespmem:$0x1C000] =	vst v63  }
0x11b: {  	_ =	swait.ge [sflag:s20], $0x4000  }
0x11c: {  	s26 =	simm.s32 $0x0;
	[sflag:s20] =	ssyncset.done $0x0  }
0x11d: {  	s2 =	sand.u32 $0x2000, s26;
	s28 =	rddreg [dreg:$0x11];
	[sflag:s20] =	ssyncadd.s32 $0xFFFFC000  }
0x11e: {  	[tilespmem:s7], [sflag:$0x4] =	stream.linear.gather [hbm4b:s28+s0], $0x4000, $0x38;
	[tilespmem:$0x1C000] =	vst v63  }
0x11f: {  	s0 =	sand.u32 $0x1C00, s0;
	s28 =	simm.s32 $0x0;
	_ =	swait.ge [sflag:s21], $0x4000  }
0x120: {  	s26 =	sand.u32 $0x380, s28;
	s0 =	sor.u32 s0, s2;
	[sflag:s21] =	ssyncset.done $0x0  }
0x121: {  	s29 =	sor.u32 s26, s0;
	[sflag:s21] =	ssyncadd.s32 $0xFFFFC000  }
0x122: {  	v0 =	vld [tilespmem:s29+$0x18070]  }
0x123: {  	v1 =	vld [tilespmem:s29+$0x18000]  }
0x124: {  	v2 =	vld [tilespmem:s29+$0x18010]  }
0x125: {  	v3 =	vld [tilespmem:s29+$0x18020]  }
0x126: {  	s30 =	simm.s32 $0x400;
	s26 =	simm.s32 $0x80;
	v5 =	vld [tilespmem:s29+$0x18030]  }
0x127: {  	s2 =	sand.u32 $0x1C00, s30;
	s28 =	simm.s32 $0x10;
	s0 =	sand.u32 $0x2000, s26;
	v7 =	vld [tilespmem:s29+$0x18040];
	v0 =	vmul.f32 $3.125000000e-02, v0  }
0x128: {  	s26 =	sand.u32 $0x380, s28;
	s0 =	sor.u32 s2, s0;
	v4 =	vld [tilespmem:s29+$0x18050];
	v1 =	vmul.f32 $3.125000000e-02, v1  }
0x129: {  	s26 =	sor.u32 s26, s0;
	v6 =	vmul.f32 $3.125000000e-02, v2;
	v2 =	vld [tilespmem:s29+$0x18060];
	[tilespmem:s29+$0x18070] =	vst v0  }
0x12a: {  	v8 =	vmul.f32 $3.125000000e-02, v3;
	v0 =	vld [tilespmem:s26+$0x18070];
	[tilespmem:s29+$0x18000] =	vst v1  }
0x12b: {  	v1 =	vld [tilespmem:s26+$0x18000];
	[tilespmem:s29+$0x18010] =	vst v6;
	v6 =	vmul.f32 $3.125000000e-02, v5  }
0x12c: {  	s31 =	simm.s32 $0x8;
	v3 =	vld [tilespmem:s26+$0x18010];
	[tilespmem:s29+$0x18020] =	vst v8;
	v5 =	vmul.f32 $3.125000000e-02, v7  }
.LBB2_14:
0x12d: {  	s31 =	sadd.s32 $0x8, s31;
	v7 =	vld [tilespmem:s26+$0x18020];
	[tilespmem:s29+$0x18030] =	vst v6;
	v4 =	vmul.f32 $3.125000000e-02, v4  }
0x12e: {  	s30 =	sadd.s32 $0x400, s30;
	s0 =	sshll.u32 s31, $0x4;
	p0 =	slt.u32 s31, $0x3F8;
	v6 =	vld [tilespmem:s26+$0x18030];
	[tilespmem:s29+$0x18040] =	vst v5;
	v2 =	vmul.f32 $3.125000000e-02, v2  }
0x12f: {  	s2 =	sand.u32 $0x1C00, s30;
	s28 =	sshll.u32 s31, $0x1;
	s0 =	sand.u32 $0x2000, s0;
	v5 =	vld [tilespmem:s26+$0x18040];
	v0 =	vmul.f32 $3.125000000e-02, v0;
	[tilespmem:s29+$0x18050] =	vst v4  }
.Ltmp6:
0x130: {  	s28 =	sand.u32 $0x380, s28;
	s0 =	sor.u32 s2, s0;
	v1 =	vmul.f32 $3.125000000e-02, v1;
	v4 =	vld [tilespmem:s26+$0x18050];
	[tilespmem:s29+$0x18060] =	vst v2;
	(pc) =	sbr.rel @p0 .LBB2_14-.Ltmp6, $4  }
0x131: {  	s29 =	smov.u32 s26;
	v3 =	vmul.f32 $3.125000000e-02, v3;
	v2 =	vld [tilespmem:s26+$0x18060];
	[tilespmem:s26+$0x18070] =	vst v0;
	s26 =	sor.u32 s28, s0  }
0x132: {  	v0 =	vld [tilespmem:s26+$0x18070];
	[tilespmem:s29+$0x18000] =	vst v1;
	v7 =	vmul.f32 $3.125000000e-02, v7  }
0x133: {  	v1 =	vld [tilespmem:s26+$0x18000];
	[tilespmem:s29+$0x18010] =	vst v3;
	v6 =	vmul.f32 $3.125000000e-02, v6  }
0x134: {  	v3 =	vld [tilespmem:s26+$0x18010];
	[tilespmem:s29+$0x18020] =	vst v7;
	v5 =	vmul.f32 $3.125000000e-02, v5  }
0x135: {  	v7 =	vld [tilespmem:s26+$0x18020];
	[tilespmem:s29+$0x18030] =	vst v6;
	v4 =	vmul.f32 $3.125000000e-02, v4  }
0x136: {  	v6 =	vld [tilespmem:s26+$0x18030];
	[tilespmem:s29+$0x18040] =	vst v5;
	v2 =	vmul.f32 $3.125000000e-02, v2  }
0x137: {  	v5 =	vld [tilespmem:s26+$0x18040];
	v0 =	vmul.f32 $3.125000000e-02, v0;
	[tilespmem:s29+$0x18050] =	vst v4  }
0x138: {  	v4 =	vld [tilespmem:s26+$0x18050];
	v1 =	vmul.f32 $3.125000000e-02, v1;
	[tilespmem:s29+$0x18060] =	vst v2  }
0x139: {  	v2 =	vmul.f32 $3.125000000e-02, v3;
	v3 =	vld [tilespmem:s26+$0x18060];
	[tilespmem:s26+$0x18070] =	vst v0  }
0x13a: {  	[tilespmem:s26+$0x18000] =	vst v1;
	v0 =	vmul.f32 $3.125000000e-02, v7  }
0x13b: {  	v1 =	vmul.f32 $3.125000000e-02, v6;
	[tilespmem:s26+$0x18010] =	vst v2  }
0x13c: {  	[tilespmem:s26+$0x18020] =	vst v0;
	v0 =	vmul.f32 $3.125000000e-02, v5  }
0x13d: {  	[tilespmem:s26+$0x18030] =	vst v1;
	v1 =	vmul.f32 $3.125000000e-02, v4  }
0x13e: {  	[tilespmem:s26+$0x18040] =	vst v0;
	v0 =	vmul.f32 $3.125000000e-02, v3  }
0x13f: {  	[tilespmem:s26+$0x18050] =	vst v1  }
0x140: {  	[tilespmem:s26+$0x18060] =	vst v0  }
0x141: {  	s0 =	simm.s32 $0x0;
	s2 =	rddreg [dreg:$0x12]  }
0x142: {  	[hbm4b:s2+s0] =	stream.linear.scatter [tilespmem:s12], [sflag:$0xE], $0x4000, $0x38;
	[tilespmem:$0x1C000] =	vst v63  }
0x143: {  	_ =	swait.ge [sflag:s22], $0x4000  }
0x144: {  	s26 =	simm.s32 $0x0;
	[sflag:s22] =	ssyncset.done $0x0  }
0x145: {  	s2 =	sand.u32 $0x2000, s26;
	s28 =	rddreg [dreg:$0x19];
	[sflag:s22] =	ssyncadd.s32 $0xFFFFC000  }
0x146: {  	[tilespmem:s8], [sflag:$0x5] =	stream.linear.gather [hbm4b:s28+s0], $0x4000, $0x38;
	[tilespmem:$0x1C000] =	vst v63  }
0x147: {  	s0 =	sand.u32 $0x1C00, s0;
	s28 =	simm.s32 $0x0;
	_ =	swait.ge [sflag:s9], $0x4000  }
0x148: {  	s26 =	sand.u32 $0x380, s28;
	s0 =	sor.u32 s0, s2;
	[sflag:s9] =	ssyncset.done $0x0  }
0x149: {  	s29 =	sor.u32 s26, s0;
	[sflag:s9] =	ssyncadd.s32 $0xFFFFC000  }
0x14a: {  	v0 =	vld [tilespmem:s29+$0x70]  }
0x14b: {  	v1 =	vld [tilespmem:s29+$0x0]  }
0x14c: {  	v2 =	vld [tilespmem:s29+$0x10]  }
0x14d: {  	v3 =	vld [tilespmem:s29+$0x20]  }
0x14e: {  	s30 =	simm.s32 $0x400;
	s26 =	simm.s32 $0x80;
	v5 =	vld [tilespmem:s29+$0x30]  }
0x14f: {  	s2 =	sand.u32 $0x1C00, s30;
	s28 =	simm.s32 $0x10;
	s0 =	sand.u32 $0x2000, s26;
	v7 =	vld [tilespmem:s29+$0x40];
	v0 =	vmul.f32 $3.125000000e-02, v0  }
0x150: {  	s26 =	sand.u32 $0x380, s28;
	s0 =	sor.u32 s2, s0;
	v4 =	vld [tilespmem:s29+$0x50];
	v1 =	vmul.f32 $3.125000000e-02, v1  }
0x151: {  	s26 =	sor.u32 s26, s0;
	v6 =	vmul.f32 $3.125000000e-02, v2;
	v2 =	vld [tilespmem:s29+$0x60];
	[tilespmem:s29+$0x70] =	vst v0  }
0x152: {  	v8 =	vmul.f32 $3.125000000e-02, v3;
	v0 =	vld [tilespmem:s26+$0x70];
	[tilespmem:s29+$0x0] =	vst v1  }
0x153: {  	v1 =	vld [tilespmem:s26+$0x0];
	[tilespmem:s29+$0x10] =	vst v6;
	v6 =	vmul.f32 $3.125000000e-02, v5  }
0x154: {  	s31 =	simm.s32 $0x8;
	v3 =	vld [tilespmem:s26+$0x10];
	[tilespmem:s29+$0x20] =	vst v8;
	v5 =	vmul.f32 $3.125000000e-02, v7  }
.LBB2_16:
0x155: {  	s31 =	sadd.s32 $0x8, s31;
	v7 =	vld [tilespmem:s26+$0x20];
	[tilespmem:s29+$0x30] =	vst v6;
	v4 =	vmul.f32 $3.125000000e-02, v4  }
0x156: {  	s30 =	sadd.s32 $0x400, s30;
	s0 =	sshll.u32 s31, $0x4;
	p0 =	slt.u32 s31, $0x3F8;
	v6 =	vld [tilespmem:s26+$0x30];
	[tilespmem:s29+$0x40] =	vst v5;
	v2 =	vmul.f32 $3.125000000e-02, v2  }
0x157: {  	s2 =	sand.u32 $0x1C00, s30;
	s28 =	sshll.u32 s31, $0x1;
	s0 =	sand.u32 $0x2000, s0;
	v5 =	vld [tilespmem:s26+$0x40];
	v0 =	vmul.f32 $3.125000000e-02, v0;
	[tilespmem:s29+$0x50] =	vst v4  }
.Ltmp7:
0x158: {  	s28 =	sand.u32 $0x380, s28;
	s0 =	sor.u32 s2, s0;
	v1 =	vmul.f32 $3.125000000e-02, v1;
	v4 =	vld [tilespmem:s26+$0x50];
	[tilespmem:s29+$0x60] =	vst v2;
	(pc) =	sbr.rel @p0 .LBB2_16-.Ltmp7, $4  }
0x159: {  	s29 =	smov.u32 s26;
	v3 =	vmul.f32 $3.125000000e-02, v3;
	v2 =	vld [tilespmem:s26+$0x60];
	[tilespmem:s26+$0x70] =	vst v0;
	s26 =	sor.u32 s28, s0  }
0x15a: {  	v0 =	vld [tilespmem:s26+$0x70];
	[tilespmem:s29+$0x0] =	vst v1;
	v7 =	vmul.f32 $3.125000000e-02, v7  }
0x15b: {  	v1 =	vld [tilespmem:s26+$0x0];
	[tilespmem:s29+$0x10] =	vst v3;
	v6 =	vmul.f32 $3.125000000e-02, v6  }
0x15c: {  	v3 =	vld [tilespmem:s26+$0x10];
	[tilespmem:s29+$0x20] =	vst v7;
	v5 =	vmul.f32 $3.125000000e-02, v5  }
0x15d: {  	v7 =	vld [tilespmem:s26+$0x20];
	[tilespmem:s29+$0x30] =	vst v6;
	v4 =	vmul.f32 $3.125000000e-02, v4  }
0x15e: {  	v6 =	vld [tilespmem:s26+$0x30];
	[tilespmem:s29+$0x40] =	vst v5;
	v2 =	vmul.f32 $3.125000000e-02, v2  }
0x15f: {  	v5 =	vld [tilespmem:s26+$0x40];
	v0 =	vmul.f32 $3.125000000e-02, v0;
	[tilespmem:s29+$0x50] =	vst v4  }
0x160: {  	v4 =	vld [tilespmem:s26+$0x50];
	v1 =	vmul.f32 $3.125000000e-02, v1;
	[tilespmem:s29+$0x60] =	vst v2  }
0x161: {  	v2 =	vmul.f32 $3.125000000e-02, v3;
	v3 =	vld [tilespmem:s26+$0x60];
	[tilespmem:s26+$0x70] =	vst v0  }
0x162: {  	[tilespmem:s26+$0x0] =	vst v1;
	v0 =	vmul.f32 $3.125000000e-02, v7  }
0x163: {  	v1 =	vmul.f32 $3.125000000e-02, v6;
	[tilespmem:s26+$0x10] =	vst v2  }
0x164: {  	[tilespmem:s26+$0x20] =	vst v0;
	v0 =	vmul.f32 $3.125000000e-02, v5  }
0x165: {  	[tilespmem:s26+$0x30] =	vst v1;
	v1 =	vmul.f32 $3.125000000e-02, v4  }
0x166: {  	[tilespmem:s26+$0x40] =	vst v0;
	v0 =	vmul.f32 $3.125000000e-02, v3  }
0x167: {  	[tilespmem:s26+$0x50] =	vst v1  }
0x168: {  	[tilespmem:s26+$0x60] =	vst v0  }
0x169: {  	s0 =	simm.s32 $0x0;
	s2 =	rddreg [dreg:$0x13]  }
0x16a: {  	[hbm4b:s2+s0] =	stream.linear.scatter [tilespmem:s0], [sflag:$0x8], $0x4000, $0x38;
	[tilespmem:$0x1C000] =	vst v63  }
0x16b: {  	_ =	swait.ge [sflag:s23], $0x4000  }
0x16c: {  	s26 =	simm.s32 $0x0;
	[sflag:s23] =	ssyncset.done $0x0  }
0x16d: {  	s2 =	sand.u32 $0x2000, s26;
	s28 =	rddreg [dreg:$0x1a];
	[sflag:s23] =	ssyncadd.s32 $0xFFFFC000  }
0x16e: {  	[tilespmem:s10], [sflag:$0x6] =	stream.linear.gather [hbm4b:s28+s0], $0x4000, $0x38;
	[tilespmem:$0x1C000] =	vst v63  }
0x16f: {  	s0 =	sand.u32 $0x1C00, s0;
	s28 =	simm.s32 $0x0;
	_ =	swait.ge [sflag:s11], $0x4000  }
0x170: {  	s26 =	sand.u32 $0x380, s28;
	s0 =	sor.u32 s0, s2;
	[sflag:s11] =	ssyncset.done $0x0  }
0x171: {  	s29 =	sor.u32 s26, s0;
	[sflag:s11] =	ssyncadd.s32 $0xFFFFC000  }
0x172: {  	v0 =	vld [tilespmem:s29+$0x4070]  }
0x173: {  	v1 =	vld [tilespmem:s29+$0x4000]  }
0x174: {  	v2 =	vld [tilespmem:s29+$0x4010]  }
0x175: {  	v3 =	vld [tilespmem:s29+$0x4020]  }
0x176: {  	s30 =	simm.s32 $0x400;
	s26 =	simm.s32 $0x80;
	v5 =	vld [tilespmem:s29+$0x4030]  }
0x177: {  	s2 =	sand.u32 $0x1C00, s30;
	s28 =	simm.s32 $0x10;
	s0 =	sand.u32 $0x2000, s26;
	v7 =	vld [tilespmem:s29+$0x4040];
	v0 =	vmul.f32 $3.125000000e-02, v0  }
0x178: {  	s26 =	sand.u32 $0x380, s28;
	s0 =	sor.u32 s2, s0;
	v4 =	vld [tilespmem:s29+$0x4050];
	v1 =	vmul.f32 $3.125000000e-02, v1  }
0x179: {  	s26 =	sor.u32 s26, s0;
	v6 =	vmul.f32 $3.125000000e-02, v2;
	v2 =	vld [tilespmem:s29+$0x4060];
	[tilespmem:s29+$0x4070] =	vst v0  }
0x17a: {  	v8 =	vmul.f32 $3.125000000e-02, v3;
	v0 =	vld [tilespmem:s26+$0x4070];
	[tilespmem:s29+$0x4000] =	vst v1  }
0x17b: {  	v1 =	vld [tilespmem:s26+$0x4000];
	[tilespmem:s29+$0x4010] =	vst v6;
	v6 =	vmul.f32 $3.125000000e-02, v5  }
0x17c: {  	s31 =	simm.s32 $0x8;
	v3 =	vld [tilespmem:s26+$0x4010];
	[tilespmem:s29+$0x4020] =	vst v8;
	v5 =	vmul.f32 $3.125000000e-02, v7  }
.LBB2_18:
0x17d: {  	s31 =	sadd.s32 $0x8, s31;
	v7 =	vld [tilespmem:s26+$0x4020];
	[tilespmem:s29+$0x4030] =	vst v6;
	v4 =	vmul.f32 $3.125000000e-02, v4  }
0x17e: {  	s30 =	sadd.s32 $0x400, s30;
	s0 =	sshll.u32 s31, $0x4;
	p0 =	slt.u32 s31, $0x3F8;
	v6 =	vld [tilespmem:s26+$0x4030];
	[tilespmem:s29+$0x4040] =	vst v5;
	v2 =	vmul.f32 $3.125000000e-02, v2  }
0x17f: {  	s2 =	sand.u32 $0x1C00, s30;
	s28 =	sshll.u32 s31, $0x1;
	s0 =	sand.u32 $0x2000, s0;
	v5 =	vld [tilespmem:s26+$0x4040];
	v0 =	vmul.f32 $3.125000000e-02, v0;
	[tilespmem:s29+$0x4050] =	vst v4  }
.Ltmp8:
0x180: {  	s28 =	sand.u32 $0x380, s28;
	s0 =	sor.u32 s2, s0;
	v1 =	vmul.f32 $3.125000000e-02, v1;
	v4 =	vld [tilespmem:s26+$0x4050];
	[tilespmem:s29+$0x4060] =	vst v2;
	(pc) =	sbr.rel @p0 .LBB2_18-.Ltmp8, $4  }
0x181: {  	s29 =	smov.u32 s26;
	v3 =	vmul.f32 $3.125000000e-02, v3;
	v2 =	vld [tilespmem:s26+$0x4060];
	[tilespmem:s26+$0x4070] =	vst v0;
	s26 =	sor.u32 s28, s0  }
0x182: {  	v0 =	vld [tilespmem:s26+$0x4070];
	[tilespmem:s29+$0x4000] =	vst v1;
	v7 =	vmul.f32 $3.125000000e-02, v7  }
0x183: {  	v1 =	vld [tilespmem:s26+$0x4000];
	[tilespmem:s29+$0x4010] =	vst v3;
	v6 =	vmul.f32 $3.125000000e-02, v6  }
0x184: {  	v3 =	vld [tilespmem:s26+$0x4010];
	[tilespmem:s29+$0x4020] =	vst v7;
	v5 =	vmul.f32 $3.125000000e-02, v5  }
0x185: {  	v7 =	vld [tilespmem:s26+$0x4020];
	[tilespmem:s29+$0x4030] =	vst v6;
	v4 =	vmul.f32 $3.125000000e-02, v4  }
0x186: {  	v6 =	vld [tilespmem:s26+$0x4030];
	[tilespmem:s29+$0x4040] =	vst v5;
	v2 =	vmul.f32 $3.125000000e-02, v2  }
0x187: {  	v5 =	vld [tilespmem:s26+$0x4040];
	v0 =	vmul.f32 $3.125000000e-02, v0;
	[tilespmem:s29+$0x4050] =	vst v4  }
0x188: {  	v4 =	vld [tilespmem:s26+$0x4050];
	v1 =	vmul.f32 $3.125000000e-02, v1;
	[tilespmem:s29+$0x4060] =	vst v2  }
0x189: {  	v2 =	vmul.f32 $3.125000000e-02, v3;
	v3 =	vld [tilespmem:s26+$0x4060];
	[tilespmem:s26+$0x4070] =	vst v0  }
0x18a: {  	[tilespmem:s26+$0x4000] =	vst v1;
	v0 =	vmul.f32 $3.125000000e-02, v7  }
0x18b: {  	v1 =	vmul.f32 $3.125000000e-02, v6;
	[tilespmem:s26+$0x4010] =	vst v2  }
0x18c: {  	[tilespmem:s26+$0x4020] =	vst v0;
	v0 =	vmul.f32 $3.125000000e-02, v5  }
0x18d: {  	[tilespmem:s26+$0x4030] =	vst v1;
	v1 =	vmul.f32 $3.125000000e-02, v4  }
0x18e: {  	[tilespmem:s26+$0x4040] =	vst v0;
	v0 =	vmul.f32 $3.125000000e-02, v3  }
0x18f: {  	[tilespmem:s26+$0x4050] =	vst v1  }
0x190: {  	[tilespmem:s26+$0x4060] =	vst v0  }
0x191: {  	s0 =	simm.s32 $0x0;
	s2 =	rddreg [dreg:$0x14]  }
0x192: {  	[hbm4b:s2+s0] =	stream.linear.scatter [tilespmem:s5], [sflag:$0x9], $0x4000, $0x38;
	[tilespmem:$0x1C000] =	vst v63  }
0x193: {  	_ =	swait.ge [sflag:s24], $0x4000  }
0x194: {  	s26 =	simm.s32 $0x0;
	[sflag:s24] =	ssyncset.done $0x0  }
0x195: {  	s2 =	sand.u32 $0x2000, s26;
	s28 =	rddreg [dreg:$0x1b];
	[sflag:s24] =	ssyncadd.s32 $0xFFFFC000  }
0x196: {  	[tilespmem:s12], [sflag:$0x7] =	stream.linear.gather [hbm4b:s28+s0], $0x4000, $0x38;
	[tilespmem:$0x1C000] =	vst v63  }
0x197: {  	s0 =	sand.u32 $0x1C00, s0;
	s28 =	simm.s32 $0x0;
	_ =	swait.ge [sflag:s13], $0x4000  }
0x198: {  	s26 =	sand.u32 $0x380, s28;
	s0 =	sor.u32 s0, s2;
	[sflag:s13] =	ssyncset.done $0x0  }
0x199: {  	s29 =	sor.u32 s26, s0;
	[sflag:s13] =	ssyncadd.s32 $0xFFFFC000  }
0x19a: {  	v0 =	vld [tilespmem:s29+$0x8070]  }
0x19b: {  	v1 =	vld [tilespmem:s29+$0x8000]  }
0x19c: {  	v2 =	vld [tilespmem:s29+$0x8010]  }
0x19d: {  	v3 =	vld [tilespmem:s29+$0x8020]  }
0x19e: {  	s30 =	simm.s32 $0x400;
	s26 =	simm.s32 $0x80;
	v5 =	vld [tilespmem:s29+$0x8030]  }
0x19f: {  	s2 =	sand.u32 $0x1C00, s30;
	s28 =	simm.s32 $0x10;
	s0 =	sand.u32 $0x2000, s26;
	v7 =	vld [tilespmem:s29+$0x8040];
	v0 =	vmul.f32 $3.125000000e-02, v0  }
0x1a0: {  	s26 =	sand.u32 $0x380, s28;
	s0 =	sor.u32 s2, s0;
	v4 =	vld [tilespmem:s29+$0x8050];
	v1 =	vmul.f32 $3.125000000e-02, v1  }
0x1a1: {  	s26 =	sor.u32 s26, s0;
	v6 =	vmul.f32 $3.125000000e-02, v2;
	v2 =	vld [tilespmem:s29+$0x8060];
	[tilespmem:s29+$0x8070] =	vst v0  }
0x1a2: {  	v8 =	vmul.f32 $3.125000000e-02, v3;
	v0 =	vld [tilespmem:s26+$0x8070];
	[tilespmem:s29+$0x8000] =	vst v1  }
0x1a3: {  	v1 =	vld [tilespmem:s26+$0x8000];
	[tilespmem:s29+$0x8010] =	vst v6;
	v6 =	vmul.f32 $3.125000000e-02, v5  }
0x1a4: {  	s31 =	simm.s32 $0x8;
	v3 =	vld [tilespmem:s26+$0x8010];
	[tilespmem:s29+$0x8020] =	vst v8;
	v5 =	vmul.f32 $3.125000000e-02, v7  }
.LBB2_20:
0x1a5: {  	s31 =	sadd.s32 $0x8, s31;
	v7 =	vld [tilespmem:s26+$0x8020];
	[tilespmem:s29+$0x8030] =	vst v6;
	v4 =	vmul.f32 $3.125000000e-02, v4  }
0x1a6: {  	s30 =	sadd.s32 $0x400, s30;
	s0 =	sshll.u32 s31, $0x4;
	p0 =	slt.u32 s31, $0x3F8;
	v6 =	vld [tilespmem:s26+$0x8030];
	[tilespmem:s29+$0x8040] =	vst v5;
	v2 =	vmul.f32 $3.125000000e-02, v2  }
0x1a7: {  	s2 =	sand.u32 $0x1C00, s30;
	s28 =	sshll.u32 s31, $0x1;
	s0 =	sand.u32 $0x2000, s0;
	v5 =	vld [tilespmem:s26+$0x8040];
	v0 =	vmul.f32 $3.125000000e-02, v0;
	[tilespmem:s29+$0x8050] =	vst v4  }
.Ltmp9:
0x1a8: {  	s28 =	sand.u32 $0x380, s28;
	s0 =	sor.u32 s2, s0;
	v1 =	vmul.f32 $3.125000000e-02, v1;
	v4 =	vld [tilespmem:s26+$0x8050];
	[tilespmem:s29+$0x8060] =	vst v2;
	(pc) =	sbr.rel @p0 .LBB2_20-.Ltmp9, $4  }
0x1a9: {  	s29 =	smov.u32 s26;
	v3 =	vmul.f32 $3.125000000e-02, v3;
	v2 =	vld [tilespmem:s26+$0x8060];
	[tilespmem:s26+$0x8070] =	vst v0;
	s26 =	sor.u32 s28, s0  }
0x1aa: {  	v0 =	vld [tilespmem:s26+$0x8070];
	[tilespmem:s29+$0x8000] =	vst v1;
	v7 =	vmul.f32 $3.125000000e-02, v7  }
0x1ab: {  	v1 =	vld [tilespmem:s26+$0x8000];
	[tilespmem:s29+$0x8010] =	vst v3;
	v6 =	vmul.f32 $3.125000000e-02, v6  }
0x1ac: {  	v3 =	vld [tilespmem:s26+$0x8010];
	[tilespmem:s29+$0x8020] =	vst v7;
	v5 =	vmul.f32 $3.125000000e-02, v5  }
0x1ad: {  	v7 =	vld [tilespmem:s26+$0x8020];
	[tilespmem:s29+$0x8030] =	vst v6;
	v4 =	vmul.f32 $3.125000000e-02, v4  }
0x1ae: {  	v6 =	vld [tilespmem:s26+$0x8030];
	[tilespmem:s29+$0x8040] =	vst v5;
	v2 =	vmul.f32 $3.125000000e-02, v2  }
0x1af: {  	v5 =	vld [tilespmem:s26+$0x8040];
	v0 =	vmul.f32 $3.125000000e-02, v0;
	[tilespmem:s29+$0x8050] =	vst v4  }
0x1b0: {  	v4 =	vld [tilespmem:s26+$0x8050];
	v1 =	vmul.f32 $3.125000000e-02, v1;
	[tilespmem:s29+$0x8060] =	vst v2  }
0x1b1: {  	v2 =	vmul.f32 $3.125000000e-02, v3;
	v3 =	vld [tilespmem:s26+$0x8060];
	[tilespmem:s26+$0x8070] =	vst v0  }
0x1b2: {  	[tilespmem:s26+$0x8000] =	vst v1;
	v0 =	vmul.f32 $3.125000000e-02, v7  }
0x1b3: {  	v1 =	vmul.f32 $3.125000000e-02, v6;
	[tilespmem:s26+$0x8010] =	vst v2  }
0x1b4: {  	[tilespmem:s26+$0x8020] =	vst v0;
	v0 =	vmul.f32 $3.125000000e-02, v5  }
0x1b5: {  	[tilespmem:s26+$0x8030] =	vst v1;
	v1 =	vmul.f32 $3.125000000e-02, v4  }
0x1b6: {  	[tilespmem:s26+$0x8040] =	vst v0;
	v0 =	vmul.f32 $3.125000000e-02, v3  }
0x1b7: {  	[tilespmem:s26+$0x8050] =	vst v1  }
0x1b8: {  	[tilespmem:s26+$0x8060] =	vst v0  }
0x1b9: {  	s0 =	simm.s32 $0x0;
	s2 =	rddreg [dreg:$0x15]  }
0x1ba: {  	[hbm4b:s2+s0] =	stream.linear.scatter [tilespmem:s6], [sflag:$0xA], $0x4000, $0x38;
	[tilespmem:$0x1C000] =	vst v63  }
0x1bb: {  	_ =	swait.ge [sflag:s14], $0x4000  }
0x1bc: {  	s26 =	simm.s32 $0x0;
	[sflag:s14] =	ssyncset.done $0x0  }
0x1bd: {  	s2 =	sand.u32 $0x2000, s26;
	s28 =	rddreg [dreg:$0x1c];
	[sflag:s14] =	ssyncadd.s32 $0xFFFFC000  }
0x1be: {  	[tilespmem:s0], [sflag:$0x1] =	stream.linear.gather [hbm4b:s28+s0], $0x4000, $0x38;
	[tilespmem:$0x1C000] =	vst v63  }
0x1bf: {  	s0 =	sand.u32 $0x1C00, s0;
	s28 =	simm.s32 $0x0;
	_ =	swait.ge [sflag:s15], $0x4000  }
0x1c0: {  	s26 =	sand.u32 $0x380, s28;
	s0 =	sor.u32 s0, s2;
	[sflag:s15] =	ssyncset.done $0x0  }
0x1c1: {  	s29 =	sor.u32 s26, s0;
	[sflag:s15] =	ssyncadd.s32 $0xFFFFC000  }
0x1c2: {  	v0 =	vld [tilespmem:s29+$0xC070]  }
0x1c3: {  	v1 =	vld [tilespmem:s29+$0xC000]  }
0x1c4: {  	v2 =	vld [tilespmem:s29+$0xC010]  }
0x1c5: {  	v3 =	vld [tilespmem:s29+$0xC020]  }
0x1c6: {  	s30 =	simm.s32 $0x400;
	s26 =	simm.s32 $0x80;
	v5 =	vld [tilespmem:s29+$0xC030]  }
0x1c7: {  	s2 =	sand.u32 $0x1C00, s30;
	s28 =	simm.s32 $0x10;
	s0 =	sand.u32 $0x2000, s26;
	v7 =	vld [tilespmem:s29+$0xC040];
	v0 =	vmul.f32 $3.125000000e-02, v0  }
0x1c8: {  	s26 =	sand.u32 $0x380, s28;
	s0 =	sor.u32 s2, s0;
	v4 =	vld [tilespmem:s29+$0xC050];
	v1 =	vmul.f32 $3.125000000e-02, v1  }
0x1c9: {  	s26 =	sor.u32 s26, s0;
	v6 =	vmul.f32 $3.125000000e-02, v2;
	v2 =	vld [tilespmem:s29+$0xC060];
	[tilespmem:s29+$0xC070] =	vst v0  }
0x1ca: {  	v8 =	vmul.f32 $3.125000000e-02, v3;
	v0 =	vld [tilespmem:s26+$0xC070];
	[tilespmem:s29+$0xC000] =	vst v1  }
0x1cb: {  	v1 =	vld [tilespmem:s26+$0xC000];
	[tilespmem:s29+$0xC010] =	vst v6;
	v6 =	vmul.f32 $3.125000000e-02, v5  }
0x1cc: {  	s31 =	simm.s32 $0x8;
	v3 =	vld [tilespmem:s26+$0xC010];
	[tilespmem:s29+$0xC020] =	vst v8;
	v5 =	vmul.f32 $3.125000000e-02, v7  }
.LBB2_22:
0x1cd: {  	s31 =	sadd.s32 $0x8, s31;
	v7 =	vld [tilespmem:s26+$0xC020];
	[tilespmem:s29+$0xC030] =	vst v6;
	v4 =	vmul.f32 $3.125000000e-02, v4  }
0x1ce: {  	s30 =	sadd.s32 $0x400, s30;
	s0 =	sshll.u32 s31, $0x4;
	p0 =	slt.u32 s31, $0x3F8;
	v6 =	vld [tilespmem:s26+$0xC030];
	[tilespmem:s29+$0xC040] =	vst v5;
	v2 =	vmul.f32 $3.125000000e-02, v2  }
0x1cf: {  	s2 =	sand.u32 $0x1C00, s30;
	s28 =	sshll.u32 s31, $0x1;
	s0 =	sand.u32 $0x2000, s0;
	v5 =	vld [tilespmem:s26+$0xC040];
	v0 =	vmul.f32 $3.125000000e-02, v0;
	[tilespmem:s29+$0xC050] =	vst v4  }
.Ltmp10:
0x1d0: {  	s28 =	sand.u32 $0x380, s28;
	s0 =	sor.u32 s2, s0;
	v1 =	vmul.f32 $3.125000000e-02, v1;
	v4 =	vld [tilespmem:s26+$0xC050];
	[tilespmem:s29+$0xC060] =	vst v2;
	(pc) =	sbr.rel @p0 .LBB2_22-.Ltmp10, $4  }
0x1d1: {  	s29 =	smov.u32 s26;
	v3 =	vmul.f32 $3.125000000e-02, v3;
	v2 =	vld [tilespmem:s26+$0xC060];
	[tilespmem:s26+$0xC070] =	vst v0;
	s26 =	sor.u32 s28, s0  }
0x1d2: {  	v0 =	vld [tilespmem:s26+$0xC070];
	[tilespmem:s29+$0xC000] =	vst v1;
	v7 =	vmul.f32 $3.125000000e-02, v7  }
0x1d3: {  	v1 =	vld [tilespmem:s26+$0xC000];
	[tilespmem:s29+$0xC010] =	vst v3;
	v6 =	vmul.f32 $3.125000000e-02, v6  }
0x1d4: {  	v3 =	vld [tilespmem:s26+$0xC010];
	[tilespmem:s29+$0xC020] =	vst v7;
	v5 =	vmul.f32 $3.125000000e-02, v5  }
0x1d5: {  	v7 =	vld [tilespmem:s26+$0xC020];
	[tilespmem:s29+$0xC030] =	vst v6;
	v4 =	vmul.f32 $3.125000000e-02, v4  }
0x1d6: {  	v6 =	vld [tilespmem:s26+$0xC030];
	[tilespmem:s29+$0xC040] =	vst v5;
	v2 =	vmul.f32 $3.125000000e-02, v2  }
0x1d7: {  	v5 =	vld [tilespmem:s26+$0xC040];
	v0 =	vmul.f32 $3.125000000e-02, v0;
	[tilespmem:s29+$0xC050] =	vst v4  }
0x1d8: {  	v4 =	vld [tilespmem:s26+$0xC050];
	v1 =	vmul.f32 $3.125000000e-02, v1;
	[tilespmem:s29+$0xC060] =	vst v2  }
0x1d9: {  	v2 =	vmul.f32 $3.125000000e-02, v3;
	v3 =	vld [tilespmem:s26+$0xC060];
	[tilespmem:s26+$0xC070] =	vst v0  }
0x1da: {  	[tilespmem:s26+$0xC000] =	vst v1;
	v0 =	vmul.f32 $3.125000000e-02, v7  }
0x1db: {  	v1 =	vmul.f32 $3.125000000e-02, v6;
	[tilespmem:s26+$0xC010] =	vst v2  }
0x1dc: {  	[tilespmem:s26+$0xC020] =	vst v0;
	v0 =	vmul.f32 $3.125000000e-02, v5  }
0x1dd: {  	[tilespmem:s26+$0xC030] =	vst v1;
	v1 =	vmul.f32 $3.125000000e-02, v4  }
0x1de: {  	[tilespmem:s26+$0xC040] =	vst v0;
	v0 =	vmul.f32 $3.125000000e-02, v3  }
0x1df: {  	[tilespmem:s26+$0xC050] =	vst v1  }
0x1e0: {  	[tilespmem:s26+$0xC060] =	vst v0  }
0x1e1: {  	s0 =	simm.s32 $0x0;
	s2 =	rddreg [dreg:$0x16]  }
0x1e2: {  	[hbm4b:s2+s0] =	stream.linear.scatter [tilespmem:s7], [sflag:$0xB], $0x4000, $0x38;
	[tilespmem:$0x1C000] =	vst v63  }
0x1e3: {  	_ =	swait.ge [sflag:s16], $0x4000  }
0x1e4: {  	s26 =	simm.s32 $0x0;
	[sflag:s16] =	ssyncset.done $0x0  }
0x1e5: {  	s2 =	sand.u32 $0x2000, s26;
	s28 =	rddreg [dreg:$0x1d];
	[sflag:s16] =	ssyncadd.s32 $0xFFFFC000  }
0x1e6: {  	[tilespmem:s5], [sflag:$0x2] =	stream.linear.gather [hbm4b:s28+s0], $0x4000, $0x38;
	[tilespmem:$0x1C000] =	vst v63  }
0x1e7: {  	s0 =	sand.u32 $0x1C00, s0;
	s28 =	simm.s32 $0x0;
	_ =	swait.ge [sflag:s17], $0x4000  }
0x1e8: {  	s26 =	sand.u32 $0x380, s28;
	s0 =	sor.u32 s0, s2;
	[sflag:s17] =	ssyncset.done $0x0  }
0x1e9: {  	s29 =	sor.u32 s26, s0;
	[sflag:s17] =	ssyncadd.s32 $0xFFFFC000  }
0x1ea: {  	v0 =	vld [tilespmem:s29+$0x10070]  }
0x1eb: {  	v1 =	vld [tilespmem:s29+$0x10000]  }
0x1ec: {  	v2 =	vld [tilespmem:s29+$0x10010]  }
0x1ed: {  	v3 =	vld [tilespmem:s29+$0x10020]  }
0x1ee: {  	s30 =	simm.s32 $0x400;
	s26 =	simm.s32 $0x80;
	v5 =	vld [tilespmem:s29+$0x10030]  }
0x1ef: {  	s2 =	sand.u32 $0x1C00, s30;
	s28 =	simm.s32 $0x10;
	s0 =	sand.u32 $0x2000, s26;
	v7 =	vld [tilespmem:s29+$0x10040];
	v0 =	vmul.f32 $3.125000000e-02, v0  }
0x1f0: {  	s26 =	sand.u32 $0x380, s28;
	s0 =	sor.u32 s2, s0;
	v4 =	vld [tilespmem:s29+$0x10050];
	v1 =	vmul.f32 $3.125000000e-02, v1  }
0x1f1: {  	s26 =	sor.u32 s26, s0;
	v6 =	vmul.f32 $3.125000000e-02, v2;
	v2 =	vld [tilespmem:s29+$0x10060];
	[tilespmem:s29+$0x10070] =	vst v0  }
0x1f2: {  	v8 =	vmul.f32 $3.125000000e-02, v3;
	v0 =	vld [tilespmem:s26+$0x10070];
	[tilespmem:s29+$0x10000] =	vst v1  }
0x1f3: {  	v1 =	vld [tilespmem:s26+$0x10000];
	[tilespmem:s29+$0x10010] =	vst v6;
	v6 =	vmul.f32 $3.125000000e-02, v5  }
0x1f4: {  	s31 =	simm.s32 $0x8;
	v3 =	vld [tilespmem:s26+$0x10010];
	[tilespmem:s29+$0x10020] =	vst v8;
	v5 =	vmul.f32 $3.125000000e-02, v7  }
.LBB2_24:
0x1f5: {  	s31 =	sadd.s32 $0x8, s31;
	v7 =	vld [tilespmem:s26+$0x10020];
	[tilespmem:s29+$0x10030] =	vst v6;
	v4 =	vmul.f32 $3.125000000e-02, v4  }
0x1f6: {  	s30 =	sadd.s32 $0x400, s30;
	s0 =	sshll.u32 s31, $0x4;
	p0 =	slt.u32 s31, $0x3F8;
	v6 =	vld [tilespmem:s26+$0x10030];
	[tilespmem:s29+$0x10040] =	vst v5;
	v2 =	vmul.f32 $3.125000000e-02, v2  }
0x1f7: {  	s2 =	sand.u32 $0x1C00, s30;
	s28 =	sshll.u32 s31, $0x1;
	s0 =	sand.u32 $0x2000, s0;
	v5 =	vld [tilespmem:s26+$0x10040];
	v0 =	vmul.f32 $3.125000000e-02, v0;
	[tilespmem:s29+$0x10050] =	vst v4  }
.Ltmp11:
0x1f8: {  	s28 =	sand.u32 $0x380, s28;
	s0 =	sor.u32 s2, s0;
	v1 =	vmul.f32 $3.125000000e-02, v1;
	v4 =	vld [tilespmem:s26+$0x10050];
	[tilespmem:s29+$0x10060] =	vst v2;
	(pc) =	sbr.rel @p0 .LBB2_24-.Ltmp11, $4  }
0x1f9: {  	s29 =	smov.u32 s26;
	v3 =	vmul.f32 $3.125000000e-02, v3;
	v2 =	vld [tilespmem:s26+$0x10060];
	[tilespmem:s26+$0x10070] =	vst v0;
	s26 =	sor.u32 s28, s0  }
0x1fa: {  	v0 =	vld [tilespmem:s26+$0x10070];
	[tilespmem:s29+$0x10000] =	vst v1;
	v7 =	vmul.f32 $3.125000000e-02, v7  }
0x1fb: {  	v1 =	vld [tilespmem:s26+$0x10000];
	[tilespmem:s29+$0x10010] =	vst v3;
	v6 =	vmul.f32 $3.125000000e-02, v6  }
0x1fc: {  	v3 =	vld [tilespmem:s26+$0x10010];
	[tilespmem:s29+$0x10020] =	vst v7;
	v5 =	vmul.f32 $3.125000000e-02, v5  }
0x1fd: {  	v7 =	vld [tilespmem:s26+$0x10020];
	[tilespmem:s29+$0x10030] =	vst v6;
	v4 =	vmul.f32 $3.125000000e-02, v4  }
0x1fe: {  	v6 =	vld [tilespmem:s26+$0x10030];
	[tilespmem:s29+$0x10040] =	vst v5;
	v2 =	vmul.f32 $3.125000000e-02, v2  }
0x1ff: {  	v5 =	vld [tilespmem:s26+$0x10040];
	v0 =	vmul.f32 $3.125000000e-02, v0;
	[tilespmem:s29+$0x10050] =	vst v4  }
0x200: {  	v4 =	vld [tilespmem:s26+$0x10050];
	v1 =	vmul.f32 $3.125000000e-02, v1;
	[tilespmem:s29+$0x10060] =	vst v2  }
0x201: {  	v2 =	vmul.f32 $3.125000000e-02, v3;
	v3 =	vld [tilespmem:s26+$0x10060];
	[tilespmem:s26+$0x10070] =	vst v0  }
0x202: {  	[tilespmem:s26+$0x10000] =	vst v1;
	v0 =	vmul.f32 $3.125000000e-02, v7  }
0x203: {  	v1 =	vmul.f32 $3.125000000e-02, v6;
	[tilespmem:s26+$0x10010] =	vst v2  }
0x204: {  	[tilespmem:s26+$0x10020] =	vst v0;
	v0 =	vmul.f32 $3.125000000e-02, v5  }
0x205: {  	[tilespmem:s26+$0x10030] =	vst v1;
	v1 =	vmul.f32 $3.125000000e-02, v4  }
0x206: {  	[tilespmem:s26+$0x10040] =	vst v0;
	v0 =	vmul.f32 $3.125000000e-02, v3  }
0x207: {  	[tilespmem:s26+$0x10050] =	vst v1  }
0x208: {  	s0 =	simm.s32 $0x0;
	[tilespmem:s26+$0x10060] =	vst v0  }
0x209: {  	s28 =	simm.s32 $0x0;
	s26 =	simm.s32 $0x0;
	s2 =	rddreg [dreg:$0x1e]  }
0x20a: {  	[hbm4b:s2+s0] =	stream.linear.scatter [tilespmem:s8], [sflag:$0xC], $0x4000, $0x38;
	[tilespmem:$0x1C000] =	vst v63  }
0x20b: {  	s2 =	sand.u32 $0x2000, s26;
	s0 =	sand.u32 $0x1C00, s0;
	_ =	swait.ge [sflag:s19], $0x4000  }
0x20c: {  	s26 =	sand.u32 $0x380, s28;
	s0 =	sor.u32 s0, s2;
	[sflag:s19] =	ssyncset.done $0x0  }
0x20d: {  	s29 =	sor.u32 s26, s0;
	[sflag:s19] =	ssyncadd.s32 $0xFFFFC000  }
0x20e: {  	v0 =	vld [tilespmem:s29+$0x14070]  }
0x20f: {  	v1 =	vld [tilespmem:s29+$0x14000]  }
0x210: {  	v2 =	vld [tilespmem:s29+$0x14010]  }
0x211: {  	v3 =	vld [tilespmem:s29+$0x14020]  }
0x212: {  	s30 =	simm.s32 $0x400;
	s26 =	simm.s32 $0x80;
	v5 =	vld [tilespmem:s29+$0x14030]  }
0x213: {  	s28 =	simm.s32 $0x10;
	s2 =	sand.u32 $0x1C00, s30;
	s0 =	sand.u32 $0x2000, s26;
	v7 =	vld [tilespmem:s29+$0x14040];
	v0 =	vmul.f32 $3.125000000e-02, v0  }
0x214: {  	s26 =	sand.u32 $0x380, s28;
	s0 =	sor.u32 s2, s0;
	v4 =	vld [tilespmem:s29+$0x14050];
	v1 =	vmul.f32 $3.125000000e-02, v1  }
0x215: {  	s26 =	sor.u32 s26, s0;
	v6 =	vmul.f32 $3.125000000e-02, v2;
	v2 =	vld [tilespmem:s29+$0x14060];
	[tilespmem:s29+$0x14070] =	vst v0  }
0x216: {  	v8 =	vmul.f32 $3.125000000e-02, v3;
	v0 =	vld [tilespmem:s26+$0x14070];
	[tilespmem:s29+$0x14000] =	vst v1  }
0x217: {  	v1 =	vld [tilespmem:s26+$0x14000];
	[tilespmem:s29+$0x14010] =	vst v6;
	v6 =	vmul.f32 $3.125000000e-02, v5  }
0x218: {  	s31 =	simm.s32 $0x8;
	v3 =	vld [tilespmem:s26+$0x14010];
	[tilespmem:s29+$0x14020] =	vst v8;
	v5 =	vmul.f32 $3.125000000e-02, v7  }
.LBB2_26:
0x219: {  	s31 =	sadd.s32 $0x8, s31;
	v7 =	vld [tilespmem:s26+$0x14020];
	[tilespmem:s29+$0x14030] =	vst v6;
	v4 =	vmul.f32 $3.125000000e-02, v4  }
0x21a: {  	s30 =	sadd.s32 $0x400, s30;
	s0 =	sshll.u32 s31, $0x4;
	p0 =	slt.u32 s31, $0x3F8;
	v6 =	vld [tilespmem:s26+$0x14030];
	[tilespmem:s29+$0x14040] =	vst v5;
	v2 =	vmul.f32 $3.125000000e-02, v2  }
0x21b: {  	s2 =	sand.u32 $0x1C00, s30;
	s28 =	sshll.u32 s31, $0x1;
	s0 =	sand.u32 $0x2000, s0;
	v5 =	vld [tilespmem:s26+$0x14040];
	v0 =	vmul.f32 $3.125000000e-02, v0;
	[tilespmem:s29+$0x14050] =	vst v4  }
.Ltmp12:
0x21c: {  	s28 =	sand.u32 $0x380, s28;
	s0 =	sor.u32 s2, s0;
	v1 =	vmul.f32 $3.125000000e-02, v1;
	v4 =	vld [tilespmem:s26+$0x14050];
	[tilespmem:s29+$0x14060] =	vst v2;
	(pc) =	sbr.rel @p0 .LBB2_26-.Ltmp12, $4  }
0x21d: {  	s29 =	smov.u32 s26;
	v3 =	vmul.f32 $3.125000000e-02, v3;
	v2 =	vld [tilespmem:s26+$0x14060];
	[tilespmem:s26+$0x14070] =	vst v0;
	s26 =	sor.u32 s28, s0  }
0x21e: {  	v0 =	vld [tilespmem:s26+$0x14070];
	[tilespmem:s29+$0x14000] =	vst v1;
	v7 =	vmul.f32 $3.125000000e-02, v7  }
0x21f: {  	v1 =	vld [tilespmem:s26+$0x14000];
	[tilespmem:s29+$0x14010] =	vst v3;
	v6 =	vmul.f32 $3.125000000e-02, v6  }
0x220: {  	v3 =	vld [tilespmem:s26+$0x14010];
	[tilespmem:s29+$0x14020] =	vst v7;
	v5 =	vmul.f32 $3.125000000e-02, v5  }
0x221: {  	v7 =	vld [tilespmem:s26+$0x14020];
	[tilespmem:s29+$0x14030] =	vst v6;
	v4 =	vmul.f32 $3.125000000e-02, v4  }
0x222: {  	v6 =	vld [tilespmem:s26+$0x14030];
	[tilespmem:s29+$0x14040] =	vst v5;
	v2 =	vmul.f32 $3.125000000e-02, v2  }
0x223: {  	v5 =	vld [tilespmem:s26+$0x14040];
	v0 =	vmul.f32 $3.125000000e-02, v0;
	[tilespmem:s29+$0x14050] =	vst v4  }
0x224: {  	v4 =	vld [tilespmem:s26+$0x14050];
	v1 =	vmul.f32 $3.125000000e-02, v1;
	[tilespmem:s29+$0x14060] =	vst v2  }
0x225: {  	v2 =	vmul.f32 $3.125000000e-02, v3;
	v3 =	vld [tilespmem:s26+$0x14060];
	[tilespmem:s26+$0x14070] =	vst v0  }
0x226: {  	[tilespmem:s26+$0x14000] =	vst v1;
	v0 =	vmul.f32 $3.125000000e-02, v7  }
0x227: {  	v1 =	vmul.f32 $3.125000000e-02, v6;
	[tilespmem:s26+$0x14010] =	vst v2  }
0x228: {  	[tilespmem:s26+$0x14020] =	vst v0;
	v0 =	vmul.f32 $3.125000000e-02, v5  }
0x229: {  	[tilespmem:s26+$0x14030] =	vst v1;
	v1 =	vmul.f32 $3.125000000e-02, v4  }
0x22a: {  	[tilespmem:s26+$0x14040] =	vst v0;
	v0 =	vmul.f32 $3.125000000e-02, v3  }
0x22b: {  	[tilespmem:s26+$0x14050] =	vst v1  }
0x22c: {  	s0 =	simm.s32 $0x0;
	[tilespmem:s26+$0x14060] =	vst v0  }
0x22d: {  	s28 =	simm.s32 $0x0;
	s26 =	simm.s32 $0x0;
	s2 =	rddreg [dreg:$0x1f]  }
0x22e: {  	[hbm4b:s2+s0] =	stream.linear.scatter [tilespmem:s10], [sflag:$0xD], $0x4000, $0x38;
	[tilespmem:$0x1C000] =	vst v63  }
0x22f: {  	s2 =	sand.u32 $0x2000, s26;
	s0 =	sand.u32 $0x1C00, s0;
	_ =	swait.ge [sflag:s21], $0x4000  }
0x230: {  	s26 =	sand.u32 $0x380, s28;
	s0 =	sor.u32 s0, s2;
	[sflag:s21] =	ssyncset.done $0x0  }
0x231: {  	s29 =	sor.u32 s26, s0;
	[sflag:s21] =	ssyncadd.s32 $0xFFFFC000  }
0x232: {  	v0 =	vld [tilespmem:s29+$0x18070]  }
0x233: {  	v1 =	vld [tilespmem:s29+$0x18000]  }
0x234: {  	v2 =	vld [tilespmem:s29+$0x18010]  }
0x235: {  	v3 =	vld [tilespmem:s29+$0x18020]  }
0x236: {  	s30 =	simm.s32 $0x400;
	s26 =	simm.s32 $0x80;
	v5 =	vld [tilespmem:s29+$0x18030]  }
0x237: {  	s28 =	simm.s32 $0x10;
	s2 =	sand.u32 $0x1C00, s30;
	s0 =	sand.u32 $0x2000, s26;
	v7 =	vld [tilespmem:s29+$0x18040];
	v0 =	vmul.f32 $3.125000000e-02, v0  }
0x238: {  	s26 =	sand.u32 $0x380, s28;
	s0 =	sor.u32 s2, s0;
	v4 =	vld [tilespmem:s29+$0x18050];
	v1 =	vmul.f32 $3.125000000e-02, v1  }
0x239: {  	s26 =	sor.u32 s26, s0;
	v6 =	vmul.f32 $3.125000000e-02, v2;
	v2 =	vld [tilespmem:s29+$0x18060];
	[tilespmem:s29+$0x18070] =	vst v0  }
0x23a: {  	v8 =	vmul.f32 $3.125000000e-02, v3;
	v0 =	vld [tilespmem:s26+$0x18070];
	[tilespmem:s29+$0x18000] =	vst v1  }
0x23b: {  	v1 =	vld [tilespmem:s26+$0x18000];
	[tilespmem:s29+$0x18010] =	vst v6;
	v6 =	vmul.f32 $3.125000000e-02, v5  }
0x23c: {  	s31 =	simm.s32 $0x8;
	v3 =	vld [tilespmem:s26+$0x18010];
	[tilespmem:s29+$0x18020] =	vst v8;
	v5 =	vmul.f32 $3.125000000e-02, v7  }
.LBB2_28:
0x23d: {  	s31 =	sadd.s32 $0x8, s31;
	v7 =	vld [tilespmem:s26+$0x18020];
	[tilespmem:s29+$0x18030] =	vst v6;
	v4 =	vmul.f32 $3.125000000e-02, v4  }
0x23e: {  	s30 =	sadd.s32 $0x400, s30;
	s0 =	sshll.u32 s31, $0x4;
	p0 =	slt.u32 s31, $0x3F8;
	v6 =	vld [tilespmem:s26+$0x18030];
	[tilespmem:s29+$0x18040] =	vst v5;
	v2 =	vmul.f32 $3.125000000e-02, v2  }
0x23f: {  	s2 =	sand.u32 $0x1C00, s30;
	s28 =	sshll.u32 s31, $0x1;
	s0 =	sand.u32 $0x2000, s0;
	v5 =	vld [tilespmem:s26+$0x18040];
	v0 =	vmul.f32 $3.125000000e-02, v0;
	[tilespmem:s29+$0x18050] =	vst v4  }
.Ltmp13:
0x240: {  	s28 =	sand.u32 $0x380, s28;
	s0 =	sor.u32 s2, s0;
	v1 =	vmul.f32 $3.125000000e-02, v1;
	v4 =	vld [tilespmem:s26+$0x18050];
	[tilespmem:s29+$0x18060] =	vst v2;
	(pc) =	sbr.rel @p0 .LBB2_28-.Ltmp13, $4  }
0x241: {  	s29 =	smov.u32 s26;
	v3 =	vmul.f32 $3.125000000e-02, v3;
	v2 =	vld [tilespmem:s26+$0x18060];
	[tilespmem:s26+$0x18070] =	vst v0;
	s26 =	sor.u32 s28, s0  }
0x242: {  	v0 =	vld [tilespmem:s26+$0x18070];
	[tilespmem:s29+$0x18000] =	vst v1;
	v7 =	vmul.f32 $3.125000000e-02, v7  }
0x243: {  	v1 =	vld [tilespmem:s26+$0x18000];
	[tilespmem:s29+$0x18010] =	vst v3;
	v6 =	vmul.f32 $3.125000000e-02, v6  }
0x244: {  	v3 =	vld [tilespmem:s26+$0x18010];
	[tilespmem:s29+$0x18020] =	vst v7;
	v5 =	vmul.f32 $3.125000000e-02, v5  }
0x245: {  	v7 =	vld [tilespmem:s26+$0x18020];
	[tilespmem:s29+$0x18030] =	vst v6;
	v4 =	vmul.f32 $3.125000000e-02, v4  }
0x246: {  	v6 =	vld [tilespmem:s26+$0x18030];
	[tilespmem:s29+$0x18040] =	vst v5;
	v2 =	vmul.f32 $3.125000000e-02, v2  }
0x247: {  	v5 =	vld [tilespmem:s26+$0x18040];
	v0 =	vmul.f32 $3.125000000e-02, v0;
	[tilespmem:s29+$0x18050] =	vst v4  }
0x248: {  	v4 =	vld [tilespmem:s26+$0x18050];
	v1 =	vmul.f32 $3.125000000e-02, v1;
	[tilespmem:s29+$0x18060] =	vst v2  }
0x249: {  	v2 =	vmul.f32 $3.125000000e-02, v3;
	v3 =	vld [tilespmem:s26+$0x18060];
	[tilespmem:s26+$0x18070] =	vst v0  }
0x24a: {  	[tilespmem:s26+$0x18000] =	vst v1;
	v0 =	vmul.f32 $3.125000000e-02, v7  }
0x24b: {  	v1 =	vmul.f32 $3.125000000e-02, v6;
	[tilespmem:s26+$0x18010] =	vst v2  }
0x24c: {  	[tilespmem:s26+$0x18020] =	vst v0;
	v0 =	vmul.f32 $3.125000000e-02, v5  }
0x24d: {  	[tilespmem:s26+$0x18030] =	vst v1;
	v1 =	vmul.f32 $3.125000000e-02, v4  }
0x24e: {  	[tilespmem:s26+$0x18040] =	vst v0;
	v0 =	vmul.f32 $3.125000000e-02, v3  }
0x24f: {  	[tilespmem:s26+$0x18050] =	vst v1  }
0x250: {  	[tilespmem:s26+$0x18060] =	vst v0  }
0x251: {  	s2 =	sld [smem:$0x7FC];
	_ =	sdelay $0x1  }
0x252: {  	s0 =	simm.s32 $0x0;
	s28 =	simm.s32 $0x0;
	s26 =	simm.s32 $0x0  }
0x253: {  	[hbm4b:s2+s0] =	stream.linear.scatter [tilespmem:s12], [sflag:$0xE], $0x4000, $0x38;
	[tilespmem:$0x1C000] =	vst v63  }
0x254: {  	s2 =	sand.u32 $0x2000, s26;
	s0 =	sand.u32 $0x1C00, s0;
	_ =	swait.ge [sflag:s9], $0x4000  }
0x255: {  	s26 =	sand.u32 $0x380, s28;
	s0 =	sor.u32 s0, s2;
	[sflag:s9] =	ssyncset.done $0x0  }
0x256: {  	s29 =	sor.u32 s26, s0;
	[sflag:s9] =	ssyncadd.s32 $0xFFFFC000  }
0x257: {  	v0 =	vld [tilespmem:s29+$0x70]  }
0x258: {  	v1 =	vld [tilespmem:s29+$0x0]  }
0x259: {  	v2 =	vld [tilespmem:s29+$0x10]  }
0x25a: {  	v3 =	vld [tilespmem:s29+$0x20]  }
0x25b: {  	s30 =	simm.s32 $0x400;
	s26 =	simm.s32 $0x80;
	v5 =	vld [tilespmem:s29+$0x30]  }
0x25c: {  	s28 =	simm.s32 $0x10;
	s2 =	sand.u32 $0x1C00, s30;
	s0 =	sand.u32 $0x2000, s26;
	v7 =	vld [tilespmem:s29+$0x40];
	v0 =	vmul.f32 $3.125000000e-02, v0  }
0x25d: {  	s26 =	sand.u32 $0x380, s28;
	s0 =	sor.u32 s2, s0;
	v4 =	vld [tilespmem:s29+$0x50];
	v1 =	vmul.f32 $3.125000000e-02, v1  }
0x25e: {  	s26 =	sor.u32 s26, s0;
	v6 =	vmul.f32 $3.125000000e-02, v2;
	v2 =	vld [tilespmem:s29+$0x60];
	[tilespmem:s29+$0x70] =	vst v0  }
0x25f: {  	v8 =	vmul.f32 $3.125000000e-02, v3;
	v0 =	vld [tilespmem:s26+$0x70];
	[tilespmem:s29+$0x0] =	vst v1  }
0x260: {  	v1 =	vld [tilespmem:s26+$0x0];
	[tilespmem:s29+$0x10] =	vst v6;
	v6 =	vmul.f32 $3.125000000e-02, v5  }
0x261: {  	s31 =	simm.s32 $0x8;
	v3 =	vld [tilespmem:s26+$0x10];
	[tilespmem:s29+$0x20] =	vst v8;
	v5 =	vmul.f32 $3.125000000e-02, v7  }
.LBB2_30:
0x262: {  	s31 =	sadd.s32 $0x8, s31;
	v7 =	vld [tilespmem:s26+$0x20];
	[tilespmem:s29+$0x30] =	vst v6;
	v4 =	vmul.f32 $3.125000000e-02, v4  }
0x263: {  	s30 =	sadd.s32 $0x400, s30;
	s0 =	sshll.u32 s31, $0x4;
	p0 =	slt.u32 s31, $0x3F8;
	v6 =	vld [tilespmem:s26+$0x30];
	[tilespmem:s29+$0x40] =	vst v5;
	v2 =	vmul.f32 $3.125000000e-02, v2  }
0x264: {  	s2 =	sand.u32 $0x1C00, s30;
	s28 =	sshll.u32 s31, $0x1;
	s0 =	sand.u32 $0x2000, s0;
	v5 =	vld [tilespmem:s26+$0x40];
	v0 =	vmul.f32 $3.125000000e-02, v0;
	[tilespmem:s29+$0x50] =	vst v4  }
.Ltmp14:
0x265: {  	s28 =	sand.u32 $0x380, s28;
	s0 =	sor.u32 s2, s0;
	v1 =	vmul.f32 $3.125000000e-02, v1;
	v4 =	vld [tilespmem:s26+$0x50];
	[tilespmem:s29+$0x60] =	vst v2;
	(pc) =	sbr.rel @p0 .LBB2_30-.Ltmp14, $4  }
0x266: {  	s29 =	smov.u32 s26;
	v3 =	vmul.f32 $3.125000000e-02, v3;
	v2 =	vld [tilespmem:s26+$0x60];
	[tilespmem:s26+$0x70] =	vst v0;
	s26 =	sor.u32 s28, s0  }
0x267: {  	v0 =	vld [tilespmem:s26+$0x70];
	[tilespmem:s29+$0x0] =	vst v1;
	v7 =	vmul.f32 $3.125000000e-02, v7  }
0x268: {  	v1 =	vld [tilespmem:s26+$0x0];
	[tilespmem:s29+$0x10] =	vst v3;
	v6 =	vmul.f32 $3.125000000e-02, v6  }
0x269: {  	v3 =	vld [tilespmem:s26+$0x10];
	[tilespmem:s29+$0x20] =	vst v7;
	v5 =	vmul.f32 $3.125000000e-02, v5  }
0x26a: {  	v7 =	vld [tilespmem:s26+$0x20];
	[tilespmem:s29+$0x30] =	vst v6;
	v4 =	vmul.f32 $3.125000000e-02, v4  }
0x26b: {  	v6 =	vld [tilespmem:s26+$0x30];
	[tilespmem:s29+$0x40] =	vst v5;
	v2 =	vmul.f32 $3.125000000e-02, v2  }
0x26c: {  	v5 =	vld [tilespmem:s26+$0x40];
	v0 =	vmul.f32 $3.125000000e-02, v0;
	[tilespmem:s29+$0x50] =	vst v4  }
0x26d: {  	v4 =	vld [tilespmem:s26+$0x50];
	v1 =	vmul.f32 $3.125000000e-02, v1;
	[tilespmem:s29+$0x60] =	vst v2  }
0x26e: {  	v2 =	vmul.f32 $3.125000000e-02, v3;
	v3 =	vld [tilespmem:s26+$0x60];
	[tilespmem:s26+$0x70] =	vst v0  }
0x26f: {  	[tilespmem:s26+$0x0] =	vst v1;
	v0 =	vmul.f32 $3.125000000e-02, v7  }
0x270: {  	v1 =	vmul.f32 $3.125000000e-02, v6;
	[tilespmem:s26+$0x10] =	vst v2  }
0x271: {  	[tilespmem:s26+$0x20] =	vst v0;
	v0 =	vmul.f32 $3.125000000e-02, v5  }
0x272: {  	[tilespmem:s26+$0x30] =	vst v1;
	v1 =	vmul.f32 $3.125000000e-02, v4  }
0x273: {  	[tilespmem:s26+$0x40] =	vst v0;
	v0 =	vmul.f32 $3.125000000e-02, v3  }
0x274: {  	[tilespmem:s26+$0x50] =	vst v1  }
0x275: {  	[tilespmem:s26+$0x60] =	vst v0  }
0x276: {  	s2 =	sld [smem:$0x7FD];
	_ =	sdelay $0x1  }
0x277: {  	s0 =	simm.s32 $0x0;
	s28 =	simm.s32 $0x0;
	s26 =	simm.s32 $0x0  }
0x278: {  	[hbm4b:s2+s0] =	stream.linear.scatter [tilespmem:s0], [sflag:$0x8], $0x4000, $0x38;
	[tilespmem:$0x1C000] =	vst v63  }
0x279: {  	s2 =	sand.u32 $0x2000, s26;
	s0 =	sand.u32 $0x1C00, s0;
	_ =	swait.ge [sflag:s11], $0x4000  }
0x27a: {  	s26 =	sand.u32 $0x380, s28;
	s0 =	sor.u32 s0, s2;
	[sflag:s11] =	ssyncset.done $0x0  }
0x27b: {  	s29 =	sor.u32 s26, s0;
	[sflag:s11] =	ssyncadd.s32 $0xFFFFC000  }
0x27c: {  	v0 =	vld [tilespmem:s29+$0x4070]  }
0x27d: {  	v1 =	vld [tilespmem:s29+$0x4000]  }
0x27e: {  	v2 =	vld [tilespmem:s29+$0x4010]  }
0x27f: {  	v3 =	vld [tilespmem:s29+$0x4020]  }
0x280: {  	s30 =	simm.s32 $0x400;
	s26 =	simm.s32 $0x80;
	v5 =	vld [tilespmem:s29+$0x4030]  }
0x281: {  	s28 =	simm.s32 $0x10;
	s2 =	sand.u32 $0x1C00, s30;
	s0 =	sand.u32 $0x2000, s26;
	v7 =	vld [tilespmem:s29+$0x4040];
	v0 =	vmul.f32 $3.125000000e-02, v0  }
0x282: {  	s26 =	sand.u32 $0x380, s28;
	s0 =	sor.u32 s2, s0;
	v4 =	vld [tilespmem:s29+$0x4050];
	v1 =	vmul.f32 $3.125000000e-02, v1  }
0x283: {  	s26 =	sor.u32 s26, s0;
	v6 =	vmul.f32 $3.125000000e-02, v2;
	v2 =	vld [tilespmem:s29+$0x4060];
	[tilespmem:s29+$0x4070] =	vst v0  }
0x284: {  	v8 =	vmul.f32 $3.125000000e-02, v3;
	v0 =	vld [tilespmem:s26+$0x4070];
	[tilespmem:s29+$0x4000] =	vst v1  }
0x285: {  	v1 =	vld [tilespmem:s26+$0x4000];
	[tilespmem:s29+$0x4010] =	vst v6;
	v6 =	vmul.f32 $3.125000000e-02, v5  }
0x286: {  	s31 =	simm.s32 $0x8;
	v3 =	vld [tilespmem:s26+$0x4010];
	[tilespmem:s29+$0x4020] =	vst v8;
	v5 =	vmul.f32 $3.125000000e-02, v7  }
.LBB2_32:
0x287: {  	s31 =	sadd.s32 $0x8, s31;
	v7 =	vld [tilespmem:s26+$0x4020];
	[tilespmem:s29+$0x4030] =	vst v6;
	v4 =	vmul.f32 $3.125000000e-02, v4  }
0x288: {  	s30 =	sadd.s32 $0x400, s30;
	s0 =	sshll.u32 s31, $0x4;
	p0 =	slt.u32 s31, $0x3F8;
	v6 =	vld [tilespmem:s26+$0x4030];
	[tilespmem:s29+$0x4040] =	vst v5;
	v2 =	vmul.f32 $3.125000000e-02, v2  }
0x289: {  	s2 =	sand.u32 $0x1C00, s30;
	s28 =	sshll.u32 s31, $0x1;
	s0 =	sand.u32 $0x2000, s0;
	v5 =	vld [tilespmem:s26+$0x4040];
	v0 =	vmul.f32 $3.125000000e-02, v0;
	[tilespmem:s29+$0x4050] =	vst v4  }
.Ltmp15:
0x28a: {  	s28 =	sand.u32 $0x380, s28;
	s0 =	sor.u32 s2, s0;
	v1 =	vmul.f32 $3.125000000e-02, v1;
	v4 =	vld [tilespmem:s26+$0x4050];
	[tilespmem:s29+$0x4060] =	vst v2;
	(pc) =	sbr.rel @p0 .LBB2_32-.Ltmp15, $4  }
0x28b: {  	s29 =	smov.u32 s26;
	v3 =	vmul.f32 $3.125000000e-02, v3;
	v2 =	vld [tilespmem:s26+$0x4060];
	[tilespmem:s26+$0x4070] =	vst v0;
	s26 =	sor.u32 s28, s0  }
0x28c: {  	v0 =	vld [tilespmem:s26+$0x4070];
	[tilespmem:s29+$0x4000] =	vst v1;
	v7 =	vmul.f32 $3.125000000e-02, v7  }
0x28d: {  	v1 =	vld [tilespmem:s26+$0x4000];
	[tilespmem:s29+$0x4010] =	vst v3;
	v6 =	vmul.f32 $3.125000000e-02, v6  }
0x28e: {  	v3 =	vld [tilespmem:s26+$0x4010];
	[tilespmem:s29+$0x4020] =	vst v7;
	v5 =	vmul.f32 $3.125000000e-02, v5  }
0x28f: {  	v7 =	vld [tilespmem:s26+$0x4020];
	[tilespmem:s29+$0x4030] =	vst v6;
	v4 =	vmul.f32 $3.125000000e-02, v4  }
0x290: {  	v54 =	vld [tilespmem:s26+$0x4030];
	[tilespmem:s29+$0x4040] =	vst v5;
	v2 =	vmul.f32 $3.125000000e-02, v2  }
0x291: {  	v55 =	vld [tilespmem:s26+$0x4040];
	v0 =	vmul.f32 $3.125000000e-02, v0;
	[tilespmem:s29+$0x4050] =	vst v4  }
0x292: {  	v56 =	vld [tilespmem:s26+$0x4050];
	v1 =	vmul.f32 $3.125000000e-02, v1;
	[tilespmem:s29+$0x4060] =	vst v2  }
0x293: {  	v58 =	vld [tilespmem:s26+$0x4060];
	v57 =	vmul.f32 $3.125000000e-02, v3;
	[tilespmem:s26+$0x4070] =	vst v0  }
0x294: {  	[tilespmem:s26+$0x4000] =	vst v1;
	v59 =	vmul.f32 $3.125000000e-02, v7  }
0x295: {  	v60 =	vmul.f32 $3.125000000e-02, v54;
	[tilespmem:s26+$0x4010] =	vst v57  }
0x296: {  	v61 =	vmul.f32 $3.125000000e-02, v55;
	[tilespmem:s26+$0x4020] =	vst v59  }
0x297: {  	v62 =	vmul.f32 $3.125000000e-02, v56;
	[tilespmem:s26+$0x4030] =	vst v60  }
0x298: {  	v63 =	vmul.f32 $3.125000000e-02, v58;
	[tilespmem:s26+$0x4040] =	vst v61  }
0x299: {  	[tilespmem:s26+$0x4050] =	vst v62  }
0x29a: {  	[tilespmem:s26+$0x4060] =	vst v63  }
0x29b: {  	[hbm4b:s3+s1] =	stream.linear.scatter [tilespmem:s5], [sflag:$0x9], $0x4000, $0x38;
	[tilespmem:$0x1C000] =	vst v63  }
0x29c: {  	_ =	swait.ge [sflag:s18], $0x4000  }
0x29d: {  	[sflag:s18] =	ssyncset.done $0x0  }
0x29e: {  	[sflag:s18] =	ssyncadd.s32 $0xFFFFC000  }
0x29f: {  	_ =	swait.ge [sflag:s20], $0x4000  }
0x2a0: {  	[sflag:s20] =	ssyncset.done $0x0  }
0x2a1: {  	[sflag:s20] =	ssyncadd.s32 $0xFFFFC000  }
0x2a2: {  	_ =	swait.ge [sflag:s22], $0x4000  }
0x2a3: {  	[sflag:s22] =	ssyncset.done $0x0  }
0x2a4: {  	[sflag:s22] =	ssyncadd.s32 $0xFFFFC000  }
0x2a5: {  	_ =	swait.ge [sflag:s23], $0x4000  }
0x2a6: {  	[sflag:s23] =	ssyncset.done $0x0  }
0x2a7: {  	[sflag:s23] =	ssyncadd.s32 $0xFFFFC000  }
0x2a8: {  	_ =	swait.ge [sflag:s24], $0x4000  }
0x2a9: {  	[sflag:s24] =	ssyncset.done $0x0  }
0x2aa: {  	s25 =	sadd.s32 $0x1, s25;
	[sflag:s24] =	ssyncadd.s32 $0xFFFFC000  }
0x2ab: {  	p0 =	sne.s32 s25, s4;
	_ =	swait.ge [sflag:s14], $0x4000  }
.Ltmp16:
0x2ac: {  	[sflag:s14] =	ssyncset.done $0x0;
	(pc) =	sbr.rel @p0 .LBB2_1-.Ltmp16, $4  }
0x2ad: {  	[sflag:s14] =	ssyncadd.s32 $0xFFFFC000  }
0x2ae: {  	_ =	swait.ge [sflag:s16], $0x4000  }
0x2af: {  	[sflag:s16] =	ssyncset.done $0x0  }
0x2b0: {  	[sflag:s16] =	ssyncadd.s32 $0xFFFFC000  }
0x2b1: {  	_ =	sfence.sel $0x180000  }
0x2b2: {  	[bflag:$0x0] =	sbarrier.arrive $0xFFFF  }
0x2b3: {  	_ =	strace $0x90000047  }
0x2b4: {  	s0 =	stileid.u32;
	[bflag:$0x2] =	sbarrier.arrive $0xFFFF  }
0x2b5: {  	p0 =	sne.s32 s0, $0x0;
	s0 =	rddreg [dreg:$0x2]  }
0x2b6: {  	s0 =	sadd.s32 @!p0 $0x100000, s0  }
0x2b7: {  	[sflag:s0] =	ssyncadd.tile.s32 @!p0 $0x1;
	_ =	shalt  }
.Lfunc_end2:
_tile_overlayer_lowered:
.L_overlay_start_2:
0x2b8: {  	(tag) =	ssettag $0x2  }
0x2b9: {  	s0 =	rddreg [dreg:$0x0];
	s2 =	stileid.u32  }
0x2ba: {  	s1 =	rddreg [dreg:$0x1];
	p0 =	sne.s32 s2, $0x0  }
0x2bb: {  	s3 =	rddreg [dreg:$0x2];
	[bflag:$0x3] =	sbarrier.arrive $0xFFFF;
	s2 =	simm.s32 @!p0 $0x1C0F  }
0x2bc: {  	[timem:s3], [sflag:s2] =	dma.local @!p0 [hbm:s0], s1  }
0x2bd: {  	s0 =	simm.s32 @!p0 $0xF  }
0x2be: {  	_ =	swait.ge @!p0 [sflag:s0], s1  }
0x2bf: {  	s1 =	ssub.s32 @!p0 $0x0, s1;
	[sflag:s0] =	ssyncset.done @!p0 $0x0  }
0x2c0: {  	[sflag:s0] =	ssyncadd.s32 @!p0 s1  }
0x2c1: {  	[bflag:$0x3] =	sbarrier.arrive $0xFFFF  }
0x2c2: {  	_ =	shalt  }

</sc_bundles>
